<compile_context>
chip_gen: v7x
topology: tpu7x:2x2x1
jax: 0.10.2.dev20260603
libtpu: 0.0.44.dev20260713+nightly
codegen_flags: <defaults>
</compile_context>

<pallas_src>
import functools

import jax
import jax.numpy as jnp
import numpy as np
from jax import lax
from jax.experimental import pallas as pl
from jax.experimental.pallas import tpu as pltpu
from jax.experimental.pallas import tpu_sc as plsc

_N = 10000
_E = 320000
_H = 128
_RBF = 16
_CUTOFF = 5.0
_LOG2 = float(np.log(2.0))
_LOG2E = float(np.log2(np.e))
_LN2 = float(np.log(2.0))
_EC = (1.0000072832543414, 0.6929312891618595, 0.24171026247088204,
       0.05166687743062185, 0.013676531087903416)
_LC = (8.116678753436612e-07, 1.442633690941714, -0.7202026916612381,
       0.4717218708231972, -0.3214835300848357, 0.18865272272011413,
       -0.0759208939439037, 0.014598605533668355)

_NC = 2
_NS = 16
_NW = _NC * _NS
_C = 64
_CHUNKS = _E // _C
_BCH = _CHUNKS // _NW
_XW = _CHUNKS % _NW
_RPT = 624
_TAIL = _N - _NS * _RPT


def _wf_body(ea_ref, ew_ref, w1_ref, b1_ref, w2_ref, b2_ref,
             o_ref, cut_ref):
    v = lax.dot_general(ea_ref[...], w1_ref[...],
                        (((0,), (0,)), ((), ())),
                        preferred_element_type=jnp.float32)
    v = v + b1_ref[...]
    v = jnp.maximum(v, 0.0) + jnp.log(1.0 + jnp.exp(-jnp.abs(v))) - _LOG2
    v = jnp.dot(v, w2_ref[...], preferred_element_type=jnp.float32) + b2_ref[...]
    o_ref[...] = v

    @pl.when(pl.program_id(0) == 0)
    def _():
        cut_ref[...] = 0.5 * (jnp.cos(ew_ref[...] * (np.pi / _CUTOFF)) + 1.0)


def _filters(edge_attr, edge_weight, fnet_w1, fnet_b1, fnet_w2, fnet_b2):
    be = 6400
    grid = (_E // be,)
    return pl.pallas_call(
        _wf_body,
        grid=grid,
        in_specs=[
            pl.BlockSpec((_RBF, be), lambda i: (0, i)),
            pl.BlockSpec((_CHUNKS, _C), lambda i: (0, 0)),
            pl.BlockSpec((_RBF, _H), lambda i: (0, 0)),
            pl.BlockSpec((1, _H), lambda i: (0, 0)),
            pl.BlockSpec((_H, _H), lambda i: (0, 0)),
            pl.BlockSpec((1, _H), lambda i: (0, 0)),
        ],
        out_specs=[
            pl.BlockSpec((be, _H), lambda i: (i, 0)),
            pl.BlockSpec((_CHUNKS, _C), lambda i: (0, 0)),
        ],
        out_shape=[
            jax.ShapeDtypeStruct((_E, _H), jnp.float32),
            jax.ShapeDtypeStruct((_CHUNKS, _C), jnp.float32),
        ],
    )(edge_attr.T, edge_weight.reshape(_CHUNKS, _C), fnet_w1,
      fnet_b1.reshape(1, _H), fnet_w2, fnet_b2.reshape(1, _H))


def _h_body(x_ref, w_ref, o_ref):
    o_ref[...] = jnp.dot(x_ref[...], w_ref[...],
                         preferred_element_type=jnp.float32)


def _node_transform(x, lin1_w):
    bn = 2000
    return pl.pallas_call(
        _h_body,
        grid=(_N // bn,),
        in_specs=[
            pl.BlockSpec((bn, _H), lambda i: (i, 0)),
            pl.BlockSpec((_H, _H), lambda i: (0, 0)),
        ],
        out_specs=pl.BlockSpec((bn, _H), lambda i: (i, 0)),
        out_shape=jax.ShapeDtypeStruct((_N, _H), jnp.float32),
    )(x, lin1_w)


def _sc_body(h_hbm, wf_hbm, cut_hbm, ei_hbm, zero_hbm, out_hbm,
             src_r, dst_r, cut_r, rows_r, wf_r, agg_sh,
             sem_i, sem_g, sem_w, sem_s):
    cid = lax.axis_index("c")
    sid = lax.axis_index("s")
    wid = sid * _NC + cid
    ch0 = wid * _BCH + jnp.minimum(wid, _XW)
    nch = lax.select(wid < _XW, _BCH + 1, _BCH)

    pltpu.sync_copy(zero_hbm, rows_r.at[0])
    row0 = sid * _RPT
    done = 0
    while done < _RPT:
        ln = min(_C, _RPT - done)
        pltpu.sync_copy(rows_r.at[0, pl.ds(0, ln)],
                        agg_sh.at[pl.ds(row0 + done, ln)])
        done += ln

    @pl.when(sid == _NS - 1)
    def _():
        pltpu.sync_copy(rows_r.at[0, pl.ds(0, _TAIL)],
                        agg_sh.at[pl.ds(_NS * _RPT, _TAIL)])

    plsc.subcore_barrier()

    def issue_idx(k):
        b = lax.rem(k, 5)
        base = (ch0 + k) * _C
        pltpu.async_copy(ei_hbm.at[0, pl.ds(base, _C)], src_r.at[b], sem_i)
        pltpu.async_copy(ei_hbm.at[1, pl.ds(base, _C)], dst_r.at[b], sem_i)
        pltpu.async_copy(cut_hbm.at[ch0 + k], cut_r.at[b], sem_i)

    def wait_idx():
        pltpu.make_async_copy(ei_hbm.at[0, pl.ds(0, _C)], src_r.at[0],
                              sem_i).wait()
        pltpu.make_async_copy(ei_hbm.at[1, pl.ds(0, _C)], dst_r.at[0],
                              sem_i).wait()
        pltpu.make_async_copy(cut_hbm.at[0], cut_r.at[0], sem_i).wait()

    def issue_gather(k):
        pltpu.async_copy(h_hbm.at[src_r.at[lax.rem(k, 5)]],
                         rows_r.at[lax.rem(k, 3)], sem_g)

    def wait_gather():
        pltpu.make_async_copy(h_hbm.at[src_r.at[0]], rows_r.at[0],
                              sem_g).wait()

    def issue_wf(k):
        pltpu.async_copy(wf_hbm.at[pl.ds((ch0 + k) * _C, _C)],
                         wf_r.at[lax.rem(k, 2)], sem_w)

    def wait_wf():
        pltpu.make_async_copy(wf_hbm.at[pl.ds(0, _C)], wf_r.at[0],
                              sem_w).wait()

    def wait_scatter():
        pltpu.make_async_copy(rows_r.at[0], agg_sh.at[dst_r.at[0]],
                              sem_s).wait()

    def compute(b5, b3, b2):
        @plsc.parallel_loop(0, _C, unroll=4)
        def _(e):
            s = cut_r[b5, pl.ds(e, 16)][0]
            for j in range(_H // 16):
                sl = pl.ds(j * 16, 16)
                rows_r[b3, e, sl] = rows_r[b3, e, sl] * (wf_r[b2, e, sl] * s)

    issue_idx(0)
    issue_idx(1)
    issue_idx(2)
    issue_idx(3)
    wait_idx()
    wait_idx()
    issue_gather(0)
    issue_gather(1)
    issue_wf(0)
    issue_wf(1)

    def loop_body(i, carry):
        b5 = lax.rem(i, 5)
        b3 = lax.rem(i, 3)
        b2 = lax.rem(i, 2)
        wait_gather()
        wait_wf()
        compute(b5, b3, b2)
        pltpu.async_copy(rows_r.at[b3], agg_sh.at[dst_r.at[b5]],
                         sem_s, add=True)

        @pl.when(i > 0)
        def _():
            wait_scatter()

        @pl.when(i + 2 < nch)
        def _():
            wait_idx()
            issue_gather(i + 2)
            issue_wf(i + 2)

        @pl.when(i + 4 < nch)
        def _():
            issue_idx(i + 4)

        return carry

    lax.fori_loop(0, nch, loop_body, 0)
    wait_scatter()

    plsc.subcore_barrier()
    pltpu.sync_copy(agg_sh.at[pl.ds(row0, _RPT)],
                    out_hbm.at[cid, pl.ds(row0, _RPT)])

    @pl.when(sid == _NS - 1)
    def _():
        pltpu.sync_copy(agg_sh.at[pl.ds(_NS * _RPT, _TAIL)],
                        out_hbm.at[cid, pl.ds(_NS * _RPT, _TAIL)])


def _aggregate(h, wf, cut, edge_index):
    mesh = plsc.VectorSubcoreMesh(core_axis_name="c", subcore_axis_name="s")
    call = functools.partial(
        pl.kernel,
        out_type=jax.ShapeDtypeStruct((_NC, _N, _H), jnp.float32),
        mesh=mesh,
        scratch_types=[
            pltpu.VMEM((5, _C), jnp.int32),
            pltpu.VMEM((5, _C), jnp.int32),
            pltpu.VMEM((6, _C), jnp.float32),
            pltpu.VMEM((3, _C, _H), jnp.float32),
            pltpu.VMEM((2, _C, _H), jnp.float32),
            pltpu.VMEM_SHARED((_N, _H), jnp.float32),
            pltpu.SemaphoreType.DMA,
            pltpu.SemaphoreType.DMA,
            pltpu.SemaphoreType.DMA,
            pltpu.SemaphoreType.DMA,
        ],
    )(_sc_body)
    zero = jnp.zeros((_C, _H), jnp.float32)
    return call(h, wf, cut, edge_index, zero)


def _out_body(a_ref, w2_ref, b2_ref, w3_ref, b3_ref, o_ref):
    a = a_ref[0] + a_ref[1]
    t = jnp.dot(a, w2_ref[...], preferred_element_type=jnp.float32)
    t = jnp.tanh(t + b2_ref[...])
    o_ref[...] = jnp.dot(t, w3_ref[...],
                         preferred_element_type=jnp.float32) + b3_ref[...]


def _tail(agg2, lin2_w, lin2_b, lin_w, lin_b):
    bn = 2000
    return pl.pallas_call(
        _out_body,
        grid=(_N // bn,),
        in_specs=[
            pl.BlockSpec((_NC, bn, _H), lambda i: (0, i, 0)),
            pl.BlockSpec((_H, _H), lambda i: (0, 0)),
            pl.BlockSpec((1, _H), lambda i: (0, 0)),
            pl.BlockSpec((_H, _H), lambda i: (0, 0)),
            pl.BlockSpec((1, _H), lambda i: (0, 0)),
        ],
        out_specs=pl.BlockSpec((bn, _H), lambda i: (i, 0)),
        out_shape=jax.ShapeDtypeStruct((_N, _H), jnp.float32),
    )(agg2, lin2_w, lin2_b.reshape(1, _H), lin_w, lin_b.reshape(1, _H))


def kernel(x, edge_index, edge_weight, edge_attr, atom_types, seq_neighs,
           lin1_w, fnet_w1, fnet_b1, fnet_w2, fnet_b2, lin2_w, lin2_b,
           lin_w, lin_b):
    wf, cut = _filters(edge_attr, edge_weight, fnet_w1, fnet_b1,
                       fnet_w2, fnet_b2)
    h = _node_transform(x, lin1_w)
    agg2 = _aggregate(h, wf, cut, edge_index)
    return _tail(agg2, lin2_w, lin2_b, lin_w, lin_b)

# --- scband reference (transcript-rebuilt; emitter-appended) ---
"""Pipeline reference for scband-interaction-block-31559419691084 (READ-ONLY COPY).

The authoritative reference and input builder live on the scoring server;
editing this copy changes nothing except your own understanding.
"""

import jax, jax.numpy as jnp
import numpy as np

N = 10000
E = 320000
H = 128
NUM_RBF = 16
CUTOFF = 5.0


def shifted_softplus(v):
    return jax.nn.softplus(v) - jnp.log(2.0)


def setup_inputs(seed: int = 0) -> dict:
    key = jax.random.key(seed)
    ks = jax.random.split(key, 16)
    x = jax.random.normal(ks[0], (N, H), dtype=jnp.float32)
    edge_index = jax.random.randint(ks[1], (2, E), 0, N, dtype=jnp.int32)
    edge_weight = jax.random.uniform(ks[2], (E,), dtype=jnp.float32) * CUTOFF
    edge_attr = jax.random.uniform(ks[3], (E, NUM_RBF), dtype=jnp.float32)
    atom_types = jax.random.randint(ks[4], (N,), 0, 100, dtype=jnp.int32)
    seq_neighs = jax.random.randint(ks[5], (N, 2), 0, N, dtype=jnp.int32)
    # CFConv params (standard SchNet): lin1 (no bias), filter net (2-layer MLP on edge_attr), lin2
    lin1_w = jax.random.normal(ks[6], (H, H), dtype=jnp.float32) / np.sqrt(H)
    fnet_w1 = jax.random.normal(ks[7], (NUM_RBF, H), dtype=jnp.float32) / np.sqrt(NUM_RBF)
    fnet_b1 = jnp.zeros((H,), dtype=jnp.float32)
    fnet_w2 = jax.random.normal(ks[8], (H, H), dtype=jnp.float32) / np.sqrt(H)
    fnet_b2 = jnp.zeros((H,), dtype=jnp.float32)
    lin2_w = jax.random.normal(ks[9], (H, H), dtype=jnp.float32) / np.sqrt(H)
    lin2_b = jnp.zeros((H,), dtype=jnp.float32)
    # InteractionBlock's output linear
    lin_w = jax.random.normal(ks[10], (H, H), dtype=jnp.float32) / np.sqrt(H)
    lin_b = jnp.zeros((H,), dtype=jnp.float32)
    return {
        "x": x, "edge_index": edge_index, "edge_weight": edge_weight,
        "edge_attr": edge_attr, "atom_types": atom_types, "seq_neighs": seq_neighs,
        "lin1_w": lin1_w, "fnet_w1": fnet_w1, "fnet_b1": fnet_b1,
        "fnet_w2": fnet_w2, "fnet_b2": fnet_b2, "lin2_w": lin2_w, "lin2_b": lin2_b,
        "lin_w": lin_w, "lin_b": lin_b,
    }


def reference(x, edge_index, edge_weight, edge_attr, atom_types, seq_neighs,
              lin1_w, fnet_w1, fnet_b1, fnet_w2, fnet_b2, lin2_w, lin2_b,
              lin_w, lin_b):
    src = edge_index[0]
    dst = edge_index[1]
    # CFConv: filter generation from RBF-expanded distances with cosine cutoff
    cut = 0.5 * (jnp.cos(edge_weight * jnp.pi / CUTOFF) + 1.0)
    Wf = shifted_softplus(edge_attr @ fnet_w1 + fnet_b1)
    Wf = Wf @ fnet_w2 + fnet_b2
    Wf = Wf * cut[:, None]
    # atomwise transform, gather messages from source nodes
    h = x @ lin1_w
    msg = jnp.take(h, src, axis=0) * Wf
    # scatter-add aggregation at destination nodes
    agg = jax.ops.segment_sum(msg, dst, num_segments=x.shape[0])
    h2 = agg @ lin2_w + lin2_b
    # InteractionBlock: activation (Tanh) then linear
    h2 = jnp.tanh(h2)
    out = h2 @ lin_w + lin_b
    return out

if __name__ == "__main__":
    import jax
    _d = setup_inputs()
    print(jax.jit(kernel)(*tuple(_d.values())))

</pallas_src>

<mosaic_0001>
#map = affine_map<(d0, d1) -> (0, 0)>
#map1 = affine_map<(d0, d1) -> (0, 0, 0)>
module attributes {stable_mosaic.version = 14 : i64} {
  func.func @_sc_body(%arg0: i32, %arg1: i32, %arg2: memref<10000x128xf32, #tpu.memory_space<hbm>>, %arg3: memref<320000x128xf32, #tpu.memory_space<hbm>>, %arg4: memref<5000x64xf32, #tpu.memory_space<hbm>>, %arg5: memref<2x320000xi32, #tpu.memory_space<hbm>>, %arg6: memref<64x128xf32, #tpu.memory_space<hbm>>, %arg7: memref<2x10000x128xf32, #tpu.memory_space<hbm>>, %arg8: memref<5x64xi32, #tpu.memory_space<vmem>>, %arg9: memref<5x64xi32, #tpu.memory_space<vmem>>, %arg10: memref<6x64xf32, #tpu.memory_space<vmem>>, %arg11: memref<3x64x128xf32, #tpu.memory_space<vmem>>, %arg12: memref<2x64x128xf32, #tpu.memory_space<vmem>>, %arg13: memref<10000x128xf32, #tpu.memory_space<vmem_shared>>, %arg14: memref<!tpu.dma_semaphore, #tpu.memory_space<semaphore_mem>>, %arg15: memref<!tpu.dma_semaphore, #tpu.memory_space<semaphore_mem>>, %arg16: memref<!tpu.dma_semaphore, #tpu.memory_space<semaphore_mem>>, %arg17: memref<!tpu.dma_semaphore, #tpu.memory_space<semaphore_mem>>) attributes {dimension_semantics = [#tpu.dimension_semantics<core_parallel>, #tpu.dimension_semantics<subcore_parallel>], iteration_bounds = array<i64: 2, 16>, scalar_prefetch = 0 : i64, scratch_operands = 10 : i64, tpu.core_type = #tpu.core_type<sc_vector_subcore>, window_params = [{transform_indices = #map}, {transform_indices = #map}, {transform_indices = #map}, {transform_indices = #map}, {transform_indices = #map}, {transform_indices = #map1}]} {
    %mul3A = arith.constant 2 : i32
    %mul3A_0 = arith.muli %arg1, %mul3A : i32
    %add3A = arith.addi %mul3A_0, %arg0 : i32
    %mul3A_1 = arith.constant 156 : i32
    %mul3A_2 = arith.muli %add3A, %mul3A_1 : i32
    %min3A = arith.constant 8 : i32
    %min3A_3 = arith.minsi %add3A, %min3A : i32
    %add3A_4 = arith.addi %mul3A_2, %min3A_3 : i32
    %lt3A = arith.constant 8 : i32
    %lt3A_5 = arith.cmpi slt, %add3A, %lt3A : i32
    %select_n3A = arith.constant 156 : i32
    %select_n3A_6 = arith.constant 157 : i32
    %select_n3A_7 = arith.select %lt3A_5, %select_n3A_6, %select_n3A : i32
    %run_scoped3A = arith.constant 0 : i32
    "tpu.region"() ({
      %run_scoped3A_392 = tpu.sem_alloc : memref<!tpu.dma_semaphore, #tpu.memory_space<semaphore_mem>>
      %dma_start3A_393 = arith.constant 0 : i32
      %dma_start3A_394 = arith.constant 0 : i32
      %dma_start3A_395 = tpu.memref_slice %arg11[%run_scoped3A, %dma_start3A_393, %dma_start3A_394] : memref<3x64x128xf32, #tpu.memory_space<vmem>> -> memref<1x64x128xf32, #tpu.memory_space<vmem>>
      %dma_start3A_396 = tpu.memref_squeeze %dma_start3A_395 : memref<1x64x128xf32, #tpu.memory_space<vmem>> -> memref<64x128xf32, #tpu.memory_space<vmem>>
      %dma_start3A_397 = arith.constant 0 : i32
      %dma_start3A_398 = arith.constant 0 : i32
      %dma_start3A_399 = tpu.memref_slice %arg11[%run_scoped3A, %dma_start3A_397, %dma_start3A_398] : memref<3x64x128xf32, #tpu.memory_space<vmem>> -> memref<1x64x128xf32, #tpu.memory_space<vmem>>
      %dma_start3A_400 = tpu.memref_squeeze %dma_start3A_399 : memref<1x64x128xf32, #tpu.memory_space<vmem>> -> memref<64x128xf32, #tpu.memory_space<vmem>>
      tpu.enqueue_dma source(%arg6 : memref<64x128xf32, #tpu.memory_space<hbm>>) target(%dma_start3A_400 : memref<64x128xf32, #tpu.memory_space<vmem>>) target_semaphore(%run_scoped3A_392 : memref<!tpu.dma_semaphore, #tpu.memory_space<semaphore_mem>>)
      %dma_wait3A_401 = arith.constant 0 : i32
      %dma_wait3A_402 = arith.constant 0 : i32
      %dma_wait3A_403 = tpu.memref_slice %arg11[%run_scoped3A, %dma_wait3A_401, %dma_wait3A_402] : memref<3x64x128xf32, #tpu.memory_space<vmem>> -> memref<1x64x128xf32, #tpu.memory_space<vmem>>
      %dma_wait3A_404 = tpu.memref_squeeze %dma_wait3A_403 : memref<1x64x128xf32, #tpu.memory_space<vmem>> -> memref<64x128xf32, #tpu.memory_space<vmem>>
      %dma_wait3A_405 = arith.constant 0 : i32
      %dma_wait3A_406 = arith.constant 0 : i32
      %dma_wait3A_407 = tpu.memref_slice %arg11[%run_scoped3A, %dma_wait3A_405, %dma_wait3A_406] : memref<3x64x128xf32, #tpu.memory_space<vmem>> -> memref<1x64x128xf32, #tpu.memory_space<vmem>>
      %dma_wait3A_408 = tpu.memref_squeeze %dma_wait3A_407 : memref<1x64x128xf32, #tpu.memory_space<vmem>> -> memref<64x128xf32, #tpu.memory_space<vmem>>
      tpu.wait_dma2 semaphore(%run_scoped3A_392 : memref<!tpu.dma_semaphore, #tpu.memory_space<semaphore_mem>>) src(%arg6 : memref<64x128xf32, #tpu.memory_space<hbm>>) dst(%dma_wait3A_408 : memref<64x128xf32, #tpu.memory_space<vmem>>)
      tpu.yield
    }) : () -> ()
    %mul3A_8 = arith.constant 624 : i32
    %mul3A_9 = arith.muli %arg1, %mul3A_8 : i32
    %add3A_10 = arith.constant 0 : i32
    %add3A_11 = arith.addi %mul3A_9, %add3A_10 : i32
    %run_scoped3A_12 = arith.constant 0 : i32
    "tpu.region"() ({
      %run_scoped3A_392 = tpu.sem_alloc : memref<!tpu.dma_semaphore, #tpu.memory_space<semaphore_mem>>
      %dma_start3A_393 = arith.constant 0 : i32
      %dma_start3A_394 = arith.constant 0 : i32
      %dma_start3A_395 = tpu.memref_slice %arg11[%run_scoped3A_12, %dma_start3A_393, %dma_start3A_394] : memref<3x64x128xf32, #tpu.memory_space<vmem>> -> memref<1x64x128xf32, #tpu.memory_space<vmem>>
      %dma_start3A_396 = tpu.memref_squeeze %dma_start3A_395 : memref<1x64x128xf32, #tpu.memory_space<vmem>> -> memref<64x128xf32, #tpu.memory_space<vmem>>
      %dma_start3A_397 = arith.constant 0 : i32
      %dma_start3A_398 = tpu.memref_slice %arg13[%add3A_11, %dma_start3A_397] : memref<10000x128xf32, #tpu.memory_space<vmem_shared>> -> memref<64x128xf32, #tpu.memory_space<vmem_shared>>
      %dma_start3A_399 = arith.constant 0 : i32
      %dma_start3A_400 = tpu.memref_slice %arg13[%add3A_11, %dma_start3A_399] : memref<10000x128xf32, #tpu.memory_space<vmem_shared>> -> memref<64x128xf32, #tpu.memory_space<vmem_shared>>
      %dma_start3A_401 = arith.constant 0 : i32
      %dma_start3A_402 = arith.constant 0 : i32
      %dma_start3A_403 = tpu.memref_slice %arg11[%run_scoped3A_12, %dma_start3A_401, %dma_start3A_402] : memref<3x64x128xf32, #tpu.memory_space<vmem>> -> memref<1x64x128xf32, #tpu.memory_space<vmem>>
      %dma_start3A_404 = tpu.memref_squeeze %dma_start3A_403 : memref<1x64x128xf32, #tpu.memory_space<vmem>> -> memref<64x128xf32, #tpu.memory_space<vmem>>
      tpu.enqueue_dma source(%dma_start3A_404 : memref<64x128xf32, #tpu.memory_space<vmem>>) target(%dma_start3A_400 : memref<64x128xf32, #tpu.memory_space<vmem_shared>>) target_semaphore(%run_scoped3A_392 : memref<!tpu.dma_semaphore, #tpu.memory_space<semaphore_mem>>)
      %dma_wait3A_405 = arith.constant 0 : i32
      %dma_wait3A_406 = arith.constant 0 : i32
      %dma_wait3A_407 = tpu.memref_slice %arg11[%run_scoped3A_12, %dma_wait3A_405, %dma_wait3A_406] : memref<3x64x128xf32, #tpu.memory_space<vmem>> -> memref<1x64x128xf32, #tpu.memory_space<vmem>>
      %dma_wait3A_408 = tpu.memref_squeeze %dma_wait3A_407 : memref<1x64x128xf32, #tpu.memory_space<vmem>> -> memref<64x128xf32, #tpu.memory_space<vmem>>
      %dma_wait3A_409 = arith.constant 0 : i32
      %dma_wait3A_410 = tpu.memref_slice %arg13[%add3A_11, %dma_wait3A_409] : memref<10000x128xf32, #tpu.memory_space<vmem_shared>> -> memref<64x128xf32, #tpu.memory_space<vmem_shared>>
      %dma_wait3A_411 = arith.constant 0 : i32
      %dma_wait3A_412 = tpu.memref_slice %arg13[%add3A_11, %dma_wait3A_411] : memref<10000x128xf32, #tpu.memory_space<vmem_shared>> -> memref<64x128xf32, #tpu.memory_space<vmem_shared>>
      %dma_wait3A_413 = arith.constant 0 : i32
      %dma_wait3A_414 = arith.constant 0 : i32
      %dma_wait3A_415 = tpu.memref_slice %arg11[%run_scoped3A_12, %dma_wait3A_413, %dma_wait3A_414] : memref<3x64x128xf32, #tpu.memory_space<vmem>> -> memref<1x64x128xf32, #tpu.memory_space<vmem>>
      %dma_wait3A_416 = tpu.memref_squeeze %dma_wait3A_415 : memref<1x64x128xf32, #tpu.memory_space<vmem>> -> memref<64x128xf32, #tpu.memory_space<vmem>>
      tpu.wait_dma2 semaphore(%run_scoped3A_392 : memref<!tpu.dma_semaphore, #tpu.memory_space<semaphore_mem>>) src(%dma_wait3A_416 : memref<64x128xf32, #tpu.memory_space<vmem>>) dst(%dma_wait3A_412 : memref<64x128xf32, #tpu.memory_space<vmem_shared>>)
      tpu.yield
    }) : () -> ()
    %add3A_13 = arith.constant 64 : i32
    %add3A_14 = arith.addi %mul3A_9, %add3A_13 : i32
    %run_scoped3A_15 = arith.constant 0 : i32
    "tpu.region"() ({
      %run_scoped3A_392 = tpu.sem_alloc : memref<!tpu.dma_semaphore, #tpu.memory_space<semaphore_mem>>
      %dma_start3A_393 = arith.constant 0 : i32
      %dma_start3A_394 = arith.constant 0 : i32
      %dma_start3A_395 = tpu.memref_slice %arg11[%run_scoped3A_15, %dma_start3A_393, %dma_start3A_394] : memref<3x64x128xf32, #tpu.memory_space<vmem>> -> memref<1x64x128xf32, #tpu.memory_space<vmem>>
      %dma_start3A_396 = tpu.memref_squeeze %dma_start3A_395 : memref<1x64x128xf32, #tpu.memory_space<vmem>> -> memref<64x128xf32, #tpu.memory_space<vmem>>
      %dma_start3A_397 = arith.constant 0 : i32
      %dma_start3A_398 = tpu.memref_slice %arg13[%add3A_14, %dma_start3A_397] : memref<10000x128xf32, #tpu.memory_space<vmem_shared>> -> memref<64x128xf32, #tpu.memory_space<vmem_shared>>
      %dma_start3A_399 = arith.constant 0 : i32
      %dma_start3A_400 = tpu.memref_slice %arg13[%add3A_14, %dma_start3A_399] : memref<10000x128xf32, #tpu.memory_space<vmem_shared>> -> memref<64x128xf32, #tpu.memory_space<vmem_shared>>
      %dma_start3A_401 = arith.constant 0 : i32
      %dma_start3A_402 = arith.constant 0 : i32
      %dma_start3A_403 = tpu.memref_slice %arg11[%run_scoped3A_15, %dma_start3A_401, %dma_start3A_402] : memref<3x64x128xf32, #tpu.memory_space<vmem>> -> memref<1x64x128xf32, #tpu.memory_space<vmem>>
      %dma_start3A_404 = tpu.memref_squeeze %dma_start3A_403 : memref<1x64x128xf32, #tpu.memory_space<vmem>> -> memref<64x128xf32, #tpu.memory_space<vmem>>
      tpu.enqueue_dma source(%dma_start3A_404 : memref<64x128xf32, #tpu.memory_space<vmem>>) target(%dma_start3A_400 : memref<64x128xf32, #tpu.memory_space<vmem_shared>>) target_semaphore(%run_scoped3A_392 : memref<!tpu.dma_semaphore, #tpu.memory_space<semaphore_mem>>)
      %dma_wait3A_405 = arith.constant 0 : i32
      %dma_wait3A_406 = arith.constant 0 : i32
      %dma_wait3A_407 = tpu.memref_slice %arg11[%run_scoped3A_15, %dma_wait3A_405, %dma_wait3A_406] : memref<3x64x128xf32, #tpu.memory_space<vmem>> -> memref<1x64x128xf32, #tpu.memory_space<vmem>>
      %dma_wait3A_408 = tpu.memref_squeeze %dma_wait3A_407 : memref<1x64x128xf32, #tpu.memory_space<vmem>> -> memref<64x128xf32, #tpu.memory_space<vmem>>
      %dma_wait3A_409 = arith.constant 0 : i32
      %dma_wait3A_410 = tpu.memref_slice %arg13[%add3A_14, %dma_wait3A_409] : memref<10000x128xf32, #tpu.memory_space<vmem_shared>> -> memref<64x128xf32, #tpu.memory_space<vmem_shared>>
      %dma_wait3A_411 = arith.constant 0 : i32
      %dma_wait3A_412 = tpu.memref_slice %arg13[%add3A_14, %dma_wait3A_411] : memref<10000x128xf32, #tpu.memory_space<vmem_shared>> -> memref<64x128xf32, #tpu.memory_space<vmem_shared>>
      %dma_wait3A_413 = arith.constant 0 : i32
      %dma_wait3A_414 = arith.constant 0 : i32
      %dma_wait3A_415 = tpu.memref_slice %arg11[%run_scoped3A_15, %dma_wait3A_413, %dma_wait3A_414] : memref<3x64x128xf32, #tpu.memory_space<vmem>> -> memref<1x64x128xf32, #tpu.memory_space<vmem>>
      %dma_wait3A_416 = tpu.memref_squeeze %dma_wait3A_415 : memref<1x64x128xf32, #tpu.memory_space<vmem>> -> memref<64x128xf32, #tpu.memory_space<vmem>>
      tpu.wait_dma2 semaphore(%run_scoped3A_392 : memref<!tpu.dma_semaphore, #tpu.memory_space<semaphore_mem>>) src(%dma_wait3A_416 : memref<64x128xf32, #tpu.memory_space<vmem>>) dst(%dma_wait3A_412 : memref<64x128xf32, #tpu.memory_space<vmem_shared>>)
      tpu.yield
    }) : () -> ()
    %add3A_16 = arith.constant 128 : i32
    %add3A_17 = arith.addi %mul3A_9, %add3A_16 : i32
    %run_scoped3A_18 = arith.constant 0 : i32
    "tpu.region"() ({
      %run_scoped3A_392 = tpu.sem_alloc : memref<!tpu.dma_semaphore, #tpu.memory_space<semaphore_mem>>
      %dma_start3A_393 = arith.constant 0 : i32
      %dma_start3A_394 = arith.constant 0 : i32
      %dma_start3A_395 = tpu.memref_slice %arg11[%run_scoped3A_18, %dma_start3A_393, %dma_start3A_394] : memref<3x64x128xf32, #tpu.memory_space<vmem>> -> memref<1x64x128xf32, #tpu.memory_space<vmem>>
      %dma_start3A_396 = tpu.memref_squeeze %dma_start3A_395 : memref<1x64x128xf32, #tpu.memory_space<vmem>> -> memref<64x128xf32, #tpu.memory_space<vmem>>
      %dma_start3A_397 = arith.constant 0 : i32
      %dma_start3A_398 = tpu.memref_slice %arg13[%add3A_17, %dma_start3A_397] : memref<10000x128xf32, #tpu.memory_space<vmem_shared>> -> memref<64x128xf32, #tpu.memory_space<vmem_shared>>
      %dma_start3A_399 = arith.constant 0 : i32
      %dma_start3A_400 = tpu.memref_slice %arg13[%add3A_17, %dma_start3A_399] : memref<10000x128xf32, #tpu.memory_space<vmem_shared>> -> memref<64x128xf32, #tpu.memory_space<vmem_shared>>
      %dma_start3A_401 = arith.constant 0 : i32
      %dma_start3A_402 = arith.constant 0 : i32
      %dma_start3A_403 = tpu.memref_slice %arg11[%run_scoped3A_18, %dma_start3A_401, %dma_start3A_402] : memref<3x64x128xf32, #tpu.memory_space<vmem>> -> memref<1x64x128xf32, #tpu.memory_space<vmem>>
      %dma_start3A_404 = tpu.memref_squeeze %dma_start3A_403 : memref<1x64x128xf32, #tpu.memory_space<vmem>> -> memref<64x128xf32, #tpu.memory_space<vmem>>
      tpu.enqueue_dma source(%dma_start3A_404 : memref<64x128xf32, #tpu.memory_space<vmem>>) target(%dma_start3A_400 : memref<64x128xf32, #tpu.memory_space<vmem_shared>>) target_semaphore(%run_scoped3A_392 : memref<!tpu.dma_semaphore, #tpu.memory_space<semaphore_mem>>)
      %dma_wait3A_405 = arith.constant 0 : i32
      %dma_wait3A_406 = arith.constant 0 : i32
      %dma_wait3A_407 = tpu.memref_slice %arg11[%run_scoped3A_18, %dma_wait3A_405, %dma_wait3A_406] : memref<3x64x128xf32, #tpu.memory_space<vmem>> -> memref<1x64x128xf32, #tpu.memory_space<vmem>>
      %dma_wait3A_408 = tpu.memref_squeeze %dma_wait3A_407 : memref<1x64x128xf32, #tpu.memory_space<vmem>> -> memref<64x128xf32, #tpu.memory_space<vmem>>
      %dma_wait3A_409 = arith.constant 0 : i32
      %dma_wait3A_410 = tpu.memref_slice %arg13[%add3A_17, %dma_wait3A_409] : memref<10000x128xf32, #tpu.memory_space<vmem_shared>> -> memref<64x128xf32, #tpu.memory_space<vmem_shared>>
      %dma_wait3A_411 = arith.constant 0 : i32
      %dma_wait3A_412 = tpu.memref_slice %arg13[%add3A_17, %dma_wait3A_411] : memref<10000x128xf32, #tpu.memory_space<vmem_shared>> -> memref<64x128xf32, #tpu.memory_space<vmem_shared>>
      %dma_wait3A_413 = arith.constant 0 : i32
      %dma_wait3A_414 = arith.constant 0 : i32
      %dma_wait3A_415 = tpu.memref_slice %arg11[%run_scoped3A_18, %dma_wait3A_413, %dma_wait3A_414] : memref<3x64x128xf32, #tpu.memory_space<vmem>> -> memref<1x64x128xf32, #tpu.memory_space<vmem>>
      %dma_wait3A_416 = tpu.memref_squeeze %dma_wait3A_415 : memref<1x64x128xf32, #tpu.memory_space<vmem>> -> memref<64x128xf32, #tpu.memory_space<vmem>>
      tpu.wait_dma2 semaphore(%run_scoped3A_392 : memref<!tpu.dma_semaphore, #tpu.memory_space<semaphore_mem>>) src(%dma_wait3A_416 : memref<64x128xf32, #tpu.memory_space<vmem>>) dst(%dma_wait3A_412 : memref<64x128xf32, #tpu.memory_space<vmem_shared>>)
      tpu.yield
    }) : () -> ()
    %add3A_19 = arith.constant 192 : i32
    %add3A_20 = arith.addi %mul3A_9, %add3A_19 : i32
    %run_scoped3A_21 = arith.constant 0 : i32
    "tpu.region"() ({
      %run_scoped3A_392 = tpu.sem_alloc : memref<!tpu.dma_semaphore, #tpu.memory_space<semaphore_mem>>
      %dma_start3A_393 = arith.constant 0 : i32
      %dma_start3A_394 = arith.constant 0 : i32
      %dma_start3A_395 = tpu.memref_slice %arg11[%run_scoped3A_21, %dma_start3A_393, %dma_start3A_394] : memref<3x64x128xf32, #tpu.memory_space<vmem>> -> memref<1x64x128xf32, #tpu.memory_space<vmem>>
      %dma_start3A_396 = tpu.memref_squeeze %dma_start3A_395 : memref<1x64x128xf32, #tpu.memory_space<vmem>> -> memref<64x128xf32, #tpu.memory_space<vmem>>
      %dma_start3A_397 = arith.constant 0 : i32
      %dma_start3A_398 = tpu.memref_slice %arg13[%add3A_20, %dma_start3A_397] : memref<10000x128xf32, #tpu.memory_space<vmem_shared>> -> memref<64x128xf32, #tpu.memory_space<vmem_shared>>
      %dma_start3A_399 = arith.constant 0 : i32
      %dma_start3A_400 = tpu.memref_slice %arg13[%add3A_20, %dma_start3A_399] : memref<10000x128xf32, #tpu.memory_space<vmem_shared>> -> memref<64x128xf32, #tpu.memory_space<vmem_shared>>
      %dma_start3A_401 = arith.constant 0 : i32
      %dma_start3A_402 = arith.constant 0 : i32
      %dma_start3A_403 = tpu.memref_slice %arg11[%run_scoped3A_21, %dma_start3A_401, %dma_start3A_402] : memref<3x64x128xf32, #tpu.memory_space<vmem>> -> memref<1x64x128xf32, #tpu.memory_space<vmem>>
      %dma_start3A_404 = tpu.memref_squeeze %dma_start3A_403 : memref<1x64x128xf32, #tpu.memory_space<vmem>> -> memref<64x128xf32, #tpu.memory_space<vmem>>
      tpu.enqueue_dma source(%dma_start3A_404 : memref<64x128xf32, #tpu.memory_space<vmem>>) target(%dma_start3A_400 : memref<64x128xf32, #tpu.memory_space<vmem_shared>>) target_semaphore(%run_scoped3A_392 : memref<!tpu.dma_semaphore, #tpu.memory_space<semaphore_mem>>)
      %dma_wait3A_405 = arith.constant 0 : i32
      %dma_wait3A_406 = arith.constant 0 : i32
      %dma_wait3A_407 = tpu.memref_slice %arg11[%run_scoped3A_21, %dma_wait3A_405, %dma_wait3A_406] : memref<3x64x128xf32, #tpu.memory_space<vmem>> -> memref<1x64x128xf32, #tpu.memory_space<vmem>>
      %dma_wait3A_408 = tpu.memref_squeeze %dma_wait3A_407 : memref<1x64x128xf32, #tpu.memory_space<vmem>> -> memref<64x128xf32, #tpu.memory_space<vmem>>
      %dma_wait3A_409 = arith.constant 0 : i32
      %dma_wait3A_410 = tpu.memref_slice %arg13[%add3A_20, %dma_wait3A_409] : memref<10000x128xf32, #tpu.memory_space<vmem_shared>> -> memref<64x128xf32, #tpu.memory_space<vmem_shared>>
      %dma_wait3A_411 = arith.constant 0 : i32
      %dma_wait3A_412 = tpu.memref_slice %arg13[%add3A_20, %dma_wait3A_411] : memref<10000x128xf32, #tpu.memory_space<vmem_shared>> -> memref<64x128xf32, #tpu.memory_space<vmem_shared>>
      %dma_wait3A_413 = arith.constant 0 : i32
      %dma_wait3A_414 = arith.constant 0 : i32
      %dma_wait3A_415 = tpu.memref_slice %arg11[%run_scoped3A_21, %dma_wait3A_413, %dma_wait3A_414] : memref<3x64x128xf32, #tpu.memory_space<vmem>> -> memref<1x64x128xf32, #tpu.memory_space<vmem>>
      %dma_wait3A_416 = tpu.memref_squeeze %dma_wait3A_415 : memref<1x64x128xf32, #tpu.memory_space<vmem>> -> memref<64x128xf32, #tpu.memory_space<vmem>>
      tpu.wait_dma2 semaphore(%run_scoped3A_392 : memref<!tpu.dma_semaphore, #tpu.memory_space<semaphore_mem>>) src(%dma_wait3A_416 : memref<64x128xf32, #tpu.memory_space<vmem>>) dst(%dma_wait3A_412 : memref<64x128xf32, #tpu.memory_space<vmem_shared>>)
      tpu.yield
    }) : () -> ()
    %add3A_22 = arith.constant 256 : i32
    %add3A_23 = arith.addi %mul3A_9, %add3A_22 : i32
    %run_scoped3A_24 = arith.constant 0 : i32
    "tpu.region"() ({
      %run_scoped3A_392 = tpu.sem_alloc : memref<!tpu.dma_semaphore, #tpu.memory_space<semaphore_mem>>
      %dma_start3A_393 = arith.constant 0 : i32
      %dma_start3A_394 = arith.constant 0 : i32
      %dma_start3A_395 = tpu.memref_slice %arg11[%run_scoped3A_24, %dma_start3A_393, %dma_start3A_394] : memref<3x64x128xf32, #tpu.memory_space<vmem>> -> memref<1x64x128xf32, #tpu.memory_space<vmem>>
      %dma_start3A_396 = tpu.memref_squeeze %dma_start3A_395 : memref<1x64x128xf32, #tpu.memory_space<vmem>> -> memref<64x128xf32, #tpu.memory_space<vmem>>
      %dma_start3A_397 = arith.constant 0 : i32
      %dma_start3A_398 = tpu.memref_slice %arg13[%add3A_23, %dma_start3A_397] : memref<10000x128xf32, #tpu.memory_space<vmem_shared>> -> memref<64x128xf32, #tpu.memory_space<vmem_shared>>
      %dma_start3A_399 = arith.constant 0 : i32
      %dma_start3A_400 = tpu.memref_slice %arg13[%add3A_23, %dma_start3A_399] : memref<10000x128xf32, #tpu.memory_space<vmem_shared>> -> memref<64x128xf32, #tpu.memory_space<vmem_shared>>
      %dma_start3A_401 = arith.constant 0 : i32
      %dma_start3A_402 = arith.constant 0 : i32
      %dma_start3A_403 = tpu.memref_slice %arg11[%run_scoped3A_24, %dma_start3A_401, %dma_start3A_402] : memref<3x64x128xf32, #tpu.memory_space<vmem>> -> memref<1x64x128xf32, #tpu.memory_space<vmem>>
      %dma_start3A_404 = tpu.memref_squeeze %dma_start3A_403 : memref<1x64x128xf32, #tpu.memory_space<vmem>> -> memref<64x128xf32, #tpu.memory_space<vmem>>
      tpu.enqueue_dma source(%dma_start3A_404 : memref<64x128xf32, #tpu.memory_space<vmem>>) target(%dma_start3A_400 : memref<64x128xf32, #tpu.memory_space<vmem_shared>>) target_semaphore(%run_scoped3A_392 : memref<!tpu.dma_semaphore, #tpu.memory_space<semaphore_mem>>)
      %dma_wait3A_405 = arith.constant 0 : i32
      %dma_wait3A_406 = arith.constant 0 : i32
      %dma_wait3A_407 = tpu.memref_slice %arg11[%run_scoped3A_24, %dma_wait3A_405, %dma_wait3A_406] : memref<3x64x128xf32, #tpu.memory_space<vmem>> -> memref<1x64x128xf32, #tpu.memory_space<vmem>>
      %dma_wait3A_408 = tpu.memref_squeeze %dma_wait3A_407 : memref<1x64x128xf32, #tpu.memory_space<vmem>> -> memref<64x128xf32, #tpu.memory_space<vmem>>
      %dma_wait3A_409 = arith.constant 0 : i32
      %dma_wait3A_410 = tpu.memref_slice %arg13[%add3A_23, %dma_wait3A_409] : memref<10000x128xf32, #tpu.memory_space<vmem_shared>> -> memref<64x128xf32, #tpu.memory_space<vmem_shared>>
      %dma_wait3A_411 = arith.constant 0 : i32
      %dma_wait3A_412 = tpu.memref_slice %arg13[%add3A_23, %dma_wait3A_411] : memref<10000x128xf32, #tpu.memory_space<vmem_shared>> -> memref<64x128xf32, #tpu.memory_space<vmem_shared>>
      %dma_wait3A_413 = arith.constant 0 : i32
      %dma_wait3A_414 = arith.constant 0 : i32
      %dma_wait3A_415 = tpu.memref_slice %arg11[%run_scoped3A_24, %dma_wait3A_413, %dma_wait3A_414] : memref<3x64x128xf32, #tpu.memory_space<vmem>> -> memref<1x64x128xf32, #tpu.memory_space<vmem>>
      %dma_wait3A_416 = tpu.memref_squeeze %dma_wait3A_415 : memref<1x64x128xf32, #tpu.memory_space<vmem>> -> memref<64x128xf32, #tpu.memory_space<vmem>>
      tpu.wait_dma2 semaphore(%run_scoped3A_392 : memref<!tpu.dma_semaphore, #tpu.memory_space<semaphore_mem>>) src(%dma_wait3A_416 : memref<64x128xf32, #tpu.memory_space<vmem>>) dst(%dma_wait3A_412 : memref<64x128xf32, #tpu.memory_space<vmem_shared>>)
      tpu.yield
    }) : () -> ()
    %add3A_25 = arith.constant 320 : i32
    %add3A_26 = arith.addi %mul3A_9, %add3A_25 : i32
    %run_scoped3A_27 = arith.constant 0 : i32
    "tpu.region"() ({
      %run_scoped3A_392 = tpu.sem_alloc : memref<!tpu.dma_semaphore, #tpu.memory_space<semaphore_mem>>
      %dma_start3A_393 = arith.constant 0 : i32
      %dma_start3A_394 = arith.constant 0 : i32
      %dma_start3A_395 = tpu.memref_slice %arg11[%run_scoped3A_27, %dma_start3A_393, %dma_start3A_394] : memref<3x64x128xf32, #tpu.memory_space<vmem>> -> memref<1x64x128xf32, #tpu.memory_space<vmem>>
      %dma_start3A_396 = tpu.memref_squeeze %dma_start3A_395 : memref<1x64x128xf32, #tpu.memory_space<vmem>> -> memref<64x128xf32, #tpu.memory_space<vmem>>
      %dma_start3A_397 = arith.constant 0 : i32
      %dma_start3A_398 = tpu.memref_slice %arg13[%add3A_26, %dma_start3A_397] : memref<10000x128xf32, #tpu.memory_space<vmem_shared>> -> memref<64x128xf32, #tpu.memory_space<vmem_shared>>
      %dma_start3A_399 = arith.constant 0 : i32
      %dma_start3A_400 = tpu.memref_slice %arg13[%add3A_26, %dma_start3A_399] : memref<10000x128xf32, #tpu.memory_space<vmem_shared>> -> memref<64x128xf32, #tpu.memory_space<vmem_shared>>
      %dma_start3A_401 = arith.constant 0 : i32
      %dma_start3A_402 = arith.constant 0 : i32
      %dma_start3A_403 = tpu.memref_slice %arg11[%run_scoped3A_27, %dma_start3A_401, %dma_start3A_402] : memref<3x64x128xf32, #tpu.memory_space<vmem>> -> memref<1x64x128xf32, #tpu.memory_space<vmem>>
      %dma_start3A_404 = tpu.memref_squeeze %dma_start3A_403 : memref<1x64x128xf32, #tpu.memory_space<vmem>> -> memref<64x128xf32, #tpu.memory_space<vmem>>
      tpu.enqueue_dma source(%dma_start3A_404 : memref<64x128xf32, #tpu.memory_space<vmem>>) target(%dma_start3A_400 : memref<64x128xf32, #tpu.memory_space<vmem_shared>>) target_semaphore(%run_scoped3A_392 : memref<!tpu.dma_semaphore, #tpu.memory_space<semaphore_mem>>)
      %dma_wait3A_405 = arith.constant 0 : i32
      %dma_wait3A_406 = arith.constant 0 : i32
      %dma_wait3A_407 = tpu.memref_slice %arg11[%run_scoped3A_27, %dma_wait3A_405, %dma_wait3A_406] : memref<3x64x128xf32, #tpu.memory_space<vmem>> -> memref<1x64x128xf32, #tpu.memory_space<vmem>>
      %dma_wait3A_408 = tpu.memref_squeeze %dma_wait3A_407 : memref<1x64x128xf32, #tpu.memory_space<vmem>> -> memref<64x128xf32, #tpu.memory_space<vmem>>
      %dma_wait3A_409 = arith.constant 0 : i32
      %dma_wait3A_410 = tpu.memref_slice %arg13[%add3A_26, %dma_wait3A_409] : memref<10000x128xf32, #tpu.memory_space<vmem_shared>> -> memref<64x128xf32, #tpu.memory_space<vmem_shared>>
      %dma_wait3A_411 = arith.constant 0 : i32
      %dma_wait3A_412 = tpu.memref_slice %arg13[%add3A_26, %dma_wait3A_411] : memref<10000x128xf32, #tpu.memory_space<vmem_shared>> -> memref<64x128xf32, #tpu.memory_space<vmem_shared>>
      %dma_wait3A_413 = arith.constant 0 : i32
      %dma_wait3A_414 = arith.constant 0 : i32
      %dma_wait3A_415 = tpu.memref_slice %arg11[%run_scoped3A_27, %dma_wait3A_413, %dma_wait3A_414] : memref<3x64x128xf32, #tpu.memory_space<vmem>> -> memref<1x64x128xf32, #tpu.memory_space<vmem>>
      %dma_wait3A_416 = tpu.memref_squeeze %dma_wait3A_415 : memref<1x64x128xf32, #tpu.memory_space<vmem>> -> memref<64x128xf32, #tpu.memory_space<vmem>>
      tpu.wait_dma2 semaphore(%run_scoped3A_392 : memref<!tpu.dma_semaphore, #tpu.memory_space<semaphore_mem>>) src(%dma_wait3A_416 : memref<64x128xf32, #tpu.memory_space<vmem>>) dst(%dma_wait3A_412 : memref<64x128xf32, #tpu.memory_space<vmem_shared>>)
      tpu.yield
    }) : () -> ()
    %add3A_28 = arith.constant 384 : i32
    %add3A_29 = arith.addi %mul3A_9, %add3A_28 : i32
    %run_scoped3A_30 = arith.constant 0 : i32
    "tpu.region"() ({
      %run_scoped3A_392 = tpu.sem_alloc : memref<!tpu.dma_semaphore, #tpu.memory_space<semaphore_mem>>
      %dma_start3A_393 = arith.constant 0 : i32
      %dma_start3A_394 = arith.constant 0 : i32
      %dma_start3A_395 = tpu.memref_slice %arg11[%run_scoped3A_30, %dma_start3A_393, %dma_start3A_394] : memref<3x64x128xf32, #tpu.memory_space<vmem>> -> memref<1x64x128xf32, #tpu.memory_space<vmem>>
      %dma_start3A_396 = tpu.memref_squeeze %dma_start3A_395 : memref<1x64x128xf32, #tpu.memory_space<vmem>> -> memref<64x128xf32, #tpu.memory_space<vmem>>
      %dma_start3A_397 = arith.constant 0 : i32
      %dma_start3A_398 = tpu.memref_slice %arg13[%add3A_29, %dma_start3A_397] : memref<10000x128xf32, #tpu.memory_space<vmem_shared>> -> memref<64x128xf32, #tpu.memory_space<vmem_shared>>
      %dma_start3A_399 = arith.constant 0 : i32
      %dma_start3A_400 = tpu.memref_slice %arg13[%add3A_29, %dma_start3A_399] : memref<10000x128xf32, #tpu.memory_space<vmem_shared>> -> memref<64x128xf32, #tpu.memory_space<vmem_shared>>
      %dma_start3A_401 = arith.constant 0 : i32
      %dma_start3A_402 = arith.constant 0 : i32
      %dma_start3A_403 = tpu.memref_slice %arg11[%run_scoped3A_30, %dma_start3A_401, %dma_start3A_402] : memref<3x64x128xf32, #tpu.memory_space<vmem>> -> memref<1x64x128xf32, #tpu.memory_space<vmem>>
      %dma_start3A_404 = tpu.memref_squeeze %dma_start3A_403 : memref<1x64x128xf32, #tpu.memory_space<vmem>> -> memref<64x128xf32, #tpu.memory_space<vmem>>
      tpu.enqueue_dma source(%dma_start3A_404 : memref<64x128xf32, #tpu.memory_space<vmem>>) target(%dma_start3A_400 : memref<64x128xf32, #tpu.memory_space<vmem_shared>>) target_semaphore(%run_scoped3A_392 : memref<!tpu.dma_semaphore, #tpu.memory_space<semaphore_mem>>)
      %dma_wait3A_405 = arith.constant 0 : i32
      %dma_wait3A_406 = arith.constant 0 : i32
      %dma_wait3A_407 = tpu.memref_slice %arg11[%run_scoped3A_30, %dma_wait3A_405, %dma_wait3A_406] : memref<3x64x128xf32, #tpu.memory_space<vmem>> -> memref<1x64x128xf32, #tpu.memory_space<vmem>>
      %dma_wait3A_408 = tpu.memref_squeeze %dma_wait3A_407 : memref<1x64x128xf32, #tpu.memory_space<vmem>> -> memref<64x128xf32, #tpu.memory_space<vmem>>
      %dma_wait3A_409 = arith.constant 0 : i32
      %dma_wait3A_410 = tpu.memref_slice %arg13[%add3A_29, %dma_wait3A_409] : memref<10000x128xf32, #tpu.memory_space<vmem_shared>> -> memref<64x128xf32, #tpu.memory_space<vmem_shared>>
      %dma_wait3A_411 = arith.constant 0 : i32
      %dma_wait3A_412 = tpu.memref_slice %arg13[%add3A_29, %dma_wait3A_411] : memref<10000x128xf32, #tpu.memory_space<vmem_shared>> -> memref<64x128xf32, #tpu.memory_space<vmem_shared>>
      %dma_wait3A_413 = arith.constant 0 : i32
      %dma_wait3A_414 = arith.constant 0 : i32
      %dma_wait3A_415 = tpu.memref_slice %arg11[%run_scoped3A_30, %dma_wait3A_413, %dma_wait3A_414] : memref<3x64x128xf32, #tpu.memory_space<vmem>> -> memref<1x64x128xf32, #tpu.memory_space<vmem>>
      %dma_wait3A_416 = tpu.memref_squeeze %dma_wait3A_415 : memref<1x64x128xf32, #tpu.memory_space<vmem>> -> memref<64x128xf32, #tpu.memory_space<vmem>>
      tpu.wait_dma2 semaphore(%run_scoped3A_392 : memref<!tpu.dma_semaphore, #tpu.memory_space<semaphore_mem>>) src(%dma_wait3A_416 : memref<64x128xf32, #tpu.memory_space<vmem>>) dst(%dma_wait3A_412 : memref<64x128xf32, #tpu.memory_space<vmem_shared>>)
      tpu.yield
    }) : () -> ()
    %add3A_31 = arith.constant 448 : i32
    %add3A_32 = arith.addi %mul3A_9, %add3A_31 : i32
    %run_scoped3A_33 = arith.constant 0 : i32
    "tpu.region"() ({
      %run_scoped3A_392 = tpu.sem_alloc : memref<!tpu.dma_semaphore, #tpu.memory_space<semaphore_mem>>
      %dma_start3A_393 = arith.constant 0 : i32
      %dma_start3A_394 = arith.constant 0 : i32
      %dma_start3A_395 = tpu.memref_slice %arg11[%run_scoped3A_33, %dma_start3A_393, %dma_start3A_394] : memref<3x64x128xf32, #tpu.memory_space<vmem>> -> memref<1x64x128xf32, #tpu.memory_space<vmem>>
      %dma_start3A_396 = tpu.memref_squeeze %dma_start3A_395 : memref<1x64x128xf32, #tpu.memory_space<vmem>> -> memref<64x128xf32, #tpu.memory_space<vmem>>
      %dma_start3A_397 = arith.constant 0 : i32
      %dma_start3A_398 = tpu.memref_slice %arg13[%add3A_32, %dma_start3A_397] : memref<10000x128xf32, #tpu.memory_space<vmem_shared>> -> memref<64x128xf32, #tpu.memory_space<vmem_shared>>
      %dma_start3A_399 = arith.constant 0 : i32
      %dma_start3A_400 = tpu.memref_slice %arg13[%add3A_32, %dma_start3A_399] : memref<10000x128xf32, #tpu.memory_space<vmem_shared>> -> memref<64x128xf32, #tpu.memory_space<vmem_shared>>
      %dma_start3A_401 = arith.constant 0 : i32
      %dma_start3A_402 = arith.constant 0 : i32
      %dma_start3A_403 = tpu.memref_slice %arg11[%run_scoped3A_33, %dma_start3A_401, %dma_start3A_402] : memref<3x64x128xf32, #tpu.memory_space<vmem>> -> memref<1x64x128xf32, #tpu.memory_space<vmem>>
      %dma_start3A_404 = tpu.memref_squeeze %dma_start3A_403 : memref<1x64x128xf32, #tpu.memory_space<vmem>> -> memref<64x128xf32, #tpu.memory_space<vmem>>
      tpu.enqueue_dma source(%dma_start3A_404 : memref<64x128xf32, #tpu.memory_space<vmem>>) target(%dma_start3A_400 : memref<64x128xf32, #tpu.memory_space<vmem_shared>>) target_semaphore(%run_scoped3A_392 : memref<!tpu.dma_semaphore, #tpu.memory_space<semaphore_mem>>)
      %dma_wait3A_405 = arith.constant 0 : i32
      %dma_wait3A_406 = arith.constant 0 : i32
      %dma_wait3A_407 = tpu.memref_slice %arg11[%run_scoped3A_33, %dma_wait3A_405, %dma_wait3A_406] : memref<3x64x128xf32, #tpu.memory_space<vmem>> -> memref<1x64x128xf32, #tpu.memory_space<vmem>>
      %dma_wait3A_408 = tpu.memref_squeeze %dma_wait3A_407 : memref<1x64x128xf32, #tpu.memory_space<vmem>> -> memref<64x128xf32, #tpu.memory_space<vmem>>
      %dma_wait3A_409 = arith.constant 0 : i32
      %dma_wait3A_410 = tpu.memref_slice %arg13[%add3A_32, %dma_wait3A_409] : memref<10000x128xf32, #tpu.memory_space<vmem_shared>> -> memref<64x128xf32, #tpu.memory_space<vmem_shared>>
      %dma_wait3A_411 = arith.constant 0 : i32
      %dma_wait3A_412 = tpu.memref_slice %arg13[%add3A_32, %dma_wait3A_411] : memref<10000x128xf32, #tpu.memory_space<vmem_shared>> -> memref<64x128xf32, #tpu.memory_space<vmem_shared>>
      %dma_wait3A_413 = arith.constant 0 : i32
      %dma_wait3A_414 = arith.constant 0 : i32
      %dma_wait3A_415 = tpu.memref_slice %arg11[%run_scoped3A_33, %dma_wait3A_413, %dma_wait3A_414] : memref<3x64x128xf32, #tpu.memory_space<vmem>> -> memref<1x64x128xf32, #tpu.memory_space<vmem>>
      %dma_wait3A_416 = tpu.memref_squeeze %dma_wait3A_415 : memref<1x64x128xf32, #tpu.memory_space<vmem>> -> memref<64x128xf32, #tpu.memory_space<vmem>>
      tpu.wait_dma2 semaphore(%run_scoped3A_392 : memref<!tpu.dma_semaphore, #tpu.memory_space<semaphore_mem>>) src(%dma_wait3A_416 : memref<64x128xf32, #tpu.memory_space<vmem>>) dst(%dma_wait3A_412 : memref<64x128xf32, #tpu.memory_space<vmem_shared>>)
      tpu.yield
    }) : () -> ()
    %add3A_34 = arith.constant 512 : i32
    %add3A_35 = arith.addi %mul3A_9, %add3A_34 : i32
    %run_scoped3A_36 = arith.constant 0 : i32
    "tpu.region"() ({
      %run_scoped3A_392 = tpu.sem_alloc : memref<!tpu.dma_semaphore, #tpu.memory_space<semaphore_mem>>
      %dma_start3A_393 = arith.constant 0 : i32
      %dma_start3A_394 = arith.constant 0 : i32
      %dma_start3A_395 = tpu.memref_slice %arg11[%run_scoped3A_36, %dma_start3A_393, %dma_start3A_394] : memref<3x64x128xf32, #tpu.memory_space<vmem>> -> memref<1x64x128xf32, #tpu.memory_space<vmem>>
      %dma_start3A_396 = tpu.memref_squeeze %dma_start3A_395 : memref<1x64x128xf32, #tpu.memory_space<vmem>> -> memref<64x128xf32, #tpu.memory_space<vmem>>
      %dma_start3A_397 = arith.constant 0 : i32
      %dma_start3A_398 = tpu.memref_slice %arg13[%add3A_35, %dma_start3A_397] : memref<10000x128xf32, #tpu.memory_space<vmem_shared>> -> memref<64x128xf32, #tpu.memory_space<vmem_shared>>
      %dma_start3A_399 = arith.constant 0 : i32
      %dma_start3A_400 = tpu.memref_slice %arg13[%add3A_35, %dma_start3A_399] : memref<10000x128xf32, #tpu.memory_space<vmem_shared>> -> memref<64x128xf32, #tpu.memory_space<vmem_shared>>
      %dma_start3A_401 = arith.constant 0 : i32
      %dma_start3A_402 = arith.constant 0 : i32
      %dma_start3A_403 = tpu.memref_slice %arg11[%run_scoped3A_36, %dma_start3A_401, %dma_start3A_402] : memref<3x64x128xf32, #tpu.memory_space<vmem>> -> memref<1x64x128xf32, #tpu.memory_space<vmem>>
      %dma_start3A_404 = tpu.memref_squeeze %dma_start3A_403 : memref<1x64x128xf32, #tpu.memory_space<vmem>> -> memref<64x128xf32, #tpu.memory_space<vmem>>
      tpu.enqueue_dma source(%dma_start3A_404 : memref<64x128xf32, #tpu.memory_space<vmem>>) target(%dma_start3A_400 : memref<64x128xf32, #tpu.memory_space<vmem_shared>>) target_semaphore(%run_scoped3A_392 : memref<!tpu.dma_semaphore, #tpu.memory_space<semaphore_mem>>)
      %dma_wait3A_405 = arith.constant 0 : i32
      %dma_wait3A_406 = arith.constant 0 : i32
      %dma_wait3A_407 = tpu.memref_slice %arg11[%run_scoped3A_36, %dma_wait3A_405, %dma_wait3A_406] : memref<3x64x128xf32, #tpu.memory_space<vmem>> -> memref<1x64x128xf32, #tpu.memory_space<vmem>>
      %dma_wait3A_408 = tpu.memref_squeeze %dma_wait3A_407 : memref<1x64x128xf32, #tpu.memory_space<vmem>> -> memref<64x128xf32, #tpu.memory_space<vmem>>
      %dma_wait3A_409 = arith.constant 0 : i32
      %dma_wait3A_410 = tpu.memref_slice %arg13[%add3A_35, %dma_wait3A_409] : memref<10000x128xf32, #tpu.memory_space<vmem_shared>> -> memref<64x128xf32, #tpu.memory_space<vmem_shared>>
      %dma_wait3A_411 = arith.constant 0 : i32
      %dma_wait3A_412 = tpu.memref_slice %arg13[%add3A_35, %dma_wait3A_411] : memref<10000x128xf32, #tpu.memory_space<vmem_shared>> -> memref<64x128xf32, #tpu.memory_space<vmem_shared>>
      %dma_wait3A_413 = arith.constant 0 : i32
      %dma_wait3A_414 = arith.constant 0 : i32
      %dma_wait3A_415 = tpu.memref_slice %arg11[%run_scoped3A_36, %dma_wait3A_413, %dma_wait3A_414] : memref<3x64x128xf32, #tpu.memory_space<vmem>> -> memref<1x64x128xf32, #tpu.memory_space<vmem>>
      %dma_wait3A_416 = tpu.memref_squeeze %dma_wait3A_415 : memref<1x64x128xf32, #tpu.memory_space<vmem>> -> memref<64x128xf32, #tpu.memory_space<vmem>>
      tpu.wait_dma2 semaphore(%run_scoped3A_392 : memref<!tpu.dma_semaphore, #tpu.memory_space<semaphore_mem>>) src(%dma_wait3A_416 : memref<64x128xf32, #tpu.memory_space<vmem>>) dst(%dma_wait3A_412 : memref<64x128xf32, #tpu.memory_space<vmem_shared>>)
      tpu.yield
    }) : () -> ()
    %add3A_37 = arith.constant 576 : i32
    %add3A_38 = arith.addi %mul3A_9, %add3A_37 : i32
    %run_scoped3A_39 = arith.constant 0 : i32
    "tpu.region"() ({
      %run_scoped3A_392 = tpu.sem_alloc : memref<!tpu.dma_semaphore, #tpu.memory_space<semaphore_mem>>
      %dma_start3A_393 = arith.constant 0 : i32
      %dma_start3A_394 = arith.constant 0 : i32
      %dma_start3A_395 = tpu.memref_slice %arg11[%run_scoped3A_39, %dma_start3A_393, %dma_start3A_394] : memref<3x64x128xf32, #tpu.memory_space<vmem>> -> memref<1x48x128xf32, #tpu.memory_space<vmem>>
      %dma_start3A_396 = tpu.memref_squeeze %dma_start3A_395 : memref<1x48x128xf32, #tpu.memory_space<vmem>> -> memref<48x128xf32, #tpu.memory_space<vmem>>
      %dma_start3A_397 = arith.constant 0 : i32
      %dma_start3A_398 = tpu.memref_slice %arg13[%add3A_38, %dma_start3A_397] : memref<10000x128xf32, #tpu.memory_space<vmem_shared>> -> memref<48x128xf32, #tpu.memory_space<vmem_shared>>
      %dma_start3A_399 = arith.constant 0 : i32
      %dma_start3A_400 = tpu.memref_slice %arg13[%add3A_38, %dma_start3A_399] : memref<10000x128xf32, #tpu.memory_space<vmem_shared>> -> memref<48x128xf32, #tpu.memory_space<vmem_shared>>
      %dma_start3A_401 = arith.constant 0 : i32
      %dma_start3A_402 = arith.constant 0 : i32
      %dma_start3A_403 = tpu.memref_slice %arg11[%run_scoped3A_39, %dma_start3A_401, %dma_start3A_402] : memref<3x64x128xf32, #tpu.memory_space<vmem>> -> memref<1x48x128xf32, #tpu.memory_space<vmem>>
      %dma_start3A_404 = tpu.memref_squeeze %dma_start3A_403 : memref<1x48x128xf32, #tpu.memory_space<vmem>> -> memref<48x128xf32, #tpu.memory_space<vmem>>
      tpu.enqueue_dma source(%dma_start3A_404 : memref<48x128xf32, #tpu.memory_space<vmem>>) target(%dma_start3A_400 : memref<48x128xf32, #tpu.memory_space<vmem_shared>>) target_semaphore(%run_scoped3A_392 : memref<!tpu.dma_semaphore, #tpu.memory_space<semaphore_mem>>)
      %dma_wait3A_405 = arith.constant 0 : i32
      %dma_wait3A_406 = arith.constant 0 : i32
      %dma_wait3A_407 = tpu.memref_slice %arg11[%run_scoped3A_39, %dma_wait3A_405, %dma_wait3A_406] : memref<3x64x128xf32, #tpu.memory_space<vmem>> -> memref<1x48x128xf32, #tpu.memory_space<vmem>>
      %dma_wait3A_408 = tpu.memref_squeeze %dma_wait3A_407 : memref<1x48x128xf32, #tpu.memory_space<vmem>> -> memref<48x128xf32, #tpu.memory_space<vmem>>
      %dma_wait3A_409 = arith.constant 0 : i32
      %dma_wait3A_410 = tpu.memref_slice %arg13[%add3A_38, %dma_wait3A_409] : memref<10000x128xf32, #tpu.memory_space<vmem_shared>> -> memref<48x128xf32, #tpu.memory_space<vmem_shared>>
      %dma_wait3A_411 = arith.constant 0 : i32
      %dma_wait3A_412 = tpu.memref_slice %arg13[%add3A_38, %dma_wait3A_411] : memref<10000x128xf32, #tpu.memory_space<vmem_shared>> -> memref<48x128xf32, #tpu.memory_space<vmem_shared>>
      %dma_wait3A_413 = arith.constant 0 : i32
      %dma_wait3A_414 = arith.constant 0 : i32
      %dma_wait3A_415 = tpu.memref_slice %arg11[%run_scoped3A_39, %dma_wait3A_413, %dma_wait3A_414] : memref<3x64x128xf32, #tpu.memory_space<vmem>> -> memref<1x48x128xf32, #tpu.memory_space<vmem>>
      %dma_wait3A_416 = tpu.memref_squeeze %dma_wait3A_415 : memref<1x48x128xf32, #tpu.memory_space<vmem>> -> memref<48x128xf32, #tpu.memory_space<vmem>>
      tpu.wait_dma2 semaphore(%run_scoped3A_392 : memref<!tpu.dma_semaphore, #tpu.memory_space<semaphore_mem>>) src(%dma_wait3A_416 : memref<48x128xf32, #tpu.memory_space<vmem>>) dst(%dma_wait3A_412 : memref<48x128xf32, #tpu.memory_space<vmem_shared>>)
      tpu.yield
    }) : () -> ()
    %eq3A = arith.constant 15 : i32
    %eq3A_40 = arith.cmpi eq, %arg1, %eq3A : i32
    %convert_element_type3A = arith.extui %eq3A_40 : i1 to i32
    %cond3A = arith.constant 0 : i32
    %cond3A_41 = arith.cmpi ne, %convert_element_type3A, %cond3A : i32
    scf.if %cond3A_41 {
      %run_scoped3A_392 = arith.constant 0 : i32
      "tpu.region"() ({
        %run_scoped3A_393 = tpu.sem_alloc : memref<!tpu.dma_semaphore, #tpu.memory_space<semaphore_mem>>
        %dma_start3A_394 = arith.constant 0 : i32
        %dma_start3A_395 = arith.constant 0 : i32
        %dma_start3A_396 = tpu.memref_slice %arg11[%run_scoped3A_392, %dma_start3A_394, %dma_start3A_395] : memref<3x64x128xf32, #tpu.memory_space<vmem>> -> memref<1x16x128xf32, #tpu.memory_space<vmem>>
        %dma_start3A_397 = tpu.memref_squeeze %dma_start3A_396 : memref<1x16x128xf32, #tpu.memory_space<vmem>> -> memref<16x128xf32, #tpu.memory_space<vmem>>
        %dma_start3A_398 = arith.constant 9984 : i32
        %dma_start3A_399 = arith.constant 0 : i32
        %dma_start3A_400 = tpu.memref_slice %arg13[%dma_start3A_398, %dma_start3A_399] : memref<10000x128xf32, #tpu.memory_space<vmem_shared>> -> memref<16x128xf32, #tpu.memory_space<vmem_shared>>
        %dma_start3A_401 = arith.constant 9984 : i32
        %dma_start3A_402 = arith.constant 0 : i32
        %dma_start3A_403 = tpu.memref_slice %arg13[%dma_start3A_401, %dma_start3A_402] : memref<10000x128xf32, #tpu.memory_space<vmem_shared>> -> memref<16x128xf32, #tpu.memory_space<vmem_shared>>
        %dma_start3A_404 = arith.constant 0 : i32
        %dma_start3A_405 = arith.constant 0 : i32
        %dma_start3A_406 = tpu.memref_slice %arg11[%run_scoped3A_392, %dma_start3A_404, %dma_start3A_405] : memref<3x64x128xf32, #tpu.memory_space<vmem>> -> memref<1x16x128xf32, #tpu.memory_space<vmem>>
        %dma_start3A_407 = tpu.memref_squeeze %dma_start3A_406 : memref<1x16x128xf32, #tpu.memory_space<vmem>> -> memref<16x128xf32, #tpu.memory_space<vmem>>
        tpu.enqueue_dma source(%dma_start3A_407 : memref<16x128xf32, #tpu.memory_space<vmem>>) target(%dma_start3A_403 : memref<16x128xf32, #tpu.memory_space<vmem_shared>>) target_semaphore(%run_scoped3A_393 : memref<!tpu.dma_semaphore, #tpu.memory_space<semaphore_mem>>)
        %dma_wait3A_408 = arith.constant 0 : i32
        %dma_wait3A_409 = arith.constant 0 : i32
        %dma_wait3A_410 = tpu.memref_slice %arg11[%run_scoped3A_392, %dma_wait3A_408, %dma_wait3A_409] : memref<3x64x128xf32, #tpu.memory_space<vmem>> -> memref<1x16x128xf32, #tpu.memory_space<vmem>>
        %dma_wait3A_411 = tpu.memref_squeeze %dma_wait3A_410 : memref<1x16x128xf32, #tpu.memory_space<vmem>> -> memref<16x128xf32, #tpu.memory_space<vmem>>
        %dma_wait3A_412 = arith.constant 9984 : i32
        %dma_wait3A_413 = arith.constant 0 : i32
        %dma_wait3A_414 = tpu.memref_slice %arg13[%dma_wait3A_412, %dma_wait3A_413] : memref<10000x128xf32, #tpu.memory_space<vmem_shared>> -> memref<16x128xf32, #tpu.memory_space<vmem_shared>>
        %dma_wait3A_415 = arith.constant 9984 : i32
        %dma_wait3A_416 = arith.constant 0 : i32
        %dma_wait3A_417 = tpu.memref_slice %arg13[%dma_wait3A_415, %dma_wait3A_416] : memref<10000x128xf32, #tpu.memory_space<vmem_shared>> -> memref<16x128xf32, #tpu.memory_space<vmem_shared>>
        %dma_wait3A_418 = arith.constant 0 : i32
        %dma_wait3A_419 = arith.constant 0 : i32
        %dma_wait3A_420 = tpu.memref_slice %arg11[%run_scoped3A_392, %dma_wait3A_418, %dma_wait3A_419] : memref<3x64x128xf32, #tpu.memory_space<vmem>> -> memref<1x16x128xf32, #tpu.memory_space<vmem>>
        %dma_wait3A_421 = tpu.memref_squeeze %dma_wait3A_420 : memref<1x16x128xf32, #tpu.memory_space<vmem>> -> memref<16x128xf32, #tpu.memory_space<vmem>>
        tpu.wait_dma2 semaphore(%run_scoped3A_393 : memref<!tpu.dma_semaphore, #tpu.memory_space<semaphore_mem>>) src(%dma_wait3A_421 : memref<16x128xf32, #tpu.memory_space<vmem>>) dst(%dma_wait3A_417 : memref<16x128xf32, #tpu.memory_space<vmem_shared>>)
        tpu.yield
      }) : () -> ()
    } else {
    }
    %barrier3A = arith.constant 0 : index
    tpu.barrier barrier_id(%barrier3A)
    %rem3A = arith.constant 0 : i32
    %rem3A_42 = arith.constant 5 : i32
    %rem3A_43 = arith.remsi %rem3A, %rem3A_42 : i32
    %add3A_44 = arith.constant 0 : i32
    %add3A_45 = arith.addi %add3A_4, %add3A_44 : i32
    %mul3A_46 = arith.constant 64 : i32
    %mul3A_47 = arith.muli %add3A_45, %mul3A_46 : i32
    %dma_start3A = arith.constant 0 : i32
    %dma_start3A_48 = arith.constant 0 : i32
    %dma_start3A_49 = tpu.memref_slice %arg8[%rem3A_43, %dma_start3A_48] : memref<5x64xi32, #tpu.memory_space<vmem>> -> memref<1x64xi32, #tpu.memory_space<vmem>>
    %dma_start3A_50 = tpu.memref_squeeze %dma_start3A_49 : memref<1x64xi32, #tpu.memory_space<vmem>> -> memref<64xi32, #tpu.memory_space<vmem>>
    %dma_start3A_51 = tpu.memref_slice %arg5[%dma_start3A, %mul3A_47] : memref<2x320000xi32, #tpu.memory_space<hbm>> -> memref<1x64xi32, #tpu.memory_space<hbm>>
    %dma_start3A_52 = tpu.memref_squeeze %dma_start3A_51 : memref<1x64xi32, #tpu.memory_space<hbm>> -> memref<64xi32, #tpu.memory_space<hbm>>
    %dma_start3A_53 = arith.constant 0 : i32
    %dma_start3A_54 = tpu.memref_slice %arg8[%rem3A_43, %dma_start3A_53] : memref<5x64xi32, #tpu.memory_space<vmem>> -> memref<1x64xi32, #tpu.memory_space<vmem>>
    %dma_start3A_55 = tpu.memref_squeeze %dma_start3A_54 : memref<1x64xi32, #tpu.memory_space<vmem>> -> memref<64xi32, #tpu.memory_space<vmem>>
    %dma_start3A_56 = tpu.memref_slice %arg5[%dma_start3A, %mul3A_47] : memref<2x320000xi32, #tpu.memory_space<hbm>> -> memref<1x64xi32, #tpu.memory_space<hbm>>
    %dma_start3A_57 = tpu.memref_squeeze %dma_start3A_56 : memref<1x64xi32, #tpu.memory_space<hbm>> -> memref<64xi32, #tpu.memory_space<hbm>>
    tpu.enqueue_dma source(%dma_start3A_57 : memref<64xi32, #tpu.memory_space<hbm>>) target(%dma_start3A_55 : memref<64xi32, #tpu.memory_space<vmem>>) target_semaphore(%arg14 : memref<!tpu.dma_semaphore, #tpu.memory_space<semaphore_mem>>)
    %dma_start3A_58 = arith.constant 1 : i32
    %dma_start3A_59 = arith.constant 0 : i32
    %dma_start3A_60 = tpu.memref_slice %arg9[%rem3A_43, %dma_start3A_59] : memref<5x64xi32, #tpu.memory_space<vmem>> -> memref<1x64xi32, #tpu.memory_space<vmem>>
    %dma_start3A_61 = tpu.memref_squeeze %dma_start3A_60 : memref<1x64xi32, #tpu.memory_space<vmem>> -> memref<64xi32, #tpu.memory_space<vmem>>
    %dma_start3A_62 = tpu.memref_slice %arg5[%dma_start3A_58, %mul3A_47] : memref<2x320000xi32, #tpu.memory_space<hbm>> -> memref<1x64xi32, #tpu.memory_space<hbm>>
    %dma_start3A_63 = tpu.memref_squeeze %dma_start3A_62 : memref<1x64xi32, #tpu.memory_space<hbm>> -> memref<64xi32, #tpu.memory_space<hbm>>
    %dma_start3A_64 = arith.constant 0 : i32
    %dma_start3A_65 = tpu.memref_slice %arg9[%rem3A_43, %dma_start3A_64] : memref<5x64xi32, #tpu.memory_space<vmem>> -> memref<1x64xi32, #tpu.memory_space<vmem>>
    %dma_start3A_66 = tpu.memref_squeeze %dma_start3A_65 : memref<1x64xi32, #tpu.memory_space<vmem>> -> memref<64xi32, #tpu.memory_space<vmem>>
    %dma_start3A_67 = tpu.memref_slice %arg5[%dma_start3A_58, %mul3A_47] : memref<2x320000xi32, #tpu.memory_space<hbm>> -> memref<1x64xi32, #tpu.memory_space<hbm>>
    %dma_start3A_68 = tpu.memref_squeeze %dma_start3A_67 : memref<1x64xi32, #tpu.memory_space<hbm>> -> memref<64xi32, #tpu.memory_space<hbm>>
    tpu.enqueue_dma source(%dma_start3A_68 : memref<64xi32, #tpu.memory_space<hbm>>) target(%dma_start3A_66 : memref<64xi32, #tpu.memory_space<vmem>>) target_semaphore(%arg14 : memref<!tpu.dma_semaphore, #tpu.memory_space<semaphore_mem>>)
    %add3A_69 = arith.constant 0 : i32
    %add3A_70 = arith.addi %add3A_4, %add3A_69 : i32
    %dma_start3A_71 = arith.constant 0 : i32
    %dma_start3A_72 = tpu.memref_slice %arg10[%rem3A_43, %dma_start3A_71] : memref<6x64xf32, #tpu.memory_space<vmem>> -> memref<1x64xf32, #tpu.memory_space<vmem>>
    %dma_start3A_73 = tpu.memref_squeeze %dma_start3A_72 : memref<1x64xf32, #tpu.memory_space<vmem>> -> memref<64xf32, #tpu.memory_space<vmem>>
    %dma_start3A_74 = arith.constant 0 : i32
    %dma_start3A_75 = tpu.memref_slice %arg4[%add3A_70, %dma_start3A_74] : memref<5000x64xf32, #tpu.memory_space<hbm>> -> memref<1x64xf32, #tpu.memory_space<hbm>>
    %dma_start3A_76 = tpu.memref_squeeze %dma_start3A_75 : memref<1x64xf32, #tpu.memory_space<hbm>> -> memref<64xf32, #tpu.memory_space<hbm>>
    %dma_start3A_77 = arith.constant 0 : i32
    %dma_start3A_78 = tpu.memref_slice %arg10[%rem3A_43, %dma_start3A_77] : memref<6x64xf32, #tpu.memory_space<vmem>> -> memref<1x64xf32, #tpu.memory_space<vmem>>
    %dma_start3A_79 = tpu.memref_squeeze %dma_start3A_78 : memref<1x64xf32, #tpu.memory_space<vmem>> -> memref<64xf32, #tpu.memory_space<vmem>>
    %dma_start3A_80 = arith.constant 0 : i32
    %dma_start3A_81 = tpu.memref_slice %arg4[%add3A_70, %dma_start3A_80] : memref<5000x64xf32, #tpu.memory_space<hbm>> -> memref<1x64xf32, #tpu.memory_space<hbm>>
    %dma_start3A_82 = tpu.memref_squeeze %dma_start3A_81 : memref<1x64xf32, #tpu.memory_space<hbm>> -> memref<64xf32, #tpu.memory_space<hbm>>
    tpu.enqueue_dma source(%dma_start3A_82 : memref<64xf32, #tpu.memory_space<hbm>>) target(%dma_start3A_79 : memref<64xf32, #tpu.memory_space<vmem>>) target_semaphore(%arg14 : memref<!tpu.dma_semaphore, #tpu.memory_space<semaphore_mem>>)
    %rem3A_83 = arith.constant 1 : i32
    %rem3A_84 = arith.constant 5 : i32
    %rem3A_85 = arith.remsi %rem3A_83, %rem3A_84 : i32
    %add3A_86 = arith.constant 1 : i32
    %add3A_87 = arith.addi %add3A_4, %add3A_86 : i32
    %mul3A_88 = arith.constant 64 : i32
    %mul3A_89 = arith.muli %add3A_87, %mul3A_88 : i32
    %dma_start3A_90 = arith.constant 0 : i32
    %dma_start3A_91 = arith.constant 0 : i32
    %dma_start3A_92 = tpu.memref_slice %arg8[%rem3A_85, %dma_start3A_91] : memref<5x64xi32, #tpu.memory_space<vmem>> -> memref<1x64xi32, #tpu.memory_space<vmem>>
    %dma_start3A_93 = tpu.memref_squeeze %dma_start3A_92 : memref<1x64xi32, #tpu.memory_space<vmem>> -> memref<64xi32, #tpu.memory_space<vmem>>
    %dma_start3A_94 = tpu.memref_slice %arg5[%dma_start3A_90, %mul3A_89] : memref<2x320000xi32, #tpu.memory_space<hbm>> -> memref<1x64xi32, #tpu.memory_space<hbm>>
    %dma_start3A_95 = tpu.memref_squeeze %dma_start3A_94 : memref<1x64xi32, #tpu.memory_space<hbm>> -> memref<64xi32, #tpu.memory_space<hbm>>
    %dma_start3A_96 = arith.constant 0 : i32
    %dma_start3A_97 = tpu.memref_slice %arg8[%rem3A_85, %dma_start3A_96] : memref<5x64xi32, #tpu.memory_space<vmem>> -> memref<1x64xi32, #tpu.memory_space<vmem>>
    %dma_start3A_98 = tpu.memref_squeeze %dma_start3A_97 : memref<1x64xi32, #tpu.memory_space<vmem>> -> memref<64xi32, #tpu.memory_space<vmem>>
    %dma_start3A_99 = tpu.memref_slice %arg5[%dma_start3A_90, %mul3A_89] : memref<2x320000xi32, #tpu.memory_space<hbm>> -> memref<1x64xi32, #tpu.memory_space<hbm>>
    %dma_start3A_100 = tpu.memref_squeeze %dma_start3A_99 : memref<1x64xi32, #tpu.memory_space<hbm>> -> memref<64xi32, #tpu.memory_space<hbm>>
    tpu.enqueue_dma source(%dma_start3A_100 : memref<64xi32, #tpu.memory_space<hbm>>) target(%dma_start3A_98 : memref<64xi32, #tpu.memory_space<vmem>>) target_semaphore(%arg14 : memref<!tpu.dma_semaphore, #tpu.memory_space<semaphore_mem>>)
    %dma_start3A_101 = arith.constant 1 : i32
    %dma_start3A_102 = arith.constant 0 : i32
    %dma_start3A_103 = tpu.memref_slice %arg9[%rem3A_85, %dma_start3A_102] : memref<5x64xi32, #tpu.memory_space<vmem>> -> memref<1x64xi32, #tpu.memory_space<vmem>>
    %dma_start3A_104 = tpu.memref_squeeze %dma_start3A_103 : memref<1x64xi32, #tpu.memory_space<vmem>> -> memref<64xi32, #tpu.memory_space<vmem>>
    %dma_start3A_105 = tpu.memref_slice %arg5[%dma_start3A_101, %mul3A_89] : memref<2x320000xi32, #tpu.memory_space<hbm>> -> memref<1x64xi32, #tpu.memory_space<hbm>>
    %dma_start3A_106 = tpu.memref_squeeze %dma_start3A_105 : memref<1x64xi32, #tpu.memory_space<hbm>> -> memref<64xi32, #tpu.memory_space<hbm>>
    %dma_start3A_107 = arith.constant 0 : i32
    %dma_start3A_108 = tpu.memref_slice %arg9[%rem3A_85, %dma_start3A_107] : memref<5x64xi32, #tpu.memory_space<vmem>> -> memref<1x64xi32, #tpu.memory_space<vmem>>
    %dma_start3A_109 = tpu.memref_squeeze %dma_start3A_108 : memref<1x64xi32, #tpu.memory_space<vmem>> -> memref<64xi32, #tpu.memory_space<vmem>>
    %dma_start3A_110 = tpu.memref_slice %arg5[%dma_start3A_101, %mul3A_89] : memref<2x320000xi32, #tpu.memory_space<hbm>> -> memref<1x64xi32, #tpu.memory_space<hbm>>
    %dma_start3A_111 = tpu.memref_squeeze %dma_start3A_110 : memref<1x64xi32, #tpu.memory_space<hbm>> -> memref<64xi32, #tpu.memory_space<hbm>>
    tpu.enqueue_dma source(%dma_start3A_111 : memref<64xi32, #tpu.memory_space<hbm>>) target(%dma_start3A_109 : memref<64xi32, #tpu.memory_space<vmem>>) target_semaphore(%arg14 : memref<!tpu.dma_semaphore, #tpu.memory_space<semaphore_mem>>)
    %add3A_112 = arith.constant 1 : i32
    %add3A_113 = arith.addi %add3A_4, %add3A_112 : i32
    %dma_start3A_114 = arith.constant 0 : i32
    %dma_start3A_115 = tpu.memref_slice %arg10[%rem3A_85, %dma_start3A_114] : memref<6x64xf32, #tpu.memory_space<vmem>> -> memref<1x64xf32, #tpu.memory_space<vmem>>
    %dma_start3A_116 = tpu.memref_squeeze %dma_start3A_115 : memref<1x64xf32, #tpu.memory_space<vmem>> -> memref<64xf32, #tpu.memory_space<vmem>>
    %dma_start3A_117 = arith.constant 0 : i32
    %dma_start3A_118 = tpu.memref_slice %arg4[%add3A_113, %dma_start3A_117] : memref<5000x64xf32, #tpu.memory_space<hbm>> -> memref<1x64xf32, #tpu.memory_space<hbm>>
    %dma_start3A_119 = tpu.memref_squeeze %dma_start3A_118 : memref<1x64xf32, #tpu.memory_space<hbm>> -> memref<64xf32, #tpu.memory_space<hbm>>
    %dma_start3A_120 = arith.constant 0 : i32
    %dma_start3A_121 = tpu.memref_slice %arg10[%rem3A_85, %dma_start3A_120] : memref<6x64xf32, #tpu.memory_space<vmem>> -> memref<1x64xf32, #tpu.memory_space<vmem>>
    %dma_start3A_122 = tpu.memref_squeeze %dma_start3A_121 : memref<1x64xf32, #tpu.memory_space<vmem>> -> memref<64xf32, #tpu.memory_space<vmem>>
    %dma_start3A_123 = arith.constant 0 : i32
    %dma_start3A_124 = tpu.memref_slice %arg4[%add3A_113, %dma_start3A_123] : memref<5000x64xf32, #tpu.memory_space<hbm>> -> memref<1x64xf32, #tpu.memory_space<hbm>>
    %dma_start3A_125 = tpu.memref_squeeze %dma_start3A_124 : memref<1x64xf32, #tpu.memory_space<hbm>> -> memref<64xf32, #tpu.memory_space<hbm>>
    tpu.enqueue_dma source(%dma_start3A_125 : memref<64xf32, #tpu.memory_space<hbm>>) target(%dma_start3A_122 : memref<64xf32, #tpu.memory_space<vmem>>) target_semaphore(%arg14 : memref<!tpu.dma_semaphore, #tpu.memory_space<semaphore_mem>>)
    %rem3A_126 = arith.constant 2 : i32
    %rem3A_127 = arith.constant 5 : i32
    %rem3A_128 = arith.remsi %rem3A_126, %rem3A_127 : i32
    %add3A_129 = arith.constant 2 : i32
    %add3A_130 = arith.addi %add3A_4, %add3A_129 : i32
    %mul3A_131 = arith.constant 64 : i32
    %mul3A_132 = arith.muli %add3A_130, %mul3A_131 : i32
    %dma_start3A_133 = arith.constant 0 : i32
    %dma_start3A_134 = arith.constant 0 : i32
    %dma_start3A_135 = tpu.memref_slice %arg8[%rem3A_128, %dma_start3A_134] : memref<5x64xi32, #tpu.memory_space<vmem>> -> memref<1x64xi32, #tpu.memory_space<vmem>>
    %dma_start3A_136 = tpu.memref_squeeze %dma_start3A_135 : memref<1x64xi32, #tpu.memory_space<vmem>> -> memref<64xi32, #tpu.memory_space<vmem>>
    %dma_start3A_137 = tpu.memref_slice %arg5[%dma_start3A_133, %mul3A_132] : memref<2x320000xi32, #tpu.memory_space<hbm>> -> memref<1x64xi32, #tpu.memory_space<hbm>>
    %dma_start3A_138 = tpu.memref_squeeze %dma_start3A_137 : memref<1x64xi32, #tpu.memory_space<hbm>> -> memref<64xi32, #tpu.memory_space<hbm>>
    %dma_start3A_139 = arith.constant 0 : i32
    %dma_start3A_140 = tpu.memref_slice %arg8[%rem3A_128, %dma_start3A_139] : memref<5x64xi32, #tpu.memory_space<vmem>> -> memref<1x64xi32, #tpu.memory_space<vmem>>
    %dma_start3A_141 = tpu.memref_squeeze %dma_start3A_140 : memref<1x64xi32, #tpu.memory_space<vmem>> -> memref<64xi32, #tpu.memory_space<vmem>>
    %dma_start3A_142 = tpu.memref_slice %arg5[%dma_start3A_133, %mul3A_132] : memref<2x320000xi32, #tpu.memory_space<hbm>> -> memref<1x64xi32, #tpu.memory_space<hbm>>
    %dma_start3A_143 = tpu.memref_squeeze %dma_start3A_142 : memref<1x64xi32, #tpu.memory_space<hbm>> -> memref<64xi32, #tpu.memory_space<hbm>>
    tpu.enqueue_dma source(%dma_start3A_143 : memref<64xi32, #tpu.memory_space<hbm>>) target(%dma_start3A_141 : memref<64xi32, #tpu.memory_space<vmem>>) target_semaphore(%arg14 : memref<!tpu.dma_semaphore, #tpu.memory_space<semaphore_mem>>)
    %dma_start3A_144 = arith.constant 1 : i32
    %dma_start3A_145 = arith.constant 0 : i32
    %dma_start3A_146 = tpu.memref_slice %arg9[%rem3A_128, %dma_start3A_145] : memref<5x64xi32, #tpu.memory_space<vmem>> -> memref<1x64xi32, #tpu.memory_space<vmem>>
    %dma_start3A_147 = tpu.memref_squeeze %dma_start3A_146 : memref<1x64xi32, #tpu.memory_space<vmem>> -> memref<64xi32, #tpu.memory_space<vmem>>
    %dma_start3A_148 = tpu.memref_slice %arg5[%dma_start3A_144, %mul3A_132] : memref<2x320000xi32, #tpu.memory_space<hbm>> -> memref<1x64xi32, #tpu.memory_space<hbm>>
    %dma_start3A_149 = tpu.memref_squeeze %dma_start3A_148 : memref<1x64xi32, #tpu.memory_space<hbm>> -> memref<64xi32, #tpu.memory_space<hbm>>
    %dma_start3A_150 = arith.constant 0 : i32
    %dma_start3A_151 = tpu.memref_slice %arg9[%rem3A_128, %dma_start3A_150] : memref<5x64xi32, #tpu.memory_space<vmem>> -> memref<1x64xi32, #tpu.memory_space<vmem>>
    %dma_start3A_152 = tpu.memref_squeeze %dma_start3A_151 : memref<1x64xi32, #tpu.memory_space<vmem>> -> memref<64xi32, #tpu.memory_space<vmem>>
    %dma_start3A_153 = tpu.memref_slice %arg5[%dma_start3A_144, %mul3A_132] : memref<2x320000xi32, #tpu.memory_space<hbm>> -> memref<1x64xi32, #tpu.memory_space<hbm>>
    %dma_start3A_154 = tpu.memref_squeeze %dma_start3A_153 : memref<1x64xi32, #tpu.memory_space<hbm>> -> memref<64xi32, #tpu.memory_space<hbm>>
    tpu.enqueue_dma source(%dma_start3A_154 : memref<64xi32, #tpu.memory_space<hbm>>) target(%dma_start3A_152 : memref<64xi32, #tpu.memory_space<vmem>>) target_semaphore(%arg14 : memref<!tpu.dma_semaphore, #tpu.memory_space<semaphore_mem>>)
    %add3A_155 = arith.constant 2 : i32
    %add3A_156 = arith.addi %add3A_4, %add3A_155 : i32
    %dma_start3A_157 = arith.constant 0 : i32
    %dma_start3A_158 = tpu.memref_slice %arg10[%rem3A_128, %dma_start3A_157] : memref<6x64xf32, #tpu.memory_space<vmem>> -> memref<1x64xf32, #tpu.memory_space<vmem>>
    %dma_start3A_159 = tpu.memref_squeeze %dma_start3A_158 : memref<1x64xf32, #tpu.memory_space<vmem>> -> memref<64xf32, #tpu.memory_space<vmem>>
    %dma_start3A_160 = arith.constant 0 : i32
    %dma_start3A_161 = tpu.memref_slice %arg4[%add3A_156, %dma_start3A_160] : memref<5000x64xf32, #tpu.memory_space<hbm>> -> memref<1x64xf32, #tpu.memory_space<hbm>>
    %dma_start3A_162 = tpu.memref_squeeze %dma_start3A_161 : memref<1x64xf32, #tpu.memory_space<hbm>> -> memref<64xf32, #tpu.memory_space<hbm>>
    %dma_start3A_163 = arith.constant 0 : i32
    %dma_start3A_164 = tpu.memref_slice %arg10[%rem3A_128, %dma_start3A_163] : memref<6x64xf32, #tpu.memory_space<vmem>> -> memref<1x64xf32, #tpu.memory_space<vmem>>
    %dma_start3A_165 = tpu.memref_squeeze %dma_start3A_164 : memref<1x64xf32, #tpu.memory_space<vmem>> -> memref<64xf32, #tpu.memory_space<vmem>>
    %dma_start3A_166 = arith.constant 0 : i32
    %dma_start3A_167 = tpu.memref_slice %arg4[%add3A_156, %dma_start3A_166] : memref<5000x64xf32, #tpu.memory_space<hbm>> -> memref<1x64xf32, #tpu.memory_space<hbm>>
    %dma_start3A_168 = tpu.memref_squeeze %dma_start3A_167 : memref<1x64xf32, #tpu.memory_space<hbm>> -> memref<64xf32, #tpu.memory_space<hbm>>
    tpu.enqueue_dma source(%dma_start3A_168 : memref<64xf32, #tpu.memory_space<hbm>>) target(%dma_start3A_165 : memref<64xf32, #tpu.memory_space<vmem>>) target_semaphore(%arg14 : memref<!tpu.dma_semaphore, #tpu.memory_space<semaphore_mem>>)
    %rem3A_169 = arith.constant 3 : i32
    %rem3A_170 = arith.constant 5 : i32
    %rem3A_171 = arith.remsi %rem3A_169, %rem3A_170 : i32
    %add3A_172 = arith.constant 3 : i32
    %add3A_173 = arith.addi %add3A_4, %add3A_172 : i32
    %mul3A_174 = arith.constant 64 : i32
    %mul3A_175 = arith.muli %add3A_173, %mul3A_174 : i32
    %dma_start3A_176 = arith.constant 0 : i32
    %dma_start3A_177 = arith.constant 0 : i32
    %dma_start3A_178 = tpu.memref_slice %arg8[%rem3A_171, %dma_start3A_177] : memref<5x64xi32, #tpu.memory_space<vmem>> -> memref<1x64xi32, #tpu.memory_space<vmem>>
    %dma_start3A_179 = tpu.memref_squeeze %dma_start3A_178 : memref<1x64xi32, #tpu.memory_space<vmem>> -> memref<64xi32, #tpu.memory_space<vmem>>
    %dma_start3A_180 = tpu.memref_slice %arg5[%dma_start3A_176, %mul3A_175] : memref<2x320000xi32, #tpu.memory_space<hbm>> -> memref<1x64xi32, #tpu.memory_space<hbm>>
    %dma_start3A_181 = tpu.memref_squeeze %dma_start3A_180 : memref<1x64xi32, #tpu.memory_space<hbm>> -> memref<64xi32, #tpu.memory_space<hbm>>
    %dma_start3A_182 = arith.constant 0 : i32
    %dma_start3A_183 = tpu.memref_slice %arg8[%rem3A_171, %dma_start3A_182] : memref<5x64xi32, #tpu.memory_space<vmem>> -> memref<1x64xi32, #tpu.memory_space<vmem>>
    %dma_start3A_184 = tpu.memref_squeeze %dma_start3A_183 : memref<1x64xi32, #tpu.memory_space<vmem>> -> memref<64xi32, #tpu.memory_space<vmem>>
    %dma_start3A_185 = tpu.memref_slice %arg5[%dma_start3A_176, %mul3A_175] : memref<2x320000xi32, #tpu.memory_space<hbm>> -> memref<1x64xi32, #tpu.memory_space<hbm>>
    %dma_start3A_186 = tpu.memref_squeeze %dma_start3A_185 : memref<1x64xi32, #tpu.memory_space<hbm>> -> memref<64xi32, #tpu.memory_space<hbm>>
    tpu.enqueue_dma source(%dma_start3A_186 : memref<64xi32, #tpu.memory_space<hbm>>) target(%dma_start3A_184 : memref<64xi32, #tpu.memory_space<vmem>>) target_semaphore(%arg14 : memref<!tpu.dma_semaphore, #tpu.memory_space<semaphore_mem>>)
    %dma_start3A_187 = arith.constant 1 : i32
    %dma_start3A_188 = arith.constant 0 : i32
    %dma_start3A_189 = tpu.memref_slice %arg9[%rem3A_171, %dma_start3A_188] : memref<5x64xi32, #tpu.memory_space<vmem>> -> memref<1x64xi32, #tpu.memory_space<vmem>>
    %dma_start3A_190 = tpu.memref_squeeze %dma_start3A_189 : memref<1x64xi32, #tpu.memory_space<vmem>> -> memref<64xi32, #tpu.memory_space<vmem>>
    %dma_start3A_191 = tpu.memref_slice %arg5[%dma_start3A_187, %mul3A_175] : memref<2x320000xi32, #tpu.memory_space<hbm>> -> memref<1x64xi32, #tpu.memory_space<hbm>>
    %dma_start3A_192 = tpu.memref_squeeze %dma_start3A_191 : memref<1x64xi32, #tpu.memory_space<hbm>> -> memref<64xi32, #tpu.memory_space<hbm>>
    %dma_start3A_193 = arith.constant 0 : i32
    %dma_start3A_194 = tpu.memref_slice %arg9[%rem3A_171, %dma_start3A_193] : memref<5x64xi32, #tpu.memory_space<vmem>> -> memref<1x64xi32, #tpu.memory_space<vmem>>
    %dma_start3A_195 = tpu.memref_squeeze %dma_start3A_194 : memref<1x64xi32, #tpu.memory_space<vmem>> -> memref<64xi32, #tpu.memory_space<vmem>>
    %dma_start3A_196 = tpu.memref_slice %arg5[%dma_start3A_187, %mul3A_175] : memref<2x320000xi32, #tpu.memory_space<hbm>> -> memref<1x64xi32, #tpu.memory_space<hbm>>
    %dma_start3A_197 = tpu.memref_squeeze %dma_start3A_196 : memref<1x64xi32, #tpu.memory_space<hbm>> -> memref<64xi32, #tpu.memory_space<hbm>>
    tpu.enqueue_dma source(%dma_start3A_197 : memref<64xi32, #tpu.memory_space<hbm>>) target(%dma_start3A_195 : memref<64xi32, #tpu.memory_space<vmem>>) target_semaphore(%arg14 : memref<!tpu.dma_semaphore, #tpu.memory_space<semaphore_mem>>)
    %add3A_198 = arith.constant 3 : i32
    %add3A_199 = arith.addi %add3A_4, %add3A_198 : i32
    %dma_start3A_200 = arith.constant 0 : i32
    %dma_start3A_201 = tpu.memref_slice %arg10[%rem3A_171, %dma_start3A_200] : memref<6x64xf32, #tpu.memory_space<vmem>> -> memref<1x64xf32, #tpu.memory_space<vmem>>
    %dma_start3A_202 = tpu.memref_squeeze %dma_start3A_201 : memref<1x64xf32, #tpu.memory_space<vmem>> -> memref<64xf32, #tpu.memory_space<vmem>>
    %dma_start3A_203 = arith.constant 0 : i32
    %dma_start3A_204 = tpu.memref_slice %arg4[%add3A_199, %dma_start3A_203] : memref<5000x64xf32, #tpu.memory_space<hbm>> -> memref<1x64xf32, #tpu.memory_space<hbm>>
    %dma_start3A_205 = tpu.memref_squeeze %dma_start3A_204 : memref<1x64xf32, #tpu.memory_space<hbm>> -> memref<64xf32, #tpu.memory_space<hbm>>
    %dma_start3A_206 = arith.constant 0 : i32
    %dma_start3A_207 = tpu.memref_slice %arg10[%rem3A_171, %dma_start3A_206] : memref<6x64xf32, #tpu.memory_space<vmem>> -> memref<1x64xf32, #tpu.memory_space<vmem>>
    %dma_start3A_208 = tpu.memref_squeeze %dma_start3A_207 : memref<1x64xf32, #tpu.memory_space<vmem>> -> memref<64xf32, #tpu.memory_space<vmem>>
    %dma_start3A_209 = arith.constant 0 : i32
    %dma_start3A_210 = tpu.memref_slice %arg4[%add3A_199, %dma_start3A_209] : memref<5000x64xf32, #tpu.memory_space<hbm>> -> memref<1x64xf32, #tpu.memory_space<hbm>>
    %dma_start3A_211 = tpu.memref_squeeze %dma_start3A_210 : memref<1x64xf32, #tpu.memory_space<hbm>> -> memref<64xf32, #tpu.memory_space<hbm>>
    tpu.enqueue_dma source(%dma_start3A_211 : memref<64xf32, #tpu.memory_space<hbm>>) target(%dma_start3A_208 : memref<64xf32, #tpu.memory_space<vmem>>) target_semaphore(%arg14 : memref<!tpu.dma_semaphore, #tpu.memory_space<semaphore_mem>>)
    %dma_wait3A = arith.constant 0 : i32
    %dma_wait3A_212 = arith.constant 0 : i32
    %dma_wait3A_213 = arith.constant 0 : i32
    %dma_wait3A_214 = tpu.memref_slice %arg8[%dma_wait3A_212, %dma_wait3A_213] : memref<5x64xi32, #tpu.memory_space<vmem>> -> memref<1x64xi32, #tpu.memory_space<vmem>>
    %dma_wait3A_215 = tpu.memref_squeeze %dma_wait3A_214 : memref<1x64xi32, #tpu.memory_space<vmem>> -> memref<64xi32, #tpu.memory_space<vmem>>
    %dma_wait3A_216 = arith.constant 0 : i32
    %dma_wait3A_217 = tpu.memref_slice %arg5[%dma_wait3A, %dma_wait3A_216] : memref<2x320000xi32, #tpu.memory_space<hbm>> -> memref<1x64xi32, #tpu.memory_space<hbm>>
    %dma_wait3A_218 = tpu.memref_squeeze %dma_wait3A_217 : memref<1x64xi32, #tpu.memory_space<hbm>> -> memref<64xi32, #tpu.memory_space<hbm>>
    %dma_wait3A_219 = arith.constant 0 : i32
    %dma_wait3A_220 = tpu.memref_slice %arg8[%dma_wait3A_212, %dma_wait3A_219] : memref<5x64xi32, #tpu.memory_space<vmem>> -> memref<1x64xi32, #tpu.memory_space<vmem>>
    %dma_wait3A_221 = tpu.memref_squeeze %dma_wait3A_220 : memref<1x64xi32, #tpu.memory_space<vmem>> -> memref<64xi32, #tpu.memory_space<vmem>>
    %dma_wait3A_222 = arith.constant 0 : i32
    %dma_wait3A_223 = tpu.memref_slice %arg5[%dma_wait3A, %dma_wait3A_222] : memref<2x320000xi32, #tpu.memory_space<hbm>> -> memref<1x64xi32, #tpu.memory_space<hbm>>
    %dma_wait3A_224 = tpu.memref_squeeze %dma_wait3A_223 : memref<1x64xi32, #tpu.memory_space<hbm>> -> memref<64xi32, #tpu.memory_space<hbm>>
    tpu.wait_dma2 semaphore(%arg14 : memref<!tpu.dma_semaphore, #tpu.memory_space<semaphore_mem>>) src(%dma_wait3A_224 : memref<64xi32, #tpu.memory_space<hbm>>) dst(%dma_wait3A_221 : memref<64xi32, #tpu.memory_space<vmem>>)
    %dma_wait3A_225 = arith.constant 1 : i32
    %dma_wait3A_226 = arith.constant 0 : i32
    %dma_wait3A_227 = arith.constant 0 : i32
    %dma_wait3A_228 = tpu.memref_slice %arg9[%dma_wait3A_226, %dma_wait3A_227] : memref<5x64xi32, #tpu.memory_space<vmem>> -> memref<1x64xi32, #tpu.memory_space<vmem>>
    %dma_wait3A_229 = tpu.memref_squeeze %dma_wait3A_228 : memref<1x64xi32, #tpu.memory_space<vmem>> -> memref<64xi32, #tpu.memory_space<vmem>>
    %dma_wait3A_230 = arith.constant 0 : i32
    %dma_wait3A_231 = tpu.memref_slice %arg5[%dma_wait3A_225, %dma_wait3A_230] : memref<2x320000xi32, #tpu.memory_space<hbm>> -> memref<1x64xi32, #tpu.memory_space<hbm>>
    %dma_wait3A_232 = tpu.memref_squeeze %dma_wait3A_231 : memref<1x64xi32, #tpu.memory_space<hbm>> -> memref<64xi32, #tpu.memory_space<hbm>>
    %dma_wait3A_233 = arith.constant 0 : i32
    %dma_wait3A_234 = tpu.memref_slice %arg9[%dma_wait3A_226, %dma_wait3A_233] : memref<5x64xi32, #tpu.memory_space<vmem>> -> memref<1x64xi32, #tpu.memory_space<vmem>>
    %dma_wait3A_235 = tpu.memref_squeeze %dma_wait3A_234 : memref<1x64xi32, #tpu.memory_space<vmem>> -> memref<64xi32, #tpu.memory_space<vmem>>
    %dma_wait3A_236 = arith.constant 0 : i32
    %dma_wait3A_237 = tpu.memref_slice %arg5[%dma_wait3A_225, %dma_wait3A_236] : memref<2x320000xi32, #tpu.memory_space<hbm>> -> memref<1x64xi32, #tpu.memory_space<hbm>>
    %dma_wait3A_238 = tpu.memref_squeeze %dma_wait3A_237 : memref<1x64xi32, #tpu.memory_space<hbm>> -> memref<64xi32, #tpu.memory_space<hbm>>
    tpu.wait_dma2 semaphore(%arg14 : memref<!tpu.dma_semaphore, #tpu.memory_space<semaphore_mem>>) src(%dma_wait3A_238 : memref<64xi32, #tpu.memory_space<hbm>>) dst(%dma_wait3A_235 : memref<64xi32, #tpu.memory_space<vmem>>)
    %dma_wait3A_239 = arith.constant 0 : i32
    %dma_wait3A_240 = arith.constant 0 : i32
    %dma_wait3A_241 = arith.constant 0 : i32
    %dma_wait3A_242 = tpu.memref_slice %arg10[%dma_wait3A_240, %dma_wait3A_241] : memref<6x64xf32, #tpu.memory_space<vmem>> -> memref<1x64xf32, #tpu.memory_space<vmem>>
    %dma_wait3A_243 = tpu.memref_squeeze %dma_wait3A_242 : memref<1x64xf32, #tpu.memory_space<vmem>> -> memref<64xf32, #tpu.memory_space<vmem>>
    %dma_wait3A_244 = arith.constant 0 : i32
    %dma_wait3A_245 = tpu.memref_slice %arg4[%dma_wait3A_239, %dma_wait3A_244] : memref<5000x64xf32, #tpu.memory_space<hbm>> -> memref<1x64xf32, #tpu.memory_space<hbm>>
    %dma_wait3A_246 = tpu.memref_squeeze %dma_wait3A_245 : memref<1x64xf32, #tpu.memory_space<hbm>> -> memref<64xf32, #tpu.memory_space<hbm>>
    %dma_wait3A_247 = arith.constant 0 : i32
    %dma_wait3A_248 = tpu.memref_slice %arg10[%dma_wait3A_240, %dma_wait3A_247] : memref<6x64xf32, #tpu.memory_space<vmem>> -> memref<1x64xf32, #tpu.memory_space<vmem>>
    %dma_wait3A_249 = tpu.memref_squeeze %dma_wait3A_248 : memref<1x64xf32, #tpu.memory_space<vmem>> -> memref<64xf32, #tpu.memory_space<vmem>>
    %dma_wait3A_250 = arith.constant 0 : i32
    %dma_wait3A_251 = tpu.memref_slice %arg4[%dma_wait3A_239, %dma_wait3A_250] : memref<5000x64xf32, #tpu.memory_space<hbm>> -> memref<1x64xf32, #tpu.memory_space<hbm>>
    %dma_wait3A_252 = tpu.memref_squeeze %dma_wait3A_251 : memref<1x64xf32, #tpu.memory_space<hbm>> -> memref<64xf32, #tpu.memory_space<hbm>>
    tpu.wait_dma2 semaphore(%arg14 : memref<!tpu.dma_semaphore, #tpu.memory_space<semaphore_mem>>) src(%dma_wait3A_252 : memref<64xf32, #tpu.memory_space<hbm>>) dst(%dma_wait3A_249 : memref<64xf32, #tpu.memory_space<vmem>>)
    %dma_wait3A_253 = arith.constant 0 : i32
    %dma_wait3A_254 = arith.constant 0 : i32
    %dma_wait3A_255 = arith.constant 0 : i32
    %dma_wait3A_256 = tpu.memref_slice %arg8[%dma_wait3A_254, %dma_wait3A_255] : memref<5x64xi32, #tpu.memory_space<vmem>> -> memref<1x64xi32, #tpu.memory_space<vmem>>
    %dma_wait3A_257 = tpu.memref_squeeze %dma_wait3A_256 : memref<1x64xi32, #tpu.memory_space<vmem>> -> memref<64xi32, #tpu.memory_space<vmem>>
    %dma_wait3A_258 = arith.constant 0 : i32
    %dma_wait3A_259 = tpu.memref_slice %arg5[%dma_wait3A_253, %dma_wait3A_258] : memref<2x320000xi32, #tpu.memory_space<hbm>> -> memref<1x64xi32, #tpu.memory_space<hbm>>
    %dma_wait3A_260 = tpu.memref_squeeze %dma_wait3A_259 : memref<1x64xi32, #tpu.memory_space<hbm>> -> memref<64xi32, #tpu.memory_space<hbm>>
    %dma_wait3A_261 = arith.constant 0 : i32
    %dma_wait3A_262 = tpu.memref_slice %arg8[%dma_wait3A_254, %dma_wait3A_261] : memref<5x64xi32, #tpu.memory_space<vmem>> -> memref<1x64xi32, #tpu.memory_space<vmem>>
    %dma_wait3A_263 = tpu.memref_squeeze %dma_wait3A_262 : memref<1x64xi32, #tpu.memory_space<vmem>> -> memref<64xi32, #tpu.memory_space<vmem>>
    %dma_wait3A_264 = arith.constant 0 : i32
    %dma_wait3A_265 = tpu.memref_slice %arg5[%dma_wait3A_253, %dma_wait3A_264] : memref<2x320000xi32, #tpu.memory_space<hbm>> -> memref<1x64xi32, #tpu.memory_space<hbm>>
    %dma_wait3A_266 = tpu.memref_squeeze %dma_wait3A_265 : memref<1x64xi32, #tpu.memory_space<hbm>> -> memref<64xi32, #tpu.memory_space<hbm>>
    tpu.wait_dma2 semaphore(%arg14 : memref<!tpu.dma_semaphore, #tpu.memory_space<semaphore_mem>>) src(%dma_wait3A_266 : memref<64xi32, #tpu.memory_space<hbm>>) dst(%dma_wait3A_263 : memref<64xi32, #tpu.memory_space<vmem>>)
    %dma_wait3A_267 = arith.constant 1 : i32
    %dma_wait3A_268 = arith.constant 0 : i32
    %dma_wait3A_269 = arith.constant 0 : i32
    %dma_wait3A_270 = tpu.memref_slice %arg9[%dma_wait3A_268, %dma_wait3A_269] : memref<5x64xi32, #tpu.memory_space<vmem>> -> memref<1x64xi32, #tpu.memory_space<vmem>>
    %dma_wait3A_271 = tpu.memref_squeeze %dma_wait3A_270 : memref<1x64xi32, #tpu.memory_space<vmem>> -> memref<64xi32, #tpu.memory_space<vmem>>
    %dma_wait3A_272 = arith.constant 0 : i32
    %dma_wait3A_273 = tpu.memref_slice %arg5[%dma_wait3A_267, %dma_wait3A_272] : memref<2x320000xi32, #tpu.memory_space<hbm>> -> memref<1x64xi32, #tpu.memory_space<hbm>>
    %dma_wait3A_274 = tpu.memref_squeeze %dma_wait3A_273 : memref<1x64xi32, #tpu.memory_space<hbm>> -> memref<64xi32, #tpu.memory_space<hbm>>
    %dma_wait3A_275 = arith.constant 0 : i32
    %dma_wait3A_276 = tpu.memref_slice %arg9[%dma_wait3A_268, %dma_wait3A_275] : memref<5x64xi32, #tpu.memory_space<vmem>> -> memref<1x64xi32, #tpu.memory_space<vmem>>
    %dma_wait3A_277 = tpu.memref_squeeze %dma_wait3A_276 : memref<1x64xi32, #tpu.memory_space<vmem>> -> memref<64xi32, #tpu.memory_space<vmem>>
    %dma_wait3A_278 = arith.constant 0 : i32
    %dma_wait3A_279 = tpu.memref_slice %arg5[%dma_wait3A_267, %dma_wait3A_278] : memref<2x320000xi32, #tpu.memory_space<hbm>> -> memref<1x64xi32, #tpu.memory_space<hbm>>
    %dma_wait3A_280 = tpu.memref_squeeze %dma_wait3A_279 : memref<1x64xi32, #tpu.memory_space<hbm>> -> memref<64xi32, #tpu.memory_space<hbm>>
    tpu.wait_dma2 semaphore(%arg14 : memref<!tpu.dma_semaphore, #tpu.memory_space<semaphore_mem>>) src(%dma_wait3A_280 : memref<64xi32, #tpu.memory_space<hbm>>) dst(%dma_wait3A_277 : memref<64xi32, #tpu.memory_space<vmem>>)
    %dma_wait3A_281 = arith.constant 0 : i32
    %dma_wait3A_282 = arith.constant 0 : i32
    %dma_wait3A_283 = arith.constant 0 : i32
    %dma_wait3A_284 = tpu.memref_slice %arg10[%dma_wait3A_282, %dma_wait3A_283] : memref<6x64xf32, #tpu.memory_space<vmem>> -> memref<1x64xf32, #tpu.memory_space<vmem>>
    %dma_wait3A_285 = tpu.memref_squeeze %dma_wait3A_284 : memref<1x64xf32, #tpu.memory_space<vmem>> -> memref<64xf32, #tpu.memory_space<vmem>>
    %dma_wait3A_286 = arith.constant 0 : i32
    %dma_wait3A_287 = tpu.memref_slice %arg4[%dma_wait3A_281, %dma_wait3A_286] : memref<5000x64xf32, #tpu.memory_space<hbm>> -> memref<1x64xf32, #tpu.memory_space<hbm>>
    %dma_wait3A_288 = tpu.memref_squeeze %dma_wait3A_287 : memref<1x64xf32, #tpu.memory_space<hbm>> -> memref<64xf32, #tpu.memory_space<hbm>>
    %dma_wait3A_289 = arith.constant 0 : i32
    %dma_wait3A_290 = tpu.memref_slice %arg10[%dma_wait3A_282, %dma_wait3A_289] : memref<6x64xf32, #tpu.memory_space<vmem>> -> memref<1x64xf32, #tpu.memory_space<vmem>>
    %dma_wait3A_291 = tpu.memref_squeeze %dma_wait3A_290 : memref<1x64xf32, #tpu.memory_space<vmem>> -> memref<64xf32, #tpu.memory_space<vmem>>
    %dma_wait3A_292 = arith.constant 0 : i32
    %dma_wait3A_293 = tpu.memref_slice %arg4[%dma_wait3A_281, %dma_wait3A_292] : memref<5000x64xf32, #tpu.memory_space<hbm>> -> memref<1x64xf32, #tpu.memory_space<hbm>>
    %dma_wait3A_294 = tpu.memref_squeeze %dma_wait3A_293 : memref<1x64xf32, #tpu.memory_space<hbm>> -> memref<64xf32, #tpu.memory_space<hbm>>
    tpu.wait_dma2 semaphore(%arg14 : memref<!tpu.dma_semaphore, #tpu.memory_space<semaphore_mem>>) src(%dma_wait3A_294 : memref<64xf32, #tpu.memory_space<hbm>>) dst(%dma_wait3A_291 : memref<64xf32, #tpu.memory_space<vmem>>)
    %rem3A_295 = arith.constant 0 : i32
    %rem3A_296 = arith.constant 5 : i32
    %rem3A_297 = arith.remsi %rem3A_295, %rem3A_296 : i32
    %rem3A_298 = arith.constant 0 : i32
    %rem3A_299 = arith.constant 3 : i32
    %rem3A_300 = arith.remsi %rem3A_298, %rem3A_299 : i32
    %dma_start3A_301 = arith.constant 0 : i32
    %dma_start3A_302 = arith.constant 0 : i32
    %dma_start3A_303 = tpu.memref_slice %arg11[%rem3A_300, %dma_start3A_301, %dma_start3A_302] : memref<3x64x128xf32, #tpu.memory_space<vmem>> -> memref<1x64x128xf32, #tpu.memory_space<vmem>>
    %dma_start3A_304 = tpu.memref_squeeze %dma_start3A_303 : memref<1x64x128xf32, #tpu.memory_space<vmem>> -> memref<64x128xf32, #tpu.memory_space<vmem>>
    %dma_start3A_305 = arith.constant 0 : i32
    %dma_start3A_306 = tpu.memref_slice %arg8[%rem3A_297, %dma_start3A_305] : memref<5x64xi32, #tpu.memory_space<vmem>> -> memref<1x64xi32, #tpu.memory_space<vmem>>
    %dma_start3A_307 = tpu.memref_squeeze %dma_start3A_306 : memref<1x64xi32, #tpu.memory_space<vmem>> -> memref<64xi32, #tpu.memory_space<vmem>>
    %dma_start3A_308 = arith.constant 0 : i32
    %dma_start3A_309 = arith.constant 0 : i32
    %dma_start3A_310 = tpu.memref_slice %arg2[%dma_start3A_308, %dma_start3A_309] : memref<10000x128xf32, #tpu.memory_space<hbm>> -> memref<10000x128xf32, #tpu.memory_space<hbm>>
    tpu.enqueue_indirect_dma source(%dma_start3A_310 : memref<10000x128xf32, #tpu.memory_space<hbm>>) target(%dma_start3A_304 : memref<64x128xf32, #tpu.memory_space<vmem>>) offsets(%dma_start3A_307 : memref<64xi32, #tpu.memory_space<vmem>>) semaphore(%arg15 : memref<!tpu.dma_semaphore, #tpu.memory_space<semaphore_mem>>)
    %rem3A_311 = arith.constant 1 : i32
    %rem3A_312 = arith.constant 5 : i32
    %rem3A_313 = arith.remsi %rem3A_311, %rem3A_312 : i32
    %rem3A_314 = arith.constant 1 : i32
    %rem3A_315 = arith.constant 3 : i32
    %rem3A_316 = arith.remsi %rem3A_314, %rem3A_315 : i32
    %dma_start3A_317 = arith.constant 0 : i32
    %dma_start3A_318 = arith.constant 0 : i32
    %dma_start3A_319 = tpu.memref_slice %arg11[%rem3A_316, %dma_start3A_317, %dma_start3A_318] : memref<3x64x128xf32, #tpu.memory_space<vmem>> -> memref<1x64x128xf32, #tpu.memory_space<vmem>>
    %dma_start3A_320 = tpu.memref_squeeze %dma_start3A_319 : memref<1x64x128xf32, #tpu.memory_space<vmem>> -> memref<64x128xf32, #tpu.memory_space<vmem>>
    %dma_start3A_321 = arith.constant 0 : i32
    %dma_start3A_322 = tpu.memref_slice %arg8[%rem3A_313, %dma_start3A_321] : memref<5x64xi32, #tpu.memory_space<vmem>> -> memref<1x64xi32, #tpu.memory_space<vmem>>
    %dma_start3A_323 = tpu.memref_squeeze %dma_start3A_322 : memref<1x64xi32, #tpu.memory_space<vmem>> -> memref<64xi32, #tpu.memory_space<vmem>>
    %dma_start3A_324 = arith.constant 0 : i32
    %dma_start3A_325 = arith.constant 0 : i32
    %dma_start3A_326 = tpu.memref_slice %arg2[%dma_start3A_324, %dma_start3A_325] : memref<10000x128xf32, #tpu.memory_space<hbm>> -> memref<10000x128xf32, #tpu.memory_space<hbm>>
    tpu.enqueue_indirect_dma source(%dma_start3A_326 : memref<10000x128xf32, #tpu.memory_space<hbm>>) target(%dma_start3A_320 : memref<64x128xf32, #tpu.memory_space<vmem>>) offsets(%dma_start3A_323 : memref<64xi32, #tpu.memory_space<vmem>>) semaphore(%arg15 : memref<!tpu.dma_semaphore, #tpu.memory_space<semaphore_mem>>)
    %add3A_327 = arith.constant 0 : i32
    %add3A_328 = arith.addi %add3A_4, %add3A_327 : i32
    %mul3A_329 = arith.constant 64 : i32
    %mul3A_330 = arith.muli %add3A_328, %mul3A_329 : i32
    %rem3A_331 = arith.constant 0 : i32
    %rem3A_332 = arith.constant 2 : i32
    %rem3A_333 = arith.remsi %rem3A_331, %rem3A_332 : i32
    %dma_start3A_334 = arith.constant 0 : i32
    %dma_start3A_335 = arith.constant 0 : i32
    %dma_start3A_336 = tpu.memref_slice %arg12[%rem3A_333, %dma_start3A_334, %dma_start3A_335] : memref<2x64x128xf32, #tpu.memory_space<vmem>> -> memref<1x64x128xf32, #tpu.memory_space<vmem>>
    %dma_start3A_337 = tpu.memref_squeeze %dma_start3A_336 : memref<1x64x128xf32, #tpu.memory_space<vmem>> -> memref<64x128xf32, #tpu.memory_space<vmem>>
    %dma_start3A_338 = arith.constant 0 : i32
    %dma_start3A_339 = tpu.memref_slice %arg3[%mul3A_330, %dma_start3A_338] : memref<320000x128xf32, #tpu.memory_space<hbm>> -> memref<64x128xf32, #tpu.memory_space<hbm>>
    %dma_start3A_340 = arith.constant 0 : i32
    %dma_start3A_341 = arith.constant 0 : i32
    %dma_start3A_342 = tpu.memref_slice %arg12[%rem3A_333, %dma_start3A_340, %dma_start3A_341] : memref<2x64x128xf32, #tpu.memory_space<vmem>> -> memref<1x64x128xf32, #tpu.memory_space<vmem>>
    %dma_start3A_343 = tpu.memref_squeeze %dma_start3A_342 : memref<1x64x128xf32, #tpu.memory_space<vmem>> -> memref<64x128xf32, #tpu.memory_space<vmem>>
    %dma_start3A_344 = arith.constant 0 : i32
    %dma_start3A_345 = tpu.memref_slice %arg3[%mul3A_330, %dma_start3A_344] : memref<320000x128xf32, #tpu.memory_space<hbm>> -> memref<64x128xf32, #tpu.memory_space<hbm>>
    tpu.enqueue_dma source(%dma_start3A_345 : memref<64x128xf32, #tpu.memory_space<hbm>>) target(%dma_start3A_343 : memref<64x128xf32, #tpu.memory_space<vmem>>) target_semaphore(%arg16 : memref<!tpu.dma_semaphore, #tpu.memory_space<semaphore_mem>>)
    %add3A_346 = arith.constant 1 : i32
    %add3A_347 = arith.addi %add3A_4, %add3A_346 : i32
    %mul3A_348 = arith.constant 64 : i32
    %mul3A_349 = arith.muli %add3A_347, %mul3A_348 : i32
    %rem3A_350 = arith.constant 1 : i32
    %rem3A_351 = arith.constant 2 : i32
    %rem3A_352 = arith.remsi %rem3A_350, %rem3A_351 : i32
    %dma_start3A_353 = arith.constant 0 : i32
    %dma_start3A_354 = arith.constant 0 : i32
    %dma_start3A_355 = tpu.memref_slice %arg12[%rem3A_352, %dma_start3A_353, %dma_start3A_354] : memref<2x64x128xf32, #tpu.memory_space<vmem>> -> memref<1x64x128xf32, #tpu.memory_space<vmem>>
    %dma_start3A_356 = tpu.memref_squeeze %dma_start3A_355 : memref<1x64x128xf32, #tpu.memory_space<vmem>> -> memref<64x128xf32, #tpu.memory_space<vmem>>
    %dma_start3A_357 = arith.constant 0 : i32
    %dma_start3A_358 = tpu.memref_slice %arg3[%mul3A_349, %dma_start3A_357] : memref<320000x128xf32, #tpu.memory_space<hbm>> -> memref<64x128xf32, #tpu.memory_space<hbm>>
    %dma_start3A_359 = arith.constant 0 : i32
    %dma_start3A_360 = arith.constant 0 : i32
    %dma_start3A_361 = tpu.memref_slice %arg12[%rem3A_352, %dma_start3A_359, %dma_start3A_360] : memref<2x64x128xf32, #tpu.memory_space<vmem>> -> memref<1x64x128xf32, #tpu.memory_space<vmem>>
    %dma_start3A_362 = tpu.memref_squeeze %dma_start3A_361 : memref<1x64x128xf32, #tpu.memory_space<vmem>> -> memref<64x128xf32, #tpu.memory_space<vmem>>
    %dma_start3A_363 = arith.constant 0 : i32
    %dma_start3A_364 = tpu.memref_slice %arg3[%mul3A_349, %dma_start3A_363] : memref<320000x128xf32, #tpu.memory_space<hbm>> -> memref<64x128xf32, #tpu.memory_space<hbm>>
    tpu.enqueue_dma source(%dma_start3A_364 : memref<64x128xf32, #tpu.memory_space<hbm>>) target(%dma_start3A_362 : memref<64x128xf32, #tpu.memory_space<vmem>>) target_semaphore(%arg16 : memref<!tpu.dma_semaphore, #tpu.memory_space<semaphore_mem>>)
    %while3A = arith.constant 0 : i32
    %while3A_365 = arith.constant 0 : i32
    %while3A_366 = arith.subi %select_n3A_7, %while3A_365 : i32
    %while3A_367 = arith.addi %while3A_365, %while3A_366 : i32
    %while3A_368 = arith.constant 1 : i32
    %while3A_369 = arith.divsi %while3A_366, %while3A_368 : i32
    %while3A_370 = arith.muli %while3A_369, %while3A_368 : i32
    %while3A_371 = arith.addi %while3A_365, %while3A_370 : i32
    %while3A_372 = arith.constant 1 : i32
    scf.for %while3A_392 = %while3A_365 to %while3A_371 step %while3A_372  : i32 {
      %rem3A_393 = arith.constant 5 : i32
      %rem3A_394 = arith.remsi %while3A_392, %rem3A_393 : i32
      %rem3A_395 = arith.constant 3 : i32
      %rem3A_396 = arith.remsi %while3A_392, %rem3A_395 : i32
      %rem3A_397 = arith.constant 2 : i32
      %rem3A_398 = arith.remsi %while3A_392, %rem3A_397 : i32
      %dma_wait3A_399 = arith.constant 0 : i32
      %dma_wait3A_400 = arith.constant 0 : i32
      %dma_wait3A_401 = arith.constant 0 : i32
      %dma_wait3A_402 = arith.constant 0 : i32
      %dma_wait3A_403 = tpu.memref_slice %arg11[%dma_wait3A_400, %dma_wait3A_401, %dma_wait3A_402] : memref<3x64x128xf32, #tpu.memory_space<vmem>> -> memref<1x64x128xf32, #tpu.memory_space<vmem>>
      %dma_wait3A_404 = tpu.memref_squeeze %dma_wait3A_403 : memref<1x64x128xf32, #tpu.memory_space<vmem>> -> memref<64x128xf32, #tpu.memory_space<vmem>>
      %dma_wait3A_405 = arith.constant 0 : i32
      %dma_wait3A_406 = tpu.memref_slice %arg8[%dma_wait3A_399, %dma_wait3A_405] : memref<5x64xi32, #tpu.memory_space<vmem>> -> memref<1x64xi32, #tpu.memory_space<vmem>>
      %dma_wait3A_407 = tpu.memref_squeeze %dma_wait3A_406 : memref<1x64xi32, #tpu.memory_space<vmem>> -> memref<64xi32, #tpu.memory_space<vmem>>
      %dma_wait3A_408 = arith.constant 0 : i32
      %dma_wait3A_409 = arith.constant 0 : i32
      %dma_wait3A_410 = tpu.memref_slice %arg2[%dma_wait3A_408, %dma_wait3A_409] : memref<10000x128xf32, #tpu.memory_space<hbm>> -> memref<10000x128xf32, #tpu.memory_space<hbm>>
      tpu.wait_indirect_dma semaphore(%arg15 : memref<!tpu.dma_semaphore, #tpu.memory_space<semaphore_mem>>) src(%dma_wait3A_410 : memref<10000x128xf32, #tpu.memory_space<hbm>>) dst(%dma_wait3A_404 : memref<64x128xf32, #tpu.memory_space<vmem>>)
      %dma_wait3A_411 = arith.constant 0 : i32
      %dma_wait3A_412 = arith.constant 0 : i32
      %dma_wait3A_413 = arith.constant 0 : i32
      %dma_wait3A_414 = tpu.memref_slice %arg12[%dma_wait3A_411, %dma_wait3A_412, %dma_wait3A_413] : memref<2x64x128xf32, #tpu.memory_space<vmem>> -> memref<1x64x128xf32, #tpu.memory_space<vmem>>
      %dma_wait3A_415 = tpu.memref_squeeze %dma_wait3A_414 : memref<1x64x128xf32, #tpu.memory_space<vmem>> -> memref<64x128xf32, #tpu.memory_space<vmem>>
      %dma_wait3A_416 = arith.constant 0 : i32
      %dma_wait3A_417 = arith.constant 0 : i32
      %dma_wait3A_418 = tpu.memref_slice %arg3[%dma_wait3A_416, %dma_wait3A_417] : memref<320000x128xf32, #tpu.memory_space<hbm>> -> memref<64x128xf32, #tpu.memory_space<hbm>>
      %dma_wait3A_419 = arith.constant 0 : i32
      %dma_wait3A_420 = arith.constant 0 : i32
      %dma_wait3A_421 = tpu.memref_slice %arg12[%dma_wait3A_411, %dma_wait3A_419, %dma_wait3A_420] : memref<2x64x128xf32, #tpu.memory_space<vmem>> -> memref<1x64x128xf32, #tpu.memory_space<vmem>>
      %dma_wait3A_422 = tpu.memref_squeeze %dma_wait3A_421 : memref<1x64x128xf32, #tpu.memory_space<vmem>> -> memref<64x128xf32, #tpu.memory_space<vmem>>
      %dma_wait3A_423 = arith.constant 0 : i32
      %dma_wait3A_424 = arith.constant 0 : i32
      %dma_wait3A_425 = tpu.memref_slice %arg3[%dma_wait3A_423, %dma_wait3A_424] : memref<320000x128xf32, #tpu.memory_space<hbm>> -> memref<64x128xf32, #tpu.memory_space<hbm>>
      tpu.wait_dma2 semaphore(%arg16 : memref<!tpu.dma_semaphore, #tpu.memory_space<semaphore_mem>>) src(%dma_wait3A_425 : memref<64x128xf32, #tpu.memory_space<hbm>>) dst(%dma_wait3A_422 : memref<64x128xf32, #tpu.memory_space<vmem>>)
      %parallel_loop3A = arith.constant 0 : i32
      %parallel_loop3A_426 = arith.constant 64 : i32
      %parallel_loop3A_427 = arith.constant 1 : i32
      scf.for %parallel_loop3A_454 = %parallel_loop3A to %parallel_loop3A_426 step %parallel_loop3A_427  : i32 {
        %parallel_loop3A_455 = arith.index_cast %rem3A_394 : i32 to index
        %parallel_loop3A_456 = arith.index_cast %parallel_loop3A_454 : i32 to index
        %parallel_loop3A_457 = tpu.vector_load %arg10[%parallel_loop3A_455, %parallel_loop3A_456] {strides = array<i32>} : memref<6x64xf32, #tpu.memory_space<vmem>>, vector<1x16xf32>,
        %parallel_loop3A_458 = vector.shape_cast %parallel_loop3A_457 : vector<1x16xf32> to vector<16xf32>
        %parallel_loop3A_459 = vector.extract_strided_slice %parallel_loop3A_458 {offsets = [0], sizes = [1], strides = [1]} : vector<16xf32> to vector<1xf32>
        %parallel_loop3A_460 = vector.extract %parallel_loop3A_459[0] : f32 from vector<1xf32>
        %parallel_loop3A_461 = arith.index_cast %rem3A_396 : i32 to index
        %parallel_loop3A_462 = arith.index_cast %parallel_loop3A_454 : i32 to index
        %parallel_loop3A_463 = arith.constant 0 : index
        %parallel_loop3A_464 = tpu.vector_load %arg11[%parallel_loop3A_461, %parallel_loop3A_462, %parallel_loop3A_463] {strides = array<i32>} : memref<3x64x128xf32, #tpu.memory_space<vmem>>, vector<1x1x16xf32>,
        %parallel_loop3A_465 = vector.shape_cast %parallel_loop3A_464 : vector<1x1x16xf32> to vector<16xf32>
        %parallel_loop3A_466 = arith.index_cast %rem3A_398 : i32 to index
        %parallel_loop3A_467 = arith.index_cast %parallel_loop3A_454 : i32 to index
        %parallel_loop3A_468 = arith.constant 0 : index
        %parallel_loop3A_469 = tpu.vector_load %arg12[%parallel_loop3A_466, %parallel_loop3A_467, %parallel_loop3A_468] {strides = array<i32>} : memref<2x64x128xf32, #tpu.memory_space<vmem>>, vector<1x1x16xf32>,
        %parallel_loop3A_470 = vector.shape_cast %parallel_loop3A_469 : vector<1x1x16xf32> to vector<16xf32>
        %parallel_loop3A_471 = vector.broadcast %parallel_loop3A_460 : f32 to vector<16xf32>
        %parallel_loop3A_472 = arith.mulf %parallel_loop3A_470, %parallel_loop3A_471 : vector<16xf32>
        %parallel_loop3A_473 = arith.mulf %parallel_loop3A_465, %parallel_loop3A_472 : vector<16xf32>
        %parallel_loop3A_474 = arith.index_cast %rem3A_396 : i32 to index
        %parallel_loop3A_475 = arith.index_cast %parallel_loop3A_454 : i32 to index
        %parallel_loop3A_476 = arith.constant 0 : index
        %parallel_loop3A_477 = tpu.vector_load %arg11[%parallel_loop3A_474, %parallel_loop3A_475, %parallel_loop3A_476] {strides = array<i32>} : memref<3x64x128xf32, #tpu.memory_space<vmem>>, vector<1x1x16xf32>,
        %parallel_loop3A_478 = vector.shape_cast %parallel_loop3A_477 : vector<1x1x16xf32> to vector<16xf32>
        %parallel_loop3A_479 = vector.shape_cast %parallel_loop3A_473 : vector<16xf32> to vector<1x1x16xf32>
        tpu.vector_store %arg11[%parallel_loop3A_474, %parallel_loop3A_475, %parallel_loop3A_476], %parallel_loop3A_479 {strides = array<i32>} : memref<3x64x128xf32, #tpu.memory_space<vmem>>, vector<1x1x16xf32>,
        %parallel_loop3A_480 = arith.index_cast %rem3A_396 : i32 to index
        %parallel_loop3A_481 = arith.index_cast %parallel_loop3A_454 : i32 to index
        %parallel_loop3A_482 = arith.constant 16 : index
        %parallel_loop3A_483 = tpu.vector_load %arg11[%parallel_loop3A_480, %parallel_loop3A_481, %parallel_loop3A_482] {strides = array<i32>} : memref<3x64x128xf32, #tpu.memory_space<vmem>>, vector<1x1x16xf32>,
        %parallel_loop3A_484 = vector.shape_cast %parallel_loop3A_483 : vector<1x1x16xf32> to vector<16xf32>
        %parallel_loop3A_485 = arith.index_cast %rem3A_398 : i32 to index
        %parallel_loop3A_486 = arith.index_cast %parallel_loop3A_454 : i32 to index
        %parallel_loop3A_487 = arith.constant 16 : index
        %parallel_loop3A_488 = tpu.vector_load %arg12[%parallel_loop3A_485, %parallel_loop3A_486, %parallel_loop3A_487] {strides = array<i32>} : memref<2x64x128xf32, #tpu.memory_space<vmem>>, vector<1x1x16xf32>,
        %parallel_loop3A_489 = vector.shape_cast %parallel_loop3A_488 : vector<1x1x16xf32> to vector<16xf32>
        %parallel_loop3A_490 = vector.broadcast %parallel_loop3A_460 : f32 to vector<16xf32>
        %parallel_loop3A_491 = arith.mulf %parallel_loop3A_489, %parallel_loop3A_490 : vector<16xf32>
        %parallel_loop3A_492 = arith.mulf %parallel_loop3A_484, %parallel_loop3A_491 : vector<16xf32>
        %parallel_loop3A_493 = arith.index_cast %rem3A_396 : i32 to index
        %parallel_loop3A_494 = arith.index_cast %parallel_loop3A_454 : i32 to index
        %parallel_loop3A_495 = arith.constant 16 : index
        %parallel_loop3A_496 = tpu.vector_load %arg11[%parallel_loop3A_493, %parallel_loop3A_494, %parallel_loop3A_495] {strides = array<i32>} : memref<3x64x128xf32, #tpu.memory_space<vmem>>, vector<1x1x16xf32>,
        %parallel_loop3A_497 = vector.shape_cast %parallel_loop3A_496 : vector<1x1x16xf32> to vector<16xf32>
        %parallel_loop3A_498 = vector.shape_cast %parallel_loop3A_492 : vector<16xf32> to vector<1x1x16xf32>
        tpu.vector_store %arg11[%parallel_loop3A_493, %parallel_loop3A_494, %parallel_loop3A_495], %parallel_loop3A_498 {strides = array<i32>} : memref<3x64x128xf32, #tpu.memory_space<vmem>>, vector<1x1x16xf32>,
        %parallel_loop3A_499 = arith.index_cast %rem3A_396 : i32 to index
        %parallel_loop3A_500 = arith.index_cast %parallel_loop3A_454 : i32 to index
        %parallel_loop3A_501 = arith.constant 32 : index
        %parallel_loop3A_502 = tpu.vector_load %arg11[%parallel_loop3A_499, %parallel_loop3A_500, %parallel_loop3A_501] {strides = array<i32>} : memref<3x64x128xf32, #tpu.memory_space<vmem>>, vector<1x1x16xf32>,
        %parallel_loop3A_503 = vector.shape_cast %parallel_loop3A_502 : vector<1x1x16xf32> to vector<16xf32>
        %parallel_loop3A_504 = arith.index_cast %rem3A_398 : i32 to index
        %parallel_loop3A_505 = arith.index_cast %parallel_loop3A_454 : i32 to index
        %parallel_loop3A_506 = arith.constant 32 : index
        %parallel_loop3A_507 = tpu.vector_load %arg12[%parallel_loop3A_504, %parallel_loop3A_505, %parallel_loop3A_506] {strides = array<i32>} : memref<2x64x128xf32, #tpu.memory_space<vmem>>, vector<1x1x16xf32>,
        %parallel_loop3A_508 = vector.shape_cast %parallel_loop3A_507 : vector<1x1x16xf32> to vector<16xf32>
        %parallel_loop3A_509 = vector.broadcast %parallel_loop3A_460 : f32 to vector<16xf32>
        %parallel_loop3A_510 = arith.mulf %parallel_loop3A_508, %parallel_loop3A_509 : vector<16xf32>
        %parallel_loop3A_511 = arith.mulf %parallel_loop3A_503, %parallel_loop3A_510 : vector<16xf32>
        %parallel_loop3A_512 = arith.index_cast %rem3A_396 : i32 to index
        %parallel_loop3A_513 = arith.index_cast %parallel_loop3A_454 : i32 to index
        %parallel_loop3A_514 = arith.constant 32 : index
        %parallel_loop3A_515 = tpu.vector_load %arg11[%parallel_loop3A_512, %parallel_loop3A_513, %parallel_loop3A_514] {strides = array<i32>} : memref<3x64x128xf32, #tpu.memory_space<vmem>>, vector<1x1x16xf32>,
        %parallel_loop3A_516 = vector.shape_cast %parallel_loop3A_515 : vector<1x1x16xf32> to vector<16xf32>
        %parallel_loop3A_517 = vector.shape_cast %parallel_loop3A_511 : vector<16xf32> to vector<1x1x16xf32>
        tpu.vector_store %arg11[%parallel_loop3A_512, %parallel_loop3A_513, %parallel_loop3A_514], %parallel_loop3A_517 {strides = array<i32>} : memref<3x64x128xf32, #tpu.memory_space<vmem>>, vector<1x1x16xf32>,
        %parallel_loop3A_518 = arith.index_cast %rem3A_396 : i32 to index
        %parallel_loop3A_519 = arith.index_cast %parallel_loop3A_454 : i32 to index
        %parallel_loop3A_520 = arith.constant 48 : index
        %parallel_loop3A_521 = tpu.vector_load %arg11[%parallel_loop3A_518, %parallel_loop3A_519, %parallel_loop3A_520] {strides = array<i32>} : memref<3x64x128xf32, #tpu.memory_space<vmem>>, vector<1x1x16xf32>,
        %parallel_loop3A_522 = vector.shape_cast %parallel_loop3A_521 : vector<1x1x16xf32> to vector<16xf32>
        %parallel_loop3A_523 = arith.index_cast %rem3A_398 : i32 to index
        %parallel_loop3A_524 = arith.index_cast %parallel_loop3A_454 : i32 to index
        %parallel_loop3A_525 = arith.constant 48 : index
        %parallel_loop3A_526 = tpu.vector_load %arg12[%parallel_loop3A_523, %parallel_loop3A_524, %parallel_loop3A_525] {strides = array<i32>} : memref<2x64x128xf32, #tpu.memory_space<vmem>>, vector<1x1x16xf32>,
        %parallel_loop3A_527 = vector.shape_cast %parallel_loop3A_526 : vector<1x1x16xf32> to vector<16xf32>
        %parallel_loop3A_528 = vector.broadcast %parallel_loop3A_460 : f32 to vector<16xf32>
        %parallel_loop3A_529 = arith.mulf %parallel_loop3A_527, %parallel_loop3A_528 : vector<16xf32>
        %parallel_loop3A_530 = arith.mulf %parallel_loop3A_522, %parallel_loop3A_529 : vector<16xf32>
        %parallel_loop3A_531 = arith.index_cast %rem3A_396 : i32 to index
        %parallel_loop3A_532 = arith.index_cast %parallel_loop3A_454 : i32 to index
        %parallel_loop3A_533 = arith.constant 48 : index
        %parallel_loop3A_534 = tpu.vector_load %arg11[%parallel_loop3A_531, %parallel_loop3A_532, %parallel_loop3A_533] {strides = array<i32>} : memref<3x64x128xf32, #tpu.memory_space<vmem>>, vector<1x1x16xf32>,
        %parallel_loop3A_535 = vector.shape_cast %parallel_loop3A_534 : vector<1x1x16xf32> to vector<16xf32>
        %parallel_loop3A_536 = vector.shape_cast %parallel_loop3A_530 : vector<16xf32> to vector<1x1x16xf32>
        tpu.vector_store %arg11[%parallel_loop3A_531, %parallel_loop3A_532, %parallel_loop3A_533], %parallel_loop3A_536 {strides = array<i32>} : memref<3x64x128xf32, #tpu.memory_space<vmem>>, vector<1x1x16xf32>,
        %parallel_loop3A_537 = arith.index_cast %rem3A_396 : i32 to index
        %parallel_loop3A_538 = arith.index_cast %parallel_loop3A_454 : i32 to index
        %parallel_loop3A_539 = arith.constant 64 : index
        %parallel_loop3A_540 = tpu.vector_load %arg11[%parallel_loop3A_537, %parallel_loop3A_538, %parallel_loop3A_539] {strides = array<i32>} : memref<3x64x128xf32, #tpu.memory_space<vmem>>, vector<1x1x16xf32>,
        %parallel_loop3A_541 = vector.shape_cast %parallel_loop3A_540 : vector<1x1x16xf32> to vector<16xf32>
        %parallel_loop3A_542 = arith.index_cast %rem3A_398 : i32 to index
        %parallel_loop3A_543 = arith.index_cast %parallel_loop3A_454 : i32 to index
        %parallel_loop3A_544 = arith.constant 64 : index
        %parallel_loop3A_545 = tpu.vector_load %arg12[%parallel_loop3A_542, %parallel_loop3A_543, %parallel_loop3A_544] {strides = array<i32>} : memref<2x64x128xf32, #tpu.memory_space<vmem>>, vector<1x1x16xf32>,
        %parallel_loop3A_546 = vector.shape_cast %parallel_loop3A_545 : vector<1x1x16xf32> to vector<16xf32>
        %parallel_loop3A_547 = vector.broadcast %parallel_loop3A_460 : f32 to vector<16xf32>
        %parallel_loop3A_548 = arith.mulf %parallel_loop3A_546, %parallel_loop3A_547 : vector<16xf32>
        %parallel_loop3A_549 = arith.mulf %parallel_loop3A_541, %parallel_loop3A_548 : vector<16xf32>
        %parallel_loop3A_550 = arith.index_cast %rem3A_396 : i32 to index
        %parallel_loop3A_551 = arith.index_cast %parallel_loop3A_454 : i32 to index
        %parallel_loop3A_552 = arith.constant 64 : index
        %parallel_loop3A_553 = tpu.vector_load %arg11[%parallel_loop3A_550, %parallel_loop3A_551, %parallel_loop3A_552] {strides = array<i32>} : memref<3x64x128xf32, #tpu.memory_space<vmem>>, vector<1x1x16xf32>,
        %parallel_loop3A_554 = vector.shape_cast %parallel_loop3A_553 : vector<1x1x16xf32> to vector<16xf32>
        %parallel_loop3A_555 = vector.shape_cast %parallel_loop3A_549 : vector<16xf32> to vector<1x1x16xf32>
        tpu.vector_store %arg11[%parallel_loop3A_550, %parallel_loop3A_551, %parallel_loop3A_552], %parallel_loop3A_555 {strides = array<i32>} : memref<3x64x128xf32, #tpu.memory_space<vmem>>, vector<1x1x16xf32>,
        %parallel_loop3A_556 = arith.index_cast %rem3A_396 : i32 to index
        %parallel_loop3A_557 = arith.index_cast %parallel_loop3A_454 : i32 to index
        %parallel_loop3A_558 = arith.constant 80 : index
        %parallel_loop3A_559 = tpu.vector_load %arg11[%parallel_loop3A_556, %parallel_loop3A_557, %parallel_loop3A_558] {strides = array<i32>} : memref<3x64x128xf32, #tpu.memory_space<vmem>>, vector<1x1x16xf32>,
        %parallel_loop3A_560 = vector.shape_cast %parallel_loop3A_559 : vector<1x1x16xf32> to vector<16xf32>
        %parallel_loop3A_561 = arith.index_cast %rem3A_398 : i32 to index
        %parallel_loop3A_562 = arith.index_cast %parallel_loop3A_454 : i32 to index
        %parallel_loop3A_563 = arith.constant 80 : index
        %parallel_loop3A_564 = tpu.vector_load %arg12[%parallel_loop3A_561, %parallel_loop3A_562, %parallel_loop3A_563] {strides = array<i32>} : memref<2x64x128xf32, #tpu.memory_space<vmem>>, vector<1x1x16xf32>,
        %parallel_loop3A_565 = vector.shape_cast %parallel_loop3A_564 : vector<1x1x16xf32> to vector<16xf32>
        %parallel_loop3A_566 = vector.broadcast %parallel_loop3A_460 : f32 to vector<16xf32>
        %parallel_loop3A_567 = arith.mulf %parallel_loop3A_565, %parallel_loop3A_566 : vector<16xf32>
        %parallel_loop3A_568 = arith.mulf %parallel_loop3A_560, %parallel_loop3A_567 : vector<16xf32>
        %parallel_loop3A_569 = arith.index_cast %rem3A_396 : i32 to index
        %parallel_loop3A_570 = arith.index_cast %parallel_loop3A_454 : i32 to index
        %parallel_loop3A_571 = arith.constant 80 : index
        %parallel_loop3A_572 = tpu.vector_load %arg11[%parallel_loop3A_569, %parallel_loop3A_570, %parallel_loop3A_571] {strides = array<i32>} : memref<3x64x128xf32, #tpu.memory_space<vmem>>, vector<1x1x16xf32>,
        %parallel_loop3A_573 = vector.shape_cast %parallel_loop3A_572 : vector<1x1x16xf32> to vector<16xf32>
        %parallel_loop3A_574 = vector.shape_cast %parallel_loop3A_568 : vector<16xf32> to vector<1x1x16xf32>
        tpu.vector_store %arg11[%parallel_loop3A_569, %parallel_loop3A_570, %parallel_loop3A_571], %parallel_loop3A_574 {strides = array<i32>} : memref<3x64x128xf32, #tpu.memory_space<vmem>>, vector<1x1x16xf32>,
        %parallel_loop3A_575 = arith.index_cast %rem3A_396 : i32 to index
        %parallel_loop3A_576 = arith.index_cast %parallel_loop3A_454 : i32 to index
        %parallel_loop3A_577 = arith.constant 96 : index
        %parallel_loop3A_578 = tpu.vector_load %arg11[%parallel_loop3A_575, %parallel_loop3A_576, %parallel_loop3A_577] {strides = array<i32>} : memref<3x64x128xf32, #tpu.memory_space<vmem>>, vector<1x1x16xf32>,
        %parallel_loop3A_579 = vector.shape_cast %parallel_loop3A_578 : vector<1x1x16xf32> to vector<16xf32>
        %parallel_loop3A_580 = arith.index_cast %rem3A_398 : i32 to index
        %parallel_loop3A_581 = arith.index_cast %parallel_loop3A_454 : i32 to index
        %parallel_loop3A_582 = arith.constant 96 : index
        %parallel_loop3A_583 = tpu.vector_load %arg12[%parallel_loop3A_580, %parallel_loop3A_581, %parallel_loop3A_582] {strides = array<i32>} : memref<2x64x128xf32, #tpu.memory_space<vmem>>, vector<1x1x16xf32>,
        %parallel_loop3A_584 = vector.shape_cast %parallel_loop3A_583 : vector<1x1x16xf32> to vector<16xf32>
        %parallel_loop3A_585 = vector.broadcast %parallel_loop3A_460 : f32 to vector<16xf32>
        %parallel_loop3A_586 = arith.mulf %parallel_loop3A_584, %parallel_loop3A_585 : vector<16xf32>
        %parallel_loop3A_587 = arith.mulf %parallel_loop3A_579, %parallel_loop3A_586 : vector<16xf32>
        %parallel_loop3A_588 = arith.index_cast %rem3A_396 : i32 to index
        %parallel_loop3A_589 = arith.index_cast %parallel_loop3A_454 : i32 to index
        %parallel_loop3A_590 = arith.constant 96 : index
        %parallel_loop3A_591 = tpu.vector_load %arg11[%parallel_loop3A_588, %parallel_loop3A_589, %parallel_loop3A_590] {strides = array<i32>} : memref<3x64x128xf32, #tpu.memory_space<vmem>>, vector<1x1x16xf32>,
        %parallel_loop3A_592 = vector.shape_cast %parallel_loop3A_591 : vector<1x1x16xf32> to vector<16xf32>
        %parallel_loop3A_593 = vector.shape_cast %parallel_loop3A_587 : vector<16xf32> to vector<1x1x16xf32>
        tpu.vector_store %arg11[%parallel_loop3A_588, %parallel_loop3A_589, %parallel_loop3A_590], %parallel_loop3A_593 {strides = array<i32>} : memref<3x64x128xf32, #tpu.memory_space<vmem>>, vector<1x1x16xf32>,
        %parallel_loop3A_594 = arith.index_cast %rem3A_396 : i32 to index
        %parallel_loop3A_595 = arith.index_cast %parallel_loop3A_454 : i32 to index
        %parallel_loop3A_596 = arith.constant 112 : index
        %parallel_loop3A_597 = tpu.vector_load %arg11[%parallel_loop3A_594, %parallel_loop3A_595, %parallel_loop3A_596] {strides = array<i32>} : memref<3x64x128xf32, #tpu.memory_space<vmem>>, vector<1x1x16xf32>,
        %parallel_loop3A_598 = vector.shape_cast %parallel_loop3A_597 : vector<1x1x16xf32> to vector<16xf32>
        %parallel_loop3A_599 = arith.index_cast %rem3A_398 : i32 to index
        %parallel_loop3A_600 = arith.index_cast %parallel_loop3A_454 : i32 to index
        %parallel_loop3A_601 = arith.constant 112 : index
        %parallel_loop3A_602 = tpu.vector_load %arg12[%parallel_loop3A_599, %parallel_loop3A_600, %parallel_loop3A_601] {strides = array<i32>} : memref<2x64x128xf32, #tpu.memory_space<vmem>>, vector<1x1x16xf32>,
        %parallel_loop3A_603 = vector.shape_cast %parallel_loop3A_602 : vector<1x1x16xf32> to vector<16xf32>
        %parallel_loop3A_604 = vector.broadcast %parallel_loop3A_460 : f32 to vector<16xf32>
        %parallel_loop3A_605 = arith.mulf %parallel_loop3A_603, %parallel_loop3A_604 : vector<16xf32>
        %parallel_loop3A_606 = arith.mulf %parallel_loop3A_598, %parallel_loop3A_605 : vector<16xf32>
        %parallel_loop3A_607 = arith.index_cast %rem3A_396 : i32 to index
        %parallel_loop3A_608 = arith.index_cast %parallel_loop3A_454 : i32 to index
        %parallel_loop3A_609 = arith.constant 112 : index
        %parallel_loop3A_610 = tpu.vector_load %arg11[%parallel_loop3A_607, %parallel_loop3A_608, %parallel_loop3A_609] {strides = array<i32>} : memref<3x64x128xf32, #tpu.memory_space<vmem>>, vector<1x1x16xf32>,
        %parallel_loop3A_611 = vector.shape_cast %parallel_loop3A_610 : vector<1x1x16xf32> to vector<16xf32>
        %parallel_loop3A_612 = vector.shape_cast %parallel_loop3A_606 : vector<16xf32> to vector<1x1x16xf32>
        tpu.vector_store %arg11[%parallel_loop3A_607, %parallel_loop3A_608, %parallel_loop3A_609], %parallel_loop3A_612 {strides = array<i32>} : memref<3x64x128xf32, #tpu.memory_space<vmem>>, vector<1x1x16xf32>,
      } {sc.loop_unroll_factor = 4 : i64, sc.parallel_access}
      %dma_start3A_428 = arith.constant 0 : i32
      %dma_start3A_429 = arith.constant 0 : i32
      %dma_start3A_430 = tpu.memref_slice %arg11[%rem3A_396, %dma_start3A_428, %dma_start3A_429] : memref<3x64x128xf32, #tpu.memory_space<vmem>> -> memref<1x64x128xf32, #tpu.memory_space<vmem>>
      %dma_start3A_431 = tpu.memref_squeeze %dma_start3A_430 : memref<1x64x128xf32, #tpu.memory_space<vmem>> -> memref<64x128xf32, #tpu.memory_space<vmem>>
      %dma_start3A_432 = arith.constant 0 : i32
      %dma_start3A_433 = tpu.memref_slice %arg9[%rem3A_394, %dma_start3A_432] : memref<5x64xi32, #tpu.memory_space<vmem>> -> memref<1x64xi32, #tpu.memory_space<vmem>>
      %dma_start3A_434 = tpu.memref_squeeze %dma_start3A_433 : memref<1x64xi32, #tpu.memory_space<vmem>> -> memref<64xi32, #tpu.memory_space<vmem>>
      %dma_start3A_435 = arith.constant 0 : i32
      %dma_start3A_436 = arith.constant 0 : i32
      %dma_start3A_437 = tpu.memref_slice %arg13[%dma_start3A_435, %dma_start3A_436] : memref<10000x128xf32, #tpu.memory_space<vmem_shared>> -> memref<10000x128xf32, #tpu.memory_space<vmem_shared>>
      tpu.enqueue_indirect_dma source(%dma_start3A_431 : memref<64x128xf32, #tpu.memory_space<vmem>>) target(%dma_start3A_437 : memref<10000x128xf32, #tpu.memory_space<vmem_shared>>) offsets(%dma_start3A_434 : memref<64xi32, #tpu.memory_space<vmem>>) semaphore(%arg17 : memref<!tpu.dma_semaphore, #tpu.memory_space<semaphore_mem>>) {add = true}
      %gt3A = arith.constant 0 : i32
      %gt3A_438 = arith.cmpi sgt, %while3A_392, %gt3A : i32
      %convert_element_type3A_439 = arith.extui %gt3A_438 : i1 to i32
      %cond3A_440 = arith.constant 0 : i32
      %cond3A_441 = arith.cmpi ne, %convert_element_type3A_439, %cond3A_440 : i32
      scf.if %cond3A_441 {
        %dma_wait3A_454 = arith.constant 0 : i32
        %dma_wait3A_455 = arith.constant 0 : i32
        %dma_wait3A_456 = arith.constant 0 : i32
        %dma_wait3A_457 = arith.constant 0 : i32
        %dma_wait3A_458 = tpu.memref_slice %arg11[%dma_wait3A_454, %dma_wait3A_456, %dma_wait3A_457] : memref<3x64x128xf32, #tpu.memory_space<vmem>> -> memref<1x64x128xf32, #tpu.memory_space<vmem>>
        %dma_wait3A_459 = tpu.memref_squeeze %dma_wait3A_458 : memref<1x64x128xf32, #tpu.memory_space<vmem>> -> memref<64x128xf32, #tpu.memory_space<vmem>>
        %dma_wait3A_460 = arith.constant 0 : i32
        %dma_wait3A_461 = tpu.memref_slice %arg9[%dma_wait3A_455, %dma_wait3A_460] : memref<5x64xi32, #tpu.memory_space<vmem>> -> memref<1x64xi32, #tpu.memory_space<vmem>>
        %dma_wait3A_462 = tpu.memref_squeeze %dma_wait3A_461 : memref<1x64xi32, #tpu.memory_space<vmem>> -> memref<64xi32, #tpu.memory_space<vmem>>
        %dma_wait3A_463 = arith.constant 0 : i32
        %dma_wait3A_464 = arith.constant 0 : i32
        %dma_wait3A_465 = tpu.memref_slice %arg13[%dma_wait3A_463, %dma_wait3A_464] : memref<10000x128xf32, #tpu.memory_space<vmem_shared>> -> memref<10000x128xf32, #tpu.memory_space<vmem_shared>>
        tpu.wait_indirect_dma semaphore(%arg17 : memref<!tpu.dma_semaphore, #tpu.memory_space<semaphore_mem>>) src(%dma_wait3A_459 : memref<64x128xf32, #tpu.memory_space<vmem>>) dst(%dma_wait3A_465 : memref<10000x128xf32, #tpu.memory_space<vmem_shared>>)
      } else {
      }
      %add3A_442 = arith.constant 2 : i32
      %add3A_443 = arith.addi %while3A_392, %add3A_442 : i32
      %lt3A_444 = arith.cmpi slt, %add3A_443, %select_n3A_7 : i32
      %convert_element_type3A_445 = arith.extui %lt3A_444 : i1 to i32
      %cond3A_446 = arith.constant 0 : i32
      %cond3A_447 = arith.cmpi ne, %convert_element_type3A_445, %cond3A_446 : i32
      scf.if %cond3A_447 {
        %dma_wait3A_454 = arith.constant 0 : i32
        %dma_wait3A_455 = arith.constant 0 : i32
        %dma_wait3A_456 = arith.constant 0 : i32
        %dma_wait3A_457 = tpu.memref_slice %arg8[%dma_wait3A_455, %dma_wait3A_456] : memref<5x64xi32, #tpu.memory_space<vmem>> -> memref<1x64xi32, #tpu.memory_space<vmem>>
        %dma_wait3A_458 = tpu.memref_squeeze %dma_wait3A_457 : memref<1x64xi32, #tpu.memory_space<vmem>> -> memref<64xi32, #tpu.memory_space<vmem>>
        %dma_wait3A_459 = arith.constant 0 : i32
        %dma_wait3A_460 = tpu.memref_slice %arg5[%dma_wait3A_454, %dma_wait3A_459] : memref<2x320000xi32, #tpu.memory_space<hbm>> -> memref<1x64xi32, #tpu.memory_space<hbm>>
        %dma_wait3A_461 = tpu.memref_squeeze %dma_wait3A_460 : memref<1x64xi32, #tpu.memory_space<hbm>> -> memref<64xi32, #tpu.memory_space<hbm>>
        %dma_wait3A_462 = arith.constant 0 : i32
        %dma_wait3A_463 = tpu.memref_slice %arg8[%dma_wait3A_455, %dma_wait3A_462] : memref<5x64xi32, #tpu.memory_space<vmem>> -> memref<1x64xi32, #tpu.memory_space<vmem>>
        %dma_wait3A_464 = tpu.memref_squeeze %dma_wait3A_463 : memref<1x64xi32, #tpu.memory_space<vmem>> -> memref<64xi32, #tpu.memory_space<vmem>>
        %dma_wait3A_465 = arith.constant 0 : i32
        %dma_wait3A_466 = tpu.memref_slice %arg5[%dma_wait3A_454, %dma_wait3A_465] : memref<2x320000xi32, #tpu.memory_space<hbm>> -> memref<1x64xi32, #tpu.memory_space<hbm>>
        %dma_wait3A_467 = tpu.memref_squeeze %dma_wait3A_466 : memref<1x64xi32, #tpu.memory_space<hbm>> -> memref<64xi32, #tpu.memory_space<hbm>>
        tpu.wait_dma2 semaphore(%arg14 : memref<!tpu.dma_semaphore, #tpu.memory_space<semaphore_mem>>) src(%dma_wait3A_467 : memref<64xi32, #tpu.memory_space<hbm>>) dst(%dma_wait3A_464 : memref<64xi32, #tpu.memory_space<vmem>>)
        %dma_wait3A_468 = arith.constant 1 : i32
        %dma_wait3A_469 = arith.constant 0 : i32
        %dma_wait3A_470 = arith.constant 0 : i32
        %dma_wait3A_471 = tpu.memref_slice %arg9[%dma_wait3A_469, %dma_wait3A_470] : memref<5x64xi32, #tpu.memory_space<vmem>> -> memref<1x64xi32, #tpu.memory_space<vmem>>
        %dma_wait3A_472 = tpu.memref_squeeze %dma_wait3A_471 : memref<1x64xi32, #tpu.memory_space<vmem>> -> memref<64xi32, #tpu.memory_space<vmem>>
        %dma_wait3A_473 = arith.constant 0 : i32
        %dma_wait3A_474 = tpu.memref_slice %arg5[%dma_wait3A_468, %dma_wait3A_473] : memref<2x320000xi32, #tpu.memory_space<hbm>> -> memref<1x64xi32, #tpu.memory_space<hbm>>
        %dma_wait3A_475 = tpu.memref_squeeze %dma_wait3A_474 : memref<1x64xi32, #tpu.memory_space<hbm>> -> memref<64xi32, #tpu.memory_space<hbm>>
        %dma_wait3A_476 = arith.constant 0 : i32
        %dma_wait3A_477 = tpu.memref_slice %arg9[%dma_wait3A_469, %dma_wait3A_476] : memref<5x64xi32, #tpu.memory_space<vmem>> -> memref<1x64xi32, #tpu.memory_space<vmem>>
        %dma_wait3A_478 = tpu.memref_squeeze %dma_wait3A_477 : memref<1x64xi32, #tpu.memory_space<vmem>> -> memref<64xi32, #tpu.memory_space<vmem>>
        %dma_wait3A_479 = arith.constant 0 : i32
        %dma_wait3A_480 = tpu.memref_slice %arg5[%dma_wait3A_468, %dma_wait3A_479] : memref<2x320000xi32, #tpu.memory_space<hbm>> -> memref<1x64xi32, #tpu.memory_space<hbm>>
        %dma_wait3A_481 = tpu.memref_squeeze %dma_wait3A_480 : memref<1x64xi32, #tpu.memory_space<hbm>> -> memref<64xi32, #tpu.memory_space<hbm>>
        tpu.wait_dma2 semaphore(%arg14 : memref<!tpu.dma_semaphore, #tpu.memory_space<semaphore_mem>>) src(%dma_wait3A_481 : memref<64xi32, #tpu.memory_space<hbm>>) dst(%dma_wait3A_478 : memref<64xi32, #tpu.memory_space<vmem>>)
        %dma_wait3A_482 = arith.constant 0 : i32
        %dma_wait3A_483 = arith.constant 0 : i32
        %dma_wait3A_484 = arith.constant 0 : i32
        %dma_wait3A_485 = tpu.memref_slice %arg10[%dma_wait3A_483, %dma_wait3A_484] : memref<6x64xf32, #tpu.memory_space<vmem>> -> memref<1x64xf32, #tpu.memory_space<vmem>>
        %dma_wait3A_486 = tpu.memref_squeeze %dma_wait3A_485 : memref<1x64xf32, #tpu.memory_space<vmem>> -> memref<64xf32, #tpu.memory_space<vmem>>
        %dma_wait3A_487 = arith.constant 0 : i32
        %dma_wait3A_488 = tpu.memref_slice %arg4[%dma_wait3A_482, %dma_wait3A_487] : memref<5000x64xf32, #tpu.memory_space<hbm>> -> memref<1x64xf32, #tpu.memory_space<hbm>>
        %dma_wait3A_489 = tpu.memref_squeeze %dma_wait3A_488 : memref<1x64xf32, #tpu.memory_space<hbm>> -> memref<64xf32, #tpu.memory_space<hbm>>
        %dma_wait3A_490 = arith.constant 0 : i32
        %dma_wait3A_491 = tpu.memref_slice %arg10[%dma_wait3A_483, %dma_wait3A_490] : memref<6x64xf32, #tpu.memory_space<vmem>> -> memref<1x64xf32, #tpu.memory_space<vmem>>
        %dma_wait3A_492 = tpu.memref_squeeze %dma_wait3A_491 : memref<1x64xf32, #tpu.memory_space<vmem>> -> memref<64xf32, #tpu.memory_space<vmem>>
        %dma_wait3A_493 = arith.constant 0 : i32
        %dma_wait3A_494 = tpu.memref_slice %arg4[%dma_wait3A_482, %dma_wait3A_493] : memref<5000x64xf32, #tpu.memory_space<hbm>> -> memref<1x64xf32, #tpu.memory_space<hbm>>
        %dma_wait3A_495 = tpu.memref_squeeze %dma_wait3A_494 : memref<1x64xf32, #tpu.memory_space<hbm>> -> memref<64xf32, #tpu.memory_space<hbm>>
        tpu.wait_dma2 semaphore(%arg14 : memref<!tpu.dma_semaphore, #tpu.memory_space<semaphore_mem>>) src(%dma_wait3A_495 : memref<64xf32, #tpu.memory_space<hbm>>) dst(%dma_wait3A_492 : memref<64xf32, #tpu.memory_space<vmem>>)
        %add3A_496 = arith.constant 2 : i32
        %add3A_497 = arith.addi %while3A_392, %add3A_496 : i32
        %rem3A_498 = arith.constant 5 : i32
        %rem3A_499 = arith.remsi %add3A_497, %rem3A_498 : i32
        %rem3A_500 = arith.constant 3 : i32
        %rem3A_501 = arith.remsi %add3A_497, %rem3A_500 : i32
        %dma_start3A_502 = arith.constant 0 : i32
        %dma_start3A_503 = arith.constant 0 : i32
        %dma_start3A_504 = tpu.memref_slice %arg11[%rem3A_501, %dma_start3A_502, %dma_start3A_503] : memref<3x64x128xf32, #tpu.memory_space<vmem>> -> memref<1x64x128xf32, #tpu.memory_space<vmem>>
        %dma_start3A_505 = tpu.memref_squeeze %dma_start3A_504 : memref<1x64x128xf32, #tpu.memory_space<vmem>> -> memref<64x128xf32, #tpu.memory_space<vmem>>
        %dma_start3A_506 = arith.constant 0 : i32
        %dma_start3A_507 = tpu.memref_slice %arg8[%rem3A_499, %dma_start3A_506] : memref<5x64xi32, #tpu.memory_space<vmem>> -> memref<1x64xi32, #tpu.memory_space<vmem>>
        %dma_start3A_508 = tpu.memref_squeeze %dma_start3A_507 : memref<1x64xi32, #tpu.memory_space<vmem>> -> memref<64xi32, #tpu.memory_space<vmem>>
        %dma_start3A_509 = arith.constant 0 : i32
        %dma_start3A_510 = arith.constant 0 : i32
        %dma_start3A_511 = tpu.memref_slice %arg2[%dma_start3A_509, %dma_start3A_510] : memref<10000x128xf32, #tpu.memory_space<hbm>> -> memref<10000x128xf32, #tpu.memory_space<hbm>>
        tpu.enqueue_indirect_dma source(%dma_start3A_511 : memref<10000x128xf32, #tpu.memory_space<hbm>>) target(%dma_start3A_505 : memref<64x128xf32, #tpu.memory_space<vmem>>) offsets(%dma_start3A_508 : memref<64xi32, #tpu.memory_space<vmem>>) semaphore(%arg15 : memref<!tpu.dma_semaphore, #tpu.memory_space<semaphore_mem>>)
        %add3A_512 = arith.constant 2 : i32
        %add3A_513 = arith.addi %while3A_392, %add3A_512 : i32
        %add3A_514 = arith.addi %add3A_4, %add3A_513 : i32
        %mul3A_515 = arith.constant 64 : i32
        %mul3A_516 = arith.muli %add3A_514, %mul3A_515 : i32
        %rem3A_517 = arith.constant 2 : i32
        %rem3A_518 = arith.remsi %add3A_513, %rem3A_517 : i32
        %dma_start3A_519 = arith.constant 0 : i32
        %dma_start3A_520 = arith.constant 0 : i32
        %dma_start3A_521 = tpu.memref_slice %arg12[%rem3A_518, %dma_start3A_519, %dma_start3A_520] : memref<2x64x128xf32, #tpu.memory_space<vmem>> -> memref<1x64x128xf32, #tpu.memory_space<vmem>>
        %dma_start3A_522 = tpu.memref_squeeze %dma_start3A_521 : memref<1x64x128xf32, #tpu.memory_space<vmem>> -> memref<64x128xf32, #tpu.memory_space<vmem>>
        %dma_start3A_523 = arith.constant 0 : i32
        %dma_start3A_524 = tpu.memref_slice %arg3[%mul3A_516, %dma_start3A_523] : memref<320000x128xf32, #tpu.memory_space<hbm>> -> memref<64x128xf32, #tpu.memory_space<hbm>>
        %dma_start3A_525 = arith.constant 0 : i32
        %dma_start3A_526 = arith.constant 0 : i32
        %dma_start3A_527 = tpu.memref_slice %arg12[%rem3A_518, %dma_start3A_525, %dma_start3A_526] : memref<2x64x128xf32, #tpu.memory_space<vmem>> -> memref<1x64x128xf32, #tpu.memory_space<vmem>>
        %dma_start3A_528 = tpu.memref_squeeze %dma_start3A_527 : memref<1x64x128xf32, #tpu.memory_space<vmem>> -> memref<64x128xf32, #tpu.memory_space<vmem>>
        %dma_start3A_529 = arith.constant 0 : i32
        %dma_start3A_530 = tpu.memref_slice %arg3[%mul3A_516, %dma_start3A_529] : memref<320000x128xf32, #tpu.memory_space<hbm>> -> memref<64x128xf32, #tpu.memory_space<hbm>>
        tpu.enqueue_dma source(%dma_start3A_530 : memref<64x128xf32, #tpu.memory_space<hbm>>) target(%dma_start3A_528 : memref<64x128xf32, #tpu.memory_space<vmem>>) target_semaphore(%arg16 : memref<!tpu.dma_semaphore, #tpu.memory_space<semaphore_mem>>)
      } else {
      }
      %add3A_448 = arith.constant 4 : i32
      %add3A_449 = arith.addi %while3A_392, %add3A_448 : i32
      %lt3A_450 = arith.cmpi slt, %add3A_449, %select_n3A_7 : i32
      %convert_element_type3A_451 = arith.extui %lt3A_450 : i1 to i32
      %cond3A_452 = arith.constant 0 : i32
      %cond3A_453 = arith.cmpi ne, %convert_element_type3A_451, %cond3A_452 : i32
      scf.if %cond3A_453 {
        %add3A_454 = arith.constant 4 : i32
        %add3A_455 = arith.addi %while3A_392, %add3A_454 : i32
        %rem3A_456 = arith.constant 5 : i32
        %rem3A_457 = arith.remsi %add3A_455, %rem3A_456 : i32
        %add3A_458 = arith.addi %add3A_4, %add3A_455 : i32
        %mul3A_459 = arith.constant 64 : i32
        %mul3A_460 = arith.muli %add3A_458, %mul3A_459 : i32
        %dma_start3A_461 = arith.constant 0 : i32
        %dma_start3A_462 = arith.constant 0 : i32
        %dma_start3A_463 = tpu.memref_slice %arg8[%rem3A_457, %dma_start3A_462] : memref<5x64xi32, #tpu.memory_space<vmem>> -> memref<1x64xi32, #tpu.memory_space<vmem>>
        %dma_start3A_464 = tpu.memref_squeeze %dma_start3A_463 : memref<1x64xi32, #tpu.memory_space<vmem>> -> memref<64xi32, #tpu.memory_space<vmem>>
        %dma_start3A_465 = tpu.memref_slice %arg5[%dma_start3A_461, %mul3A_460] : memref<2x320000xi32, #tpu.memory_space<hbm>> -> memref<1x64xi32, #tpu.memory_space<hbm>>
        %dma_start3A_466 = tpu.memref_squeeze %dma_start3A_465 : memref<1x64xi32, #tpu.memory_space<hbm>> -> memref<64xi32, #tpu.memory_space<hbm>>
        %dma_start3A_467 = arith.constant 0 : i32
        %dma_start3A_468 = tpu.memref_slice %arg8[%rem3A_457, %dma_start3A_467] : memref<5x64xi32, #tpu.memory_space<vmem>> -> memref<1x64xi32, #tpu.memory_space<vmem>>
        %dma_start3A_469 = tpu.memref_squeeze %dma_start3A_468 : memref<1x64xi32, #tpu.memory_space<vmem>> -> memref<64xi32, #tpu.memory_space<vmem>>
        %dma_start3A_470 = tpu.memref_slice %arg5[%dma_start3A_461, %mul3A_460] : memref<2x320000xi32, #tpu.memory_space<hbm>> -> memref<1x64xi32, #tpu.memory_space<hbm>>
        %dma_start3A_471 = tpu.memref_squeeze %dma_start3A_470 : memref<1x64xi32, #tpu.memory_space<hbm>> -> memref<64xi32, #tpu.memory_space<hbm>>
        tpu.enqueue_dma source(%dma_start3A_471 : memref<64xi32, #tpu.memory_space<hbm>>) target(%dma_start3A_469 : memref<64xi32, #tpu.memory_space<vmem>>) target_semaphore(%arg14 : memref<!tpu.dma_semaphore, #tpu.memory_space<semaphore_mem>>)
        %dma_start3A_472 = arith.constant 1 : i32
        %dma_start3A_473 = arith.constant 0 : i32
        %dma_start3A_474 = tpu.memref_slice %arg9[%rem3A_457, %dma_start3A_473] : memref<5x64xi32, #tpu.memory_space<vmem>> -> memref<1x64xi32, #tpu.memory_space<vmem>>
        %dma_start3A_475 = tpu.memref_squeeze %dma_start3A_474 : memref<1x64xi32, #tpu.memory_space<vmem>> -> memref<64xi32, #tpu.memory_space<vmem>>
        %dma_start3A_476 = tpu.memref_slice %arg5[%dma_start3A_472, %mul3A_460] : memref<2x320000xi32, #tpu.memory_space<hbm>> -> memref<1x64xi32, #tpu.memory_space<hbm>>
        %dma_start3A_477 = tpu.memref_squeeze %dma_start3A_476 : memref<1x64xi32, #tpu.memory_space<hbm>> -> memref<64xi32, #tpu.memory_space<hbm>>
        %dma_start3A_478 = arith.constant 0 : i32
        %dma_start3A_479 = tpu.memref_slice %arg9[%rem3A_457, %dma_start3A_478] : memref<5x64xi32, #tpu.memory_space<vmem>> -> memref<1x64xi32, #tpu.memory_space<vmem>>
        %dma_start3A_480 = tpu.memref_squeeze %dma_start3A_479 : memref<1x64xi32, #tpu.memory_space<vmem>> -> memref<64xi32, #tpu.memory_space<vmem>>
        %dma_start3A_481 = tpu.memref_slice %arg5[%dma_start3A_472, %mul3A_460] : memref<2x320000xi32, #tpu.memory_space<hbm>> -> memref<1x64xi32, #tpu.memory_space<hbm>>
        %dma_start3A_482 = tpu.memref_squeeze %dma_start3A_481 : memref<1x64xi32, #tpu.memory_space<hbm>> -> memref<64xi32, #tpu.memory_space<hbm>>
        tpu.enqueue_dma source(%dma_start3A_482 : memref<64xi32, #tpu.memory_space<hbm>>) target(%dma_start3A_480 : memref<64xi32, #tpu.memory_space<vmem>>) target_semaphore(%arg14 : memref<!tpu.dma_semaphore, #tpu.memory_space<semaphore_mem>>)
        %add3A_483 = arith.addi %add3A_4, %add3A_455 : i32
        %dma_start3A_484 = arith.constant 0 : i32
        %dma_start3A_485 = tpu.memref_slice %arg10[%rem3A_457, %dma_start3A_484] : memref<6x64xf32, #tpu.memory_space<vmem>> -> memref<1x64xf32, #tpu.memory_space<vmem>>
        %dma_start3A_486 = tpu.memref_squeeze %dma_start3A_485 : memref<1x64xf32, #tpu.memory_space<vmem>> -> memref<64xf32, #tpu.memory_space<vmem>>
        %dma_start3A_487 = arith.constant 0 : i32
        %dma_start3A_488 = tpu.memref_slice %arg4[%add3A_483, %dma_start3A_487] : memref<5000x64xf32, #tpu.memory_space<hbm>> -> memref<1x64xf32, #tpu.memory_space<hbm>>
        %dma_start3A_489 = tpu.memref_squeeze %dma_start3A_488 : memref<1x64xf32, #tpu.memory_space<hbm>> -> memref<64xf32, #tpu.memory_space<hbm>>
        %dma_start3A_490 = arith.constant 0 : i32
        %dma_start3A_491 = tpu.memref_slice %arg10[%rem3A_457, %dma_start3A_490] : memref<6x64xf32, #tpu.memory_space<vmem>> -> memref<1x64xf32, #tpu.memory_space<vmem>>
        %dma_start3A_492 = tpu.memref_squeeze %dma_start3A_491 : memref<1x64xf32, #tpu.memory_space<vmem>> -> memref<64xf32, #tpu.memory_space<vmem>>
        %dma_start3A_493 = arith.constant 0 : i32
        %dma_start3A_494 = tpu.memref_slice %arg4[%add3A_483, %dma_start3A_493] : memref<5000x64xf32, #tpu.memory_space<hbm>> -> memref<1x64xf32, #tpu.memory_space<hbm>>
        %dma_start3A_495 = tpu.memref_squeeze %dma_start3A_494 : memref<1x64xf32, #tpu.memory_space<hbm>> -> memref<64xf32, #tpu.memory_space<hbm>>
        tpu.enqueue_dma source(%dma_start3A_495 : memref<64xf32, #tpu.memory_space<hbm>>) target(%dma_start3A_492 : memref<64xf32, #tpu.memory_space<vmem>>) target_semaphore(%arg14 : memref<!tpu.dma_semaphore, #tpu.memory_space<semaphore_mem>>)
      } else {
      }
    }
    %while3A_373 = arith.constant 1 : i32
    scf.for %while3A_392 = %while3A_371 to %while3A_367 step %while3A_373  : i32 {
      %rem3A_393 = arith.constant 5 : i32
      %rem3A_394 = arith.remsi %while3A_392, %rem3A_393 : i32
      %rem3A_395 = arith.constant 3 : i32
      %rem3A_396 = arith.remsi %while3A_392, %rem3A_395 : i32
      %rem3A_397 = arith.constant 2 : i32
      %rem3A_398 = arith.remsi %while3A_392, %rem3A_397 : i32
      %dma_wait3A_399 = arith.constant 0 : i32
      %dma_wait3A_400 = arith.constant 0 : i32
      %dma_wait3A_401 = arith.constant 0 : i32
      %dma_wait3A_402 = arith.constant 0 : i32
      %dma_wait3A_403 = tpu.memref_slice %arg11[%dma_wait3A_400, %dma_wait3A_401, %dma_wait3A_402] : memref<3x64x128xf32, #tpu.memory_space<vmem>> -> memref<1x64x128xf32, #tpu.memory_space<vmem>>
      %dma_wait3A_404 = tpu.memref_squeeze %dma_wait3A_403 : memref<1x64x128xf32, #tpu.memory_space<vmem>> -> memref<64x128xf32, #tpu.memory_space<vmem>>
      %dma_wait3A_405 = arith.constant 0 : i32
      %dma_wait3A_406 = tpu.memref_slice %arg8[%dma_wait3A_399, %dma_wait3A_405] : memref<5x64xi32, #tpu.memory_space<vmem>> -> memref<1x64xi32, #tpu.memory_space<vmem>>
      %dma_wait3A_407 = tpu.memref_squeeze %dma_wait3A_406 : memref<1x64xi32, #tpu.memory_space<vmem>> -> memref<64xi32, #tpu.memory_space<vmem>>
      %dma_wait3A_408 = arith.constant 0 : i32
      %dma_wait3A_409 = arith.constant 0 : i32
      %dma_wait3A_410 = tpu.memref_slice %arg2[%dma_wait3A_408, %dma_wait3A_409] : memref<10000x128xf32, #tpu.memory_space<hbm>> -> memref<10000x128xf32, #tpu.memory_space<hbm>>
      tpu.wait_indirect_dma semaphore(%arg15 : memref<!tpu.dma_semaphore, #tpu.memory_space<semaphore_mem>>) src(%dma_wait3A_410 : memref<10000x128xf32, #tpu.memory_space<hbm>>) dst(%dma_wait3A_404 : memref<64x128xf32, #tpu.memory_space<vmem>>)
      %dma_wait3A_411 = arith.constant 0 : i32
      %dma_wait3A_412 = arith.constant 0 : i32
      %dma_wait3A_413 = arith.constant 0 : i32
      %dma_wait3A_414 = tpu.memref_slice %arg12[%dma_wait3A_411, %dma_wait3A_412, %dma_wait3A_413] : memref<2x64x128xf32, #tpu.memory_space<vmem>> -> memref<1x64x128xf32, #tpu.memory_space<vmem>>
      %dma_wait3A_415 = tpu.memref_squeeze %dma_wait3A_414 : memref<1x64x128xf32, #tpu.memory_space<vmem>> -> memref<64x128xf32, #tpu.memory_space<vmem>>
      %dma_wait3A_416 = arith.constant 0 : i32
      %dma_wait3A_417 = arith.constant 0 : i32
      %dma_wait3A_418 = tpu.memref_slice %arg3[%dma_wait3A_416, %dma_wait3A_417] : memref<320000x128xf32, #tpu.memory_space<hbm>> -> memref<64x128xf32, #tpu.memory_space<hbm>>
      %dma_wait3A_419 = arith.constant 0 : i32
      %dma_wait3A_420 = arith.constant 0 : i32
      %dma_wait3A_421 = tpu.memref_slice %arg12[%dma_wait3A_411, %dma_wait3A_419, %dma_wait3A_420] : memref<2x64x128xf32, #tpu.memory_space<vmem>> -> memref<1x64x128xf32, #tpu.memory_space<vmem>>
      %dma_wait3A_422 = tpu.memref_squeeze %dma_wait3A_421 : memref<1x64x128xf32, #tpu.memory_space<vmem>> -> memref<64x128xf32, #tpu.memory_space<vmem>>
      %dma_wait3A_423 = arith.constant 0 : i32
      %dma_wait3A_424 = arith.constant 0 : i32
      %dma_wait3A_425 = tpu.memref_slice %arg3[%dma_wait3A_423, %dma_wait3A_424] : memref<320000x128xf32, #tpu.memory_space<hbm>> -> memref<64x128xf32, #tpu.memory_space<hbm>>
      tpu.wait_dma2 semaphore(%arg16 : memref<!tpu.dma_semaphore, #tpu.memory_space<semaphore_mem>>) src(%dma_wait3A_425 : memref<64x128xf32, #tpu.memory_space<hbm>>) dst(%dma_wait3A_422 : memref<64x128xf32, #tpu.memory_space<vmem>>)
      %parallel_loop3A = arith.constant 0 : i32
      %parallel_loop3A_426 = arith.constant 64 : i32
      %parallel_loop3A_427 = arith.constant 1 : i32
      scf.for %parallel_loop3A_454 = %parallel_loop3A to %parallel_loop3A_426 step %parallel_loop3A_427  : i32 {
        %parallel_loop3A_455 = arith.index_cast %rem3A_394 : i32 to index
        %parallel_loop3A_456 = arith.index_cast %parallel_loop3A_454 : i32 to index
        %parallel_loop3A_457 = tpu.vector_load %arg10[%parallel_loop3A_455, %parallel_loop3A_456] {strides = array<i32>} : memref<6x64xf32, #tpu.memory_space<vmem>>, vector<1x16xf32>,
        %parallel_loop3A_458 = vector.shape_cast %parallel_loop3A_457 : vector<1x16xf32> to vector<16xf32>
        %parallel_loop3A_459 = vector.extract_strided_slice %parallel_loop3A_458 {offsets = [0], sizes = [1], strides = [1]} : vector<16xf32> to vector<1xf32>
        %parallel_loop3A_460 = vector.extract %parallel_loop3A_459[0] : f32 from vector<1xf32>
        %parallel_loop3A_461 = arith.index_cast %rem3A_396 : i32 to index
        %parallel_loop3A_462 = arith.index_cast %parallel_loop3A_454 : i32 to index
        %parallel_loop3A_463 = arith.constant 0 : index
        %parallel_loop3A_464 = tpu.vector_load %arg11[%parallel_loop3A_461, %parallel_loop3A_462, %parallel_loop3A_463] {strides = array<i32>} : memref<3x64x128xf32, #tpu.memory_space<vmem>>, vector<1x1x16xf32>,
        %parallel_loop3A_465 = vector.shape_cast %parallel_loop3A_464 : vector<1x1x16xf32> to vector<16xf32>
        %parallel_loop3A_466 = arith.index_cast %rem3A_398 : i32 to index
        %parallel_loop3A_467 = arith.index_cast %parallel_loop3A_454 : i32 to index
        %parallel_loop3A_468 = arith.constant 0 : index
        %parallel_loop3A_469 = tpu.vector_load %arg12[%parallel_loop3A_466, %parallel_loop3A_467, %parallel_loop3A_468] {strides = array<i32>} : memref<2x64x128xf32, #tpu.memory_space<vmem>>, vector<1x1x16xf32>,
        %parallel_loop3A_470 = vector.shape_cast %parallel_loop3A_469 : vector<1x1x16xf32> to vector<16xf32>
        %parallel_loop3A_471 = vector.broadcast %parallel_loop3A_460 : f32 to vector<16xf32>
        %parallel_loop3A_472 = arith.mulf %parallel_loop3A_470, %parallel_loop3A_471 : vector<16xf32>
        %parallel_loop3A_473 = arith.mulf %parallel_loop3A_465, %parallel_loop3A_472 : vector<16xf32>
        %parallel_loop3A_474 = arith.index_cast %rem3A_396 : i32 to index
        %parallel_loop3A_475 = arith.index_cast %parallel_loop3A_454 : i32 to index
        %parallel_loop3A_476 = arith.constant 0 : index
        %parallel_loop3A_477 = tpu.vector_load %arg11[%parallel_loop3A_474, %parallel_loop3A_475, %parallel_loop3A_476] {strides = array<i32>} : memref<3x64x128xf32, #tpu.memory_space<vmem>>, vector<1x1x16xf32>,
        %parallel_loop3A_478 = vector.shape_cast %parallel_loop3A_477 : vector<1x1x16xf32> to vector<16xf32>
        %parallel_loop3A_479 = vector.shape_cast %parallel_loop3A_473 : vector<16xf32> to vector<1x1x16xf32>
        tpu.vector_store %arg11[%parallel_loop3A_474, %parallel_loop3A_475, %parallel_loop3A_476], %parallel_loop3A_479 {strides = array<i32>} : memref<3x64x128xf32, #tpu.memory_space<vmem>>, vector<1x1x16xf32>,
        %parallel_loop3A_480 = arith.index_cast %rem3A_396 : i32 to index
        %parallel_loop3A_481 = arith.index_cast %parallel_loop3A_454 : i32 to index
        %parallel_loop3A_482 = arith.constant 16 : index
        %parallel_loop3A_483 = tpu.vector_load %arg11[%parallel_loop3A_480, %parallel_loop3A_481, %parallel_loop3A_482] {strides = array<i32>} : memref<3x64x128xf32, #tpu.memory_space<vmem>>, vector<1x1x16xf32>,
        %parallel_loop3A_484 = vector.shape_cast %parallel_loop3A_483 : vector<1x1x16xf32> to vector<16xf32>
        %parallel_loop3A_485 = arith.index_cast %rem3A_398 : i32 to index
        %parallel_loop3A_486 = arith.index_cast %parallel_loop3A_454 : i32 to index
        %parallel_loop3A_487 = arith.constant 16 : index
        %parallel_loop3A_488 = tpu.vector_load %arg12[%parallel_loop3A_485, %parallel_loop3A_486, %parallel_loop3A_487] {strides = array<i32>} : memref<2x64x128xf32, #tpu.memory_space<vmem>>, vector<1x1x16xf32>,
        %parallel_loop3A_489 = vector.shape_cast %parallel_loop3A_488 : vector<1x1x16xf32> to vector<16xf32>
        %parallel_loop3A_490 = vector.broadcast %parallel_loop3A_460 : f32 to vector<16xf32>
        %parallel_loop3A_491 = arith.mulf %parallel_loop3A_489, %parallel_loop3A_490 : vector<16xf32>
        %parallel_loop3A_492 = arith.mulf %parallel_loop3A_484, %parallel_loop3A_491 : vector<16xf32>
        %parallel_loop3A_493 = arith.index_cast %rem3A_396 : i32 to index
        %parallel_loop3A_494 = arith.index_cast %parallel_loop3A_454 : i32 to index
        %parallel_loop3A_495 = arith.constant 16 : index
        %parallel_loop3A_496 = tpu.vector_load %arg11[%parallel_loop3A_493, %parallel_loop3A_494, %parallel_loop3A_495] {strides = array<i32>} : memref<3x64x128xf32, #tpu.memory_space<vmem>>, vector<1x1x16xf32>,
        %parallel_loop3A_497 = vector.shape_cast %parallel_loop3A_496 : vector<1x1x16xf32> to vector<16xf32>
        %parallel_loop3A_498 = vector.shape_cast %parallel_loop3A_492 : vector<16xf32> to vector<1x1x16xf32>
        tpu.vector_store %arg11[%parallel_loop3A_493, %parallel_loop3A_494, %parallel_loop3A_495], %parallel_loop3A_498 {strides = array<i32>} : memref<3x64x128xf32, #tpu.memory_space<vmem>>, vector<1x1x16xf32>,
        %parallel_loop3A_499 = arith.index_cast %rem3A_396 : i32 to index
        %parallel_loop3A_500 = arith.index_cast %parallel_loop3A_454 : i32 to index
        %parallel_loop3A_501 = arith.constant 32 : index
        %parallel_loop3A_502 = tpu.vector_load %arg11[%parallel_loop3A_499, %parallel_loop3A_500, %parallel_loop3A_501] {strides = array<i32>} : memref<3x64x128xf32, #tpu.memory_space<vmem>>, vector<1x1x16xf32>,
        %parallel_loop3A_503 = vector.shape_cast %parallel_loop3A_502 : vector<1x1x16xf32> to vector<16xf32>
        %parallel_loop3A_504 = arith.index_cast %rem3A_398 : i32 to index
        %parallel_loop3A_505 = arith.index_cast %parallel_loop3A_454 : i32 to index
        %parallel_loop3A_506 = arith.constant 32 : index
        %parallel_loop3A_507 = tpu.vector_load %arg12[%parallel_loop3A_504, %parallel_loop3A_505, %parallel_loop3A_506] {strides = array<i32>} : memref<2x64x128xf32, #tpu.memory_space<vmem>>, vector<1x1x16xf32>,
        %parallel_loop3A_508 = vector.shape_cast %parallel_loop3A_507 : vector<1x1x16xf32> to vector<16xf32>
        %parallel_loop3A_509 = vector.broadcast %parallel_loop3A_460 : f32 to vector<16xf32>
        %parallel_loop3A_510 = arith.mulf %parallel_loop3A_508, %parallel_loop3A_509 : vector<16xf32>
        %parallel_loop3A_511 = arith.mulf %parallel_loop3A_503, %parallel_loop3A_510 : vector<16xf32>
        %parallel_loop3A_512 = arith.index_cast %rem3A_396 : i32 to index
        %parallel_loop3A_513 = arith.index_cast %parallel_loop3A_454 : i32 to index
        %parallel_loop3A_514 = arith.constant 32 : index
        %parallel_loop3A_515 = tpu.vector_load %arg11[%parallel_loop3A_512, %parallel_loop3A_513, %parallel_loop3A_514] {strides = array<i32>} : memref<3x64x128xf32, #tpu.memory_space<vmem>>, vector<1x1x16xf32>,
        %parallel_loop3A_516 = vector.shape_cast %parallel_loop3A_515 : vector<1x1x16xf32> to vector<16xf32>
        %parallel_loop3A_517 = vector.shape_cast %parallel_loop3A_511 : vector<16xf32> to vector<1x1x16xf32>
        tpu.vector_store %arg11[%parallel_loop3A_512, %parallel_loop3A_513, %parallel_loop3A_514], %parallel_loop3A_517 {strides = array<i32>} : memref<3x64x128xf32, #tpu.memory_space<vmem>>, vector<1x1x16xf32>,
        %parallel_loop3A_518 = arith.index_cast %rem3A_396 : i32 to index
        %parallel_loop3A_519 = arith.index_cast %parallel_loop3A_454 : i32 to index
        %parallel_loop3A_520 = arith.constant 48 : index
        %parallel_loop3A_521 = tpu.vector_load %arg11[%parallel_loop3A_518, %parallel_loop3A_519, %parallel_loop3A_520] {strides = array<i32>} : memref<3x64x128xf32, #tpu.memory_space<vmem>>, vector<1x1x16xf32>,
        %parallel_loop3A_522 = vector.shape_cast %parallel_loop3A_521 : vector<1x1x16xf32> to vector<16xf32>
        %parallel_loop3A_523 = arith.index_cast %rem3A_398 : i32 to index
        %parallel_loop3A_524 = arith.index_cast %parallel_loop3A_454 : i32 to index
        %parallel_loop3A_525 = arith.constant 48 : index
        %parallel_loop3A_526 = tpu.vector_load %arg12[%parallel_loop3A_523, %parallel_loop3A_524, %parallel_loop3A_525] {strides = array<i32>} : memref<2x64x128xf32, #tpu.memory_space<vmem>>, vector<1x1x16xf32>,
        %parallel_loop3A_527 = vector.shape_cast %parallel_loop3A_526 : vector<1x1x16xf32> to vector<16xf32>
        %parallel_loop3A_528 = vector.broadcast %parallel_loop3A_460 : f32 to vector<16xf32>
        %parallel_loop3A_529 = arith.mulf %parallel_loop3A_527, %parallel_loop3A_528 : vector<16xf32>
        %parallel_loop3A_530 = arith.mulf %parallel_loop3A_522, %parallel_loop3A_529 : vector<16xf32>
        %parallel_loop3A_531 = arith.index_cast %rem3A_396 : i32 to index
        %parallel_loop3A_532 = arith.index_cast %parallel_loop3A_454 : i32 to index
        %parallel_loop3A_533 = arith.constant 48 : index
        %parallel_loop3A_534 = tpu.vector_load %arg11[%parallel_loop3A_531, %parallel_loop3A_532, %parallel_loop3A_533] {strides = array<i32>} : memref<3x64x128xf32, #tpu.memory_space<vmem>>, vector<1x1x16xf32>,
        %parallel_loop3A_535 = vector.shape_cast %parallel_loop3A_534 : vector<1x1x16xf32> to vector<16xf32>
        %parallel_loop3A_536 = vector.shape_cast %parallel_loop3A_530 : vector<16xf32> to vector<1x1x16xf32>
        tpu.vector_store %arg11[%parallel_loop3A_531, %parallel_loop3A_532, %parallel_loop3A_533], %parallel_loop3A_536 {strides = array<i32>} : memref<3x64x128xf32, #tpu.memory_space<vmem>>, vector<1x1x16xf32>,
        %parallel_loop3A_537 = arith.index_cast %rem3A_396 : i32 to index
        %parallel_loop3A_538 = arith.index_cast %parallel_loop3A_454 : i32 to index
        %parallel_loop3A_539 = arith.constant 64 : index
        %parallel_loop3A_540 = tpu.vector_load %arg11[%parallel_loop3A_537, %parallel_loop3A_538, %parallel_loop3A_539] {strides = array<i32>} : memref<3x64x128xf32, #tpu.memory_space<vmem>>, vector<1x1x16xf32>,
        %parallel_loop3A_541 = vector.shape_cast %parallel_loop3A_540 : vector<1x1x16xf32> to vector<16xf32>
        %parallel_loop3A_542 = arith.index_cast %rem3A_398 : i32 to index
        %parallel_loop3A_543 = arith.index_cast %parallel_loop3A_454 : i32 to index
        %parallel_loop3A_544 = arith.constant 64 : index
        %parallel_loop3A_545 = tpu.vector_load %arg12[%parallel_loop3A_542, %parallel_loop3A_543, %parallel_loop3A_544] {strides = array<i32>} : memref<2x64x128xf32, #tpu.memory_space<vmem>>, vector<1x1x16xf32>,
        %parallel_loop3A_546 = vector.shape_cast %parallel_loop3A_545 : vector<1x1x16xf32> to vector<16xf32>
        %parallel_loop3A_547 = vector.broadcast %parallel_loop3A_460 : f32 to vector<16xf32>
        %parallel_loop3A_548 = arith.mulf %parallel_loop3A_546, %parallel_loop3A_547 : vector<16xf32>
        %parallel_loop3A_549 = arith.mulf %parallel_loop3A_541, %parallel_loop3A_548 : vector<16xf32>
        %parallel_loop3A_550 = arith.index_cast %rem3A_396 : i32 to index
        %parallel_loop3A_551 = arith.index_cast %parallel_loop3A_454 : i32 to index
        %parallel_loop3A_552 = arith.constant 64 : index
        %parallel_loop3A_553 = tpu.vector_load %arg11[%parallel_loop3A_550, %parallel_loop3A_551, %parallel_loop3A_552] {strides = array<i32>} : memref<3x64x128xf32, #tpu.memory_space<vmem>>, vector<1x1x16xf32>,
        %parallel_loop3A_554 = vector.shape_cast %parallel_loop3A_553 : vector<1x1x16xf32> to vector<16xf32>
        %parallel_loop3A_555 = vector.shape_cast %parallel_loop3A_549 : vector<16xf32> to vector<1x1x16xf32>
        tpu.vector_store %arg11[%parallel_loop3A_550, %parallel_loop3A_551, %parallel_loop3A_552], %parallel_loop3A_555 {strides = array<i32>} : memref<3x64x128xf32, #tpu.memory_space<vmem>>, vector<1x1x16xf32>,
        %parallel_loop3A_556 = arith.index_cast %rem3A_396 : i32 to index
        %parallel_loop3A_557 = arith.index_cast %parallel_loop3A_454 : i32 to index
        %parallel_loop3A_558 = arith.constant 80 : index
        %parallel_loop3A_559 = tpu.vector_load %arg11[%parallel_loop3A_556, %parallel_loop3A_557, %parallel_loop3A_558] {strides = array<i32>} : memref<3x64x128xf32, #tpu.memory_space<vmem>>, vector<1x1x16xf32>,
        %parallel_loop3A_560 = vector.shape_cast %parallel_loop3A_559 : vector<1x1x16xf32> to vector<16xf32>
        %parallel_loop3A_561 = arith.index_cast %rem3A_398 : i32 to index
        %parallel_loop3A_562 = arith.index_cast %parallel_loop3A_454 : i32 to index
        %parallel_loop3A_563 = arith.constant 80 : index
        %parallel_loop3A_564 = tpu.vector_load %arg12[%parallel_loop3A_561, %parallel_loop3A_562, %parallel_loop3A_563] {strides = array<i32>} : memref<2x64x128xf32, #tpu.memory_space<vmem>>, vector<1x1x16xf32>,
        %parallel_loop3A_565 = vector.shape_cast %parallel_loop3A_564 : vector<1x1x16xf32> to vector<16xf32>
        %parallel_loop3A_566 = vector.broadcast %parallel_loop3A_460 : f32 to vector<16xf32>
        %parallel_loop3A_567 = arith.mulf %parallel_loop3A_565, %parallel_loop3A_566 : vector<16xf32>
        %parallel_loop3A_568 = arith.mulf %parallel_loop3A_560, %parallel_loop3A_567 : vector<16xf32>
        %parallel_loop3A_569 = arith.index_cast %rem3A_396 : i32 to index
        %parallel_loop3A_570 = arith.index_cast %parallel_loop3A_454 : i32 to index
        %parallel_loop3A_571 = arith.constant 80 : index
        %parallel_loop3A_572 = tpu.vector_load %arg11[%parallel_loop3A_569, %parallel_loop3A_570, %parallel_loop3A_571] {strides = array<i32>} : memref<3x64x128xf32, #tpu.memory_space<vmem>>, vector<1x1x16xf32>,
        %parallel_loop3A_573 = vector.shape_cast %parallel_loop3A_572 : vector<1x1x16xf32> to vector<16xf32>
        %parallel_loop3A_574 = vector.shape_cast %parallel_loop3A_568 : vector<16xf32> to vector<1x1x16xf32>
        tpu.vector_store %arg11[%parallel_loop3A_569, %parallel_loop3A_570, %parallel_loop3A_571], %parallel_loop3A_574 {strides = array<i32>} : memref<3x64x128xf32, #tpu.memory_space<vmem>>, vector<1x1x16xf32>,
        %parallel_loop3A_575 = arith.index_cast %rem3A_396 : i32 to index
        %parallel_loop3A_576 = arith.index_cast %parallel_loop3A_454 : i32 to index
        %parallel_loop3A_577 = arith.constant 96 : index
        %parallel_loop3A_578 = tpu.vector_load %arg11[%parallel_loop3A_575, %parallel_loop3A_576, %parallel_loop3A_577] {strides = array<i32>} : memref<3x64x128xf32, #tpu.memory_space<vmem>>, vector<1x1x16xf32>,
        %parallel_loop3A_579 = vector.shape_cast %parallel_loop3A_578 : vector<1x1x16xf32> to vector<16xf32>
        %parallel_loop3A_580 = arith.index_cast %rem3A_398 : i32 to index
        %parallel_loop3A_581 = arith.index_cast %parallel_loop3A_454 : i32 to index
        %parallel_loop3A_582 = arith.constant 96 : index
        %parallel_loop3A_583 = tpu.vector_load %arg12[%parallel_loop3A_580, %parallel_loop3A_581, %parallel_loop3A_582] {strides = array<i32>} : memref<2x64x128xf32, #tpu.memory_space<vmem>>, vector<1x1x16xf32>,
        %parallel_loop3A_584 = vector.shape_cast %parallel_loop3A_583 : vector<1x1x16xf32> to vector<16xf32>
        %parallel_loop3A_585 = vector.broadcast %parallel_loop3A_460 : f32 to vector<16xf32>
        %parallel_loop3A_586 = arith.mulf %parallel_loop3A_584, %parallel_loop3A_585 : vector<16xf32>
        %parallel_loop3A_587 = arith.mulf %parallel_loop3A_579, %parallel_loop3A_586 : vector<16xf32>
        %parallel_loop3A_588 = arith.index_cast %rem3A_396 : i32 to index
        %parallel_loop3A_589 = arith.index_cast %parallel_loop3A_454 : i32 to index
        %parallel_loop3A_590 = arith.constant 96 : index
        %parallel_loop3A_591 = tpu.vector_load %arg11[%parallel_loop3A_588, %parallel_loop3A_589, %parallel_loop3A_590] {strides = array<i32>} : memref<3x64x128xf32, #tpu.memory_space<vmem>>, vector<1x1x16xf32>,
        %parallel_loop3A_592 = vector.shape_cast %parallel_loop3A_591 : vector<1x1x16xf32> to vector<16xf32>
        %parallel_loop3A_593 = vector.shape_cast %parallel_loop3A_587 : vector<16xf32> to vector<1x1x16xf32>
        tpu.vector_store %arg11[%parallel_loop3A_588, %parallel_loop3A_589, %parallel_loop3A_590], %parallel_loop3A_593 {strides = array<i32>} : memref<3x64x128xf32, #tpu.memory_space<vmem>>, vector<1x1x16xf32>,
        %parallel_loop3A_594 = arith.index_cast %rem3A_396 : i32 to index
        %parallel_loop3A_595 = arith.index_cast %parallel_loop3A_454 : i32 to index
        %parallel_loop3A_596 = arith.constant 112 : index
        %parallel_loop3A_597 = tpu.vector_load %arg11[%parallel_loop3A_594, %parallel_loop3A_595, %parallel_loop3A_596] {strides = array<i32>} : memref<3x64x128xf32, #tpu.memory_space<vmem>>, vector<1x1x16xf32>,
        %parallel_loop3A_598 = vector.shape_cast %parallel_loop3A_597 : vector<1x1x16xf32> to vector<16xf32>
        %parallel_loop3A_599 = arith.index_cast %rem3A_398 : i32 to index
        %parallel_loop3A_600 = arith.index_cast %parallel_loop3A_454 : i32 to index
        %parallel_loop3A_601 = arith.constant 112 : index
        %parallel_loop3A_602 = tpu.vector_load %arg12[%parallel_loop3A_599, %parallel_loop3A_600, %parallel_loop3A_601] {strides = array<i32>} : memref<2x64x128xf32, #tpu.memory_space<vmem>>, vector<1x1x16xf32>,
        %parallel_loop3A_603 = vector.shape_cast %parallel_loop3A_602 : vector<1x1x16xf32> to vector<16xf32>
        %parallel_loop3A_604 = vector.broadcast %parallel_loop3A_460 : f32 to vector<16xf32>
        %parallel_loop3A_605 = arith.mulf %parallel_loop3A_603, %parallel_loop3A_604 : vector<16xf32>
        %parallel_loop3A_606 = arith.mulf %parallel_loop3A_598, %parallel_loop3A_605 : vector<16xf32>
        %parallel_loop3A_607 = arith.index_cast %rem3A_396 : i32 to index
        %parallel_loop3A_608 = arith.index_cast %parallel_loop3A_454 : i32 to index
        %parallel_loop3A_609 = arith.constant 112 : index
        %parallel_loop3A_610 = tpu.vector_load %arg11[%parallel_loop3A_607, %parallel_loop3A_608, %parallel_loop3A_609] {strides = array<i32>} : memref<3x64x128xf32, #tpu.memory_space<vmem>>, vector<1x1x16xf32>,
        %parallel_loop3A_611 = vector.shape_cast %parallel_loop3A_610 : vector<1x1x16xf32> to vector<16xf32>
        %parallel_loop3A_612 = vector.shape_cast %parallel_loop3A_606 : vector<16xf32> to vector<1x1x16xf32>
        tpu.vector_store %arg11[%parallel_loop3A_607, %parallel_loop3A_608, %parallel_loop3A_609], %parallel_loop3A_612 {strides = array<i32>} : memref<3x64x128xf32, #tpu.memory_space<vmem>>, vector<1x1x16xf32>,
      } {sc.loop_unroll_factor = 4 : i64, sc.parallel_access}
      %dma_start3A_428 = arith.constant 0 : i32
      %dma_start3A_429 = arith.constant 0 : i32
      %dma_start3A_430 = tpu.memref_slice %arg11[%rem3A_396, %dma_start3A_428, %dma_start3A_429] : memref<3x64x128xf32, #tpu.memory_space<vmem>> -> memref<1x64x128xf32, #tpu.memory_space<vmem>>
      %dma_start3A_431 = tpu.memref_squeeze %dma_start3A_430 : memref<1x64x128xf32, #tpu.memory_space<vmem>> -> memref<64x128xf32, #tpu.memory_space<vmem>>
      %dma_start3A_432 = arith.constant 0 : i32
      %dma_start3A_433 = tpu.memref_slice %arg9[%rem3A_394, %dma_start3A_432] : memref<5x64xi32, #tpu.memory_space<vmem>> -> memref<1x64xi32, #tpu.memory_space<vmem>>
      %dma_start3A_434 = tpu.memref_squeeze %dma_start3A_433 : memref<1x64xi32, #tpu.memory_space<vmem>> -> memref<64xi32, #tpu.memory_space<vmem>>
      %dma_start3A_435 = arith.constant 0 : i32
      %dma_start3A_436 = arith.constant 0 : i32
      %dma_start3A_437 = tpu.memref_slice %arg13[%dma_start3A_435, %dma_start3A_436] : memref<10000x128xf32, #tpu.memory_space<vmem_shared>> -> memref<10000x128xf32, #tpu.memory_space<vmem_shared>>
      tpu.enqueue_indirect_dma source(%dma_start3A_431 : memref<64x128xf32, #tpu.memory_space<vmem>>) target(%dma_start3A_437 : memref<10000x128xf32, #tpu.memory_space<vmem_shared>>) offsets(%dma_start3A_434 : memref<64xi32, #tpu.memory_space<vmem>>) semaphore(%arg17 : memref<!tpu.dma_semaphore, #tpu.memory_space<semaphore_mem>>) {add = true}
      %gt3A = arith.constant 0 : i32
      %gt3A_438 = arith.cmpi sgt, %while3A_392, %gt3A : i32
      %convert_element_type3A_439 = arith.extui %gt3A_438 : i1 to i32
      %cond3A_440 = arith.constant 0 : i32
      %cond3A_441 = arith.cmpi ne, %convert_element_type3A_439, %cond3A_440 : i32
      scf.if %cond3A_441 {
        %dma_wait3A_454 = arith.constant 0 : i32
        %dma_wait3A_455 = arith.constant 0 : i32
        %dma_wait3A_456 = arith.constant 0 : i32
        %dma_wait3A_457 = arith.constant 0 : i32
        %dma_wait3A_458 = tpu.memref_slice %arg11[%dma_wait3A_454, %dma_wait3A_456, %dma_wait3A_457] : memref<3x64x128xf32, #tpu.memory_space<vmem>> -> memref<1x64x128xf32, #tpu.memory_space<vmem>>
        %dma_wait3A_459 = tpu.memref_squeeze %dma_wait3A_458 : memref<1x64x128xf32, #tpu.memory_space<vmem>> -> memref<64x128xf32, #tpu.memory_space<vmem>>
        %dma_wait3A_460 = arith.constant 0 : i32
        %dma_wait3A_461 = tpu.memref_slice %arg9[%dma_wait3A_455, %dma_wait3A_460] : memref<5x64xi32, #tpu.memory_space<vmem>> -> memref<1x64xi32, #tpu.memory_space<vmem>>
        %dma_wait3A_462 = tpu.memref_squeeze %dma_wait3A_461 : memref<1x64xi32, #tpu.memory_space<vmem>> -> memref<64xi32, #tpu.memory_space<vmem>>
        %dma_wait3A_463 = arith.constant 0 : i32
        %dma_wait3A_464 = arith.constant 0 : i32
        %dma_wait3A_465 = tpu.memref_slice %arg13[%dma_wait3A_463, %dma_wait3A_464] : memref<10000x128xf32, #tpu.memory_space<vmem_shared>> -> memref<10000x128xf32, #tpu.memory_space<vmem_shared>>
        tpu.wait_indirect_dma semaphore(%arg17 : memref<!tpu.dma_semaphore, #tpu.memory_space<semaphore_mem>>) src(%dma_wait3A_459 : memref<64x128xf32, #tpu.memory_space<vmem>>) dst(%dma_wait3A_465 : memref<10000x128xf32, #tpu.memory_space<vmem_shared>>)
      } else {
      }
      %add3A_442 = arith.constant 2 : i32
      %add3A_443 = arith.addi %while3A_392, %add3A_442 : i32
      %lt3A_444 = arith.cmpi slt, %add3A_443, %select_n3A_7 : i32
      %convert_element_type3A_445 = arith.extui %lt3A_444 : i1 to i32
      %cond3A_446 = arith.constant 0 : i32
      %cond3A_447 = arith.cmpi ne, %convert_element_type3A_445, %cond3A_446 : i32
      scf.if %cond3A_447 {
        %dma_wait3A_454 = arith.constant 0 : i32
        %dma_wait3A_455 = arith.constant 0 : i32
        %dma_wait3A_456 = arith.constant 0 : i32
        %dma_wait3A_457 = tpu.memref_slice %arg8[%dma_wait3A_455, %dma_wait3A_456] : memref<5x64xi32, #tpu.memory_space<vmem>> -> memref<1x64xi32, #tpu.memory_space<vmem>>
        %dma_wait3A_458 = tpu.memref_squeeze %dma_wait3A_457 : memref<1x64xi32, #tpu.memory_space<vmem>> -> memref<64xi32, #tpu.memory_space<vmem>>
        %dma_wait3A_459 = arith.constant 0 : i32
        %dma_wait3A_460 = tpu.memref_slice %arg5[%dma_wait3A_454, %dma_wait3A_459] : memref<2x320000xi32, #tpu.memory_space<hbm>> -> memref<1x64xi32, #tpu.memory_space<hbm>>
        %dma_wait3A_461 = tpu.memref_squeeze %dma_wait3A_460 : memref<1x64xi32, #tpu.memory_space<hbm>> -> memref<64xi32, #tpu.memory_space<hbm>>
        %dma_wait3A_462 = arith.constant 0 : i32
        %dma_wait3A_463 = tpu.memref_slice %arg8[%dma_wait3A_455, %dma_wait3A_462] : memref<5x64xi32, #tpu.memory_space<vmem>> -> memref<1x64xi32, #tpu.memory_space<vmem>>
        %dma_wait3A_464 = tpu.memref_squeeze %dma_wait3A_463 : memref<1x64xi32, #tpu.memory_space<vmem>> -> memref<64xi32, #tpu.memory_space<vmem>>
        %dma_wait3A_465 = arith.constant 0 : i32
        %dma_wait3A_466 = tpu.memref_slice %arg5[%dma_wait3A_454, %dma_wait3A_465] : memref<2x320000xi32, #tpu.memory_space<hbm>> -> memref<1x64xi32, #tpu.memory_space<hbm>>
        %dma_wait3A_467 = tpu.memref_squeeze %dma_wait3A_466 : memref<1x64xi32, #tpu.memory_space<hbm>> -> memref<64xi32, #tpu.memory_space<hbm>>
        tpu.wait_dma2 semaphore(%arg14 : memref<!tpu.dma_semaphore, #tpu.memory_space<semaphore_mem>>) src(%dma_wait3A_467 : memref<64xi32, #tpu.memory_space<hbm>>) dst(%dma_wait3A_464 : memref<64xi32, #tpu.memory_space<vmem>>)
        %dma_wait3A_468 = arith.constant 1 : i32
        %dma_wait3A_469 = arith.constant 0 : i32
        %dma_wait3A_470 = arith.constant 0 : i32
        %dma_wait3A_471 = tpu.memref_slice %arg9[%dma_wait3A_469, %dma_wait3A_470] : memref<5x64xi32, #tpu.memory_space<vmem>> -> memref<1x64xi32, #tpu.memory_space<vmem>>
        %dma_wait3A_472 = tpu.memref_squeeze %dma_wait3A_471 : memref<1x64xi32, #tpu.memory_space<vmem>> -> memref<64xi32, #tpu.memory_space<vmem>>
        %dma_wait3A_473 = arith.constant 0 : i32
        %dma_wait3A_474 = tpu.memref_slice %arg5[%dma_wait3A_468, %dma_wait3A_473] : memref<2x320000xi32, #tpu.memory_space<hbm>> -> memref<1x64xi32, #tpu.memory_space<hbm>>
        %dma_wait3A_475 = tpu.memref_squeeze %dma_wait3A_474 : memref<1x64xi32, #tpu.memory_space<hbm>> -> memref<64xi32, #tpu.memory_space<hbm>>
        %dma_wait3A_476 = arith.constant 0 : i32
        %dma_wait3A_477 = tpu.memref_slice %arg9[%dma_wait3A_469, %dma_wait3A_476] : memref<5x64xi32, #tpu.memory_space<vmem>> -> memref<1x64xi32, #tpu.memory_space<vmem>>
        %dma_wait3A_478 = tpu.memref_squeeze %dma_wait3A_477 : memref<1x64xi32, #tpu.memory_space<vmem>> -> memref<64xi32, #tpu.memory_space<vmem>>
        %dma_wait3A_479 = arith.constant 0 : i32
        %dma_wait3A_480 = tpu.memref_slice %arg5[%dma_wait3A_468, %dma_wait3A_479] : memref<2x320000xi32, #tpu.memory_space<hbm>> -> memref<1x64xi32, #tpu.memory_space<hbm>>
        %dma_wait3A_481 = tpu.memref_squeeze %dma_wait3A_480 : memref<1x64xi32, #tpu.memory_space<hbm>> -> memref<64xi32, #tpu.memory_space<hbm>>
        tpu.wait_dma2 semaphore(%arg14 : memref<!tpu.dma_semaphore, #tpu.memory_space<semaphore_mem>>) src(%dma_wait3A_481 : memref<64xi32, #tpu.memory_space<hbm>>) dst(%dma_wait3A_478 : memref<64xi32, #tpu.memory_space<vmem>>)
        %dma_wait3A_482 = arith.constant 0 : i32
        %dma_wait3A_483 = arith.constant 0 : i32
        %dma_wait3A_484 = arith.constant 0 : i32
        %dma_wait3A_485 = tpu.memref_slice %arg10[%dma_wait3A_483, %dma_wait3A_484] : memref<6x64xf32, #tpu.memory_space<vmem>> -> memref<1x64xf32, #tpu.memory_space<vmem>>
        %dma_wait3A_486 = tpu.memref_squeeze %dma_wait3A_485 : memref<1x64xf32, #tpu.memory_space<vmem>> -> memref<64xf32, #tpu.memory_space<vmem>>
        %dma_wait3A_487 = arith.constant 0 : i32
        %dma_wait3A_488 = tpu.memref_slice %arg4[%dma_wait3A_482, %dma_wait3A_487] : memref<5000x64xf32, #tpu.memory_space<hbm>> -> memref<1x64xf32, #tpu.memory_space<hbm>>
        %dma_wait3A_489 = tpu.memref_squeeze %dma_wait3A_488 : memref<1x64xf32, #tpu.memory_space<hbm>> -> memref<64xf32, #tpu.memory_space<hbm>>
        %dma_wait3A_490 = arith.constant 0 : i32
        %dma_wait3A_491 = tpu.memref_slice %arg10[%dma_wait3A_483, %dma_wait3A_490] : memref<6x64xf32, #tpu.memory_space<vmem>> -> memref<1x64xf32, #tpu.memory_space<vmem>>
        %dma_wait3A_492 = tpu.memref_squeeze %dma_wait3A_491 : memref<1x64xf32, #tpu.memory_space<vmem>> -> memref<64xf32, #tpu.memory_space<vmem>>
        %dma_wait3A_493 = arith.constant 0 : i32
        %dma_wait3A_494 = tpu.memref_slice %arg4[%dma_wait3A_482, %dma_wait3A_493] : memref<5000x64xf32, #tpu.memory_space<hbm>> -> memref<1x64xf32, #tpu.memory_space<hbm>>
        %dma_wait3A_495 = tpu.memref_squeeze %dma_wait3A_494 : memref<1x64xf32, #tpu.memory_space<hbm>> -> memref<64xf32, #tpu.memory_space<hbm>>
        tpu.wait_dma2 semaphore(%arg14 : memref<!tpu.dma_semaphore, #tpu.memory_space<semaphore_mem>>) src(%dma_wait3A_495 : memref<64xf32, #tpu.memory_space<hbm>>) dst(%dma_wait3A_492 : memref<64xf32, #tpu.memory_space<vmem>>)
        %add3A_496 = arith.constant 2 : i32
        %add3A_497 = arith.addi %while3A_392, %add3A_496 : i32
        %rem3A_498 = arith.constant 5 : i32
        %rem3A_499 = arith.remsi %add3A_497, %rem3A_498 : i32
        %rem3A_500 = arith.constant 3 : i32
        %rem3A_501 = arith.remsi %add3A_497, %rem3A_500 : i32
        %dma_start3A_502 = arith.constant 0 : i32
        %dma_start3A_503 = arith.constant 0 : i32
        %dma_start3A_504 = tpu.memref_slice %arg11[%rem3A_501, %dma_start3A_502, %dma_start3A_503] : memref<3x64x128xf32, #tpu.memory_space<vmem>> -> memref<1x64x128xf32, #tpu.memory_space<vmem>>
        %dma_start3A_505 = tpu.memref_squeeze %dma_start3A_504 : memref<1x64x128xf32, #tpu.memory_space<vmem>> -> memref<64x128xf32, #tpu.memory_space<vmem>>
        %dma_start3A_506 = arith.constant 0 : i32
        %dma_start3A_507 = tpu.memref_slice %arg8[%rem3A_499, %dma_start3A_506] : memref<5x64xi32, #tpu.memory_space<vmem>> -> memref<1x64xi32, #tpu.memory_space<vmem>>
        %dma_start3A_508 = tpu.memref_squeeze %dma_start3A_507 : memref<1x64xi32, #tpu.memory_space<vmem>> -> memref<64xi32, #tpu.memory_space<vmem>>
        %dma_start3A_509 = arith.constant 0 : i32
        %dma_start3A_510 = arith.constant 0 : i32
        %dma_start3A_511 = tpu.memref_slice %arg2[%dma_start3A_509, %dma_start3A_510] : memref<10000x128xf32, #tpu.memory_space<hbm>> -> memref<10000x128xf32, #tpu.memory_space<hbm>>
        tpu.enqueue_indirect_dma source(%dma_start3A_511 : memref<10000x128xf32, #tpu.memory_space<hbm>>) target(%dma_start3A_505 : memref<64x128xf32, #tpu.memory_space<vmem>>) offsets(%dma_start3A_508 : memref<64xi32, #tpu.memory_space<vmem>>) semaphore(%arg15 : memref<!tpu.dma_semaphore, #tpu.memory_space<semaphore_mem>>)
        %add3A_512 = arith.constant 2 : i32
        %add3A_513 = arith.addi %while3A_392, %add3A_512 : i32
        %add3A_514 = arith.addi %add3A_4, %add3A_513 : i32
        %mul3A_515 = arith.constant 64 : i32
        %mul3A_516 = arith.muli %add3A_514, %mul3A_515 : i32
        %rem3A_517 = arith.constant 2 : i32
        %rem3A_518 = arith.remsi %add3A_513, %rem3A_517 : i32
        %dma_start3A_519 = arith.constant 0 : i32
        %dma_start3A_520 = arith.constant 0 : i32
        %dma_start3A_521 = tpu.memref_slice %arg12[%rem3A_518, %dma_start3A_519, %dma_start3A_520] : memref<2x64x128xf32, #tpu.memory_space<vmem>> -> memref<1x64x128xf32, #tpu.memory_space<vmem>>
        %dma_start3A_522 = tpu.memref_squeeze %dma_start3A_521 : memref<1x64x128xf32, #tpu.memory_space<vmem>> -> memref<64x128xf32, #tpu.memory_space<vmem>>
        %dma_start3A_523 = arith.constant 0 : i32
        %dma_start3A_524 = tpu.memref_slice %arg3[%mul3A_516, %dma_start3A_523] : memref<320000x128xf32, #tpu.memory_space<hbm>> -> memref<64x128xf32, #tpu.memory_space<hbm>>
        %dma_start3A_525 = arith.constant 0 : i32
        %dma_start3A_526 = arith.constant 0 : i32
        %dma_start3A_527 = tpu.memref_slice %arg12[%rem3A_518, %dma_start3A_525, %dma_start3A_526] : memref<2x64x128xf32, #tpu.memory_space<vmem>> -> memref<1x64x128xf32, #tpu.memory_space<vmem>>
        %dma_start3A_528 = tpu.memref_squeeze %dma_start3A_527 : memref<1x64x128xf32, #tpu.memory_space<vmem>> -> memref<64x128xf32, #tpu.memory_space<vmem>>
        %dma_start3A_529 = arith.constant 0 : i32
        %dma_start3A_530 = tpu.memref_slice %arg3[%mul3A_516, %dma_start3A_529] : memref<320000x128xf32, #tpu.memory_space<hbm>> -> memref<64x128xf32, #tpu.memory_space<hbm>>
        tpu.enqueue_dma source(%dma_start3A_530 : memref<64x128xf32, #tpu.memory_space<hbm>>) target(%dma_start3A_528 : memref<64x128xf32, #tpu.memory_space<vmem>>) target_semaphore(%arg16 : memref<!tpu.dma_semaphore, #tpu.memory_space<semaphore_mem>>)
      } else {
      }
      %add3A_448 = arith.constant 4 : i32
      %add3A_449 = arith.addi %while3A_392, %add3A_448 : i32
      %lt3A_450 = arith.cmpi slt, %add3A_449, %select_n3A_7 : i32
      %convert_element_type3A_451 = arith.extui %lt3A_450 : i1 to i32
      %cond3A_452 = arith.constant 0 : i32
      %cond3A_453 = arith.cmpi ne, %convert_element_type3A_451, %cond3A_452 : i32
      scf.if %cond3A_453 {
        %add3A_454 = arith.constant 4 : i32
        %add3A_455 = arith.addi %while3A_392, %add3A_454 : i32
        %rem3A_456 = arith.constant 5 : i32
        %rem3A_457 = arith.remsi %add3A_455, %rem3A_456 : i32
        %add3A_458 = arith.addi %add3A_4, %add3A_455 : i32
        %mul3A_459 = arith.constant 64 : i32
        %mul3A_460 = arith.muli %add3A_458, %mul3A_459 : i32
        %dma_start3A_461 = arith.constant 0 : i32
        %dma_start3A_462 = arith.constant 0 : i32
        %dma_start3A_463 = tpu.memref_slice %arg8[%rem3A_457, %dma_start3A_462] : memref<5x64xi32, #tpu.memory_space<vmem>> -> memref<1x64xi32, #tpu.memory_space<vmem>>
        %dma_start3A_464 = tpu.memref_squeeze %dma_start3A_463 : memref<1x64xi32, #tpu.memory_space<vmem>> -> memref<64xi32, #tpu.memory_space<vmem>>
        %dma_start3A_465 = tpu.memref_slice %arg5[%dma_start3A_461, %mul3A_460] : memref<2x320000xi32, #tpu.memory_space<hbm>> -> memref<1x64xi32, #tpu.memory_space<hbm>>
        %dma_start3A_466 = tpu.memref_squeeze %dma_start3A_465 : memref<1x64xi32, #tpu.memory_space<hbm>> -> memref<64xi32, #tpu.memory_space<hbm>>
        %dma_start3A_467 = arith.constant 0 : i32
        %dma_start3A_468 = tpu.memref_slice %arg8[%rem3A_457, %dma_start3A_467] : memref<5x64xi32, #tpu.memory_space<vmem>> -> memref<1x64xi32, #tpu.memory_space<vmem>>
        %dma_start3A_469 = tpu.memref_squeeze %dma_start3A_468 : memref<1x64xi32, #tpu.memory_space<vmem>> -> memref<64xi32, #tpu.memory_space<vmem>>
        %dma_start3A_470 = tpu.memref_slice %arg5[%dma_start3A_461, %mul3A_460] : memref<2x320000xi32, #tpu.memory_space<hbm>> -> memref<1x64xi32, #tpu.memory_space<hbm>>
        %dma_start3A_471 = tpu.memref_squeeze %dma_start3A_470 : memref<1x64xi32, #tpu.memory_space<hbm>> -> memref<64xi32, #tpu.memory_space<hbm>>
        tpu.enqueue_dma source(%dma_start3A_471 : memref<64xi32, #tpu.memory_space<hbm>>) target(%dma_start3A_469 : memref<64xi32, #tpu.memory_space<vmem>>) target_semaphore(%arg14 : memref<!tpu.dma_semaphore, #tpu.memory_space<semaphore_mem>>)
        %dma_start3A_472 = arith.constant 1 : i32
        %dma_start3A_473 = arith.constant 0 : i32
        %dma_start3A_474 = tpu.memref_slice %arg9[%rem3A_457, %dma_start3A_473] : memref<5x64xi32, #tpu.memory_space<vmem>> -> memref<1x64xi32, #tpu.memory_space<vmem>>
        %dma_start3A_475 = tpu.memref_squeeze %dma_start3A_474 : memref<1x64xi32, #tpu.memory_space<vmem>> -> memref<64xi32, #tpu.memory_space<vmem>>
        %dma_start3A_476 = tpu.memref_slice %arg5[%dma_start3A_472, %mul3A_460] : memref<2x320000xi32, #tpu.memory_space<hbm>> -> memref<1x64xi32, #tpu.memory_space<hbm>>
        %dma_start3A_477 = tpu.memref_squeeze %dma_start3A_476 : memref<1x64xi32, #tpu.memory_space<hbm>> -> memref<64xi32, #tpu.memory_space<hbm>>
        %dma_start3A_478 = arith.constant 0 : i32
        %dma_start3A_479 = tpu.memref_slice %arg9[%rem3A_457, %dma_start3A_478] : memref<5x64xi32, #tpu.memory_space<vmem>> -> memref<1x64xi32, #tpu.memory_space<vmem>>
        %dma_start3A_480 = tpu.memref_squeeze %dma_start3A_479 : memref<1x64xi32, #tpu.memory_space<vmem>> -> memref<64xi32, #tpu.memory_space<vmem>>
        %dma_start3A_481 = tpu.memref_slice %arg5[%dma_start3A_472, %mul3A_460] : memref<2x320000xi32, #tpu.memory_space<hbm>> -> memref<1x64xi32, #tpu.memory_space<hbm>>
        %dma_start3A_482 = tpu.memref_squeeze %dma_start3A_481 : memref<1x64xi32, #tpu.memory_space<hbm>> -> memref<64xi32, #tpu.memory_space<hbm>>
        tpu.enqueue_dma source(%dma_start3A_482 : memref<64xi32, #tpu.memory_space<hbm>>) target(%dma_start3A_480 : memref<64xi32, #tpu.memory_space<vmem>>) target_semaphore(%arg14 : memref<!tpu.dma_semaphore, #tpu.memory_space<semaphore_mem>>)
        %add3A_483 = arith.addi %add3A_4, %add3A_455 : i32
        %dma_start3A_484 = arith.constant 0 : i32
        %dma_start3A_485 = tpu.memref_slice %arg10[%rem3A_457, %dma_start3A_484] : memref<6x64xf32, #tpu.memory_space<vmem>> -> memref<1x64xf32, #tpu.memory_space<vmem>>
        %dma_start3A_486 = tpu.memref_squeeze %dma_start3A_485 : memref<1x64xf32, #tpu.memory_space<vmem>> -> memref<64xf32, #tpu.memory_space<vmem>>
        %dma_start3A_487 = arith.constant 0 : i32
        %dma_start3A_488 = tpu.memref_slice %arg4[%add3A_483, %dma_start3A_487] : memref<5000x64xf32, #tpu.memory_space<hbm>> -> memref<1x64xf32, #tpu.memory_space<hbm>>
        %dma_start3A_489 = tpu.memref_squeeze %dma_start3A_488 : memref<1x64xf32, #tpu.memory_space<hbm>> -> memref<64xf32, #tpu.memory_space<hbm>>
        %dma_start3A_490 = arith.constant 0 : i32
        %dma_start3A_491 = tpu.memref_slice %arg10[%rem3A_457, %dma_start3A_490] : memref<6x64xf32, #tpu.memory_space<vmem>> -> memref<1x64xf32, #tpu.memory_space<vmem>>
        %dma_start3A_492 = tpu.memref_squeeze %dma_start3A_491 : memref<1x64xf32, #tpu.memory_space<vmem>> -> memref<64xf32, #tpu.memory_space<vmem>>
        %dma_start3A_493 = arith.constant 0 : i32
        %dma_start3A_494 = tpu.memref_slice %arg4[%add3A_483, %dma_start3A_493] : memref<5000x64xf32, #tpu.memory_space<hbm>> -> memref<1x64xf32, #tpu.memory_space<hbm>>
        %dma_start3A_495 = tpu.memref_squeeze %dma_start3A_494 : memref<1x64xf32, #tpu.memory_space<hbm>> -> memref<64xf32, #tpu.memory_space<hbm>>
        tpu.enqueue_dma source(%dma_start3A_495 : memref<64xf32, #tpu.memory_space<hbm>>) target(%dma_start3A_492 : memref<64xf32, #tpu.memory_space<vmem>>) target_semaphore(%arg14 : memref<!tpu.dma_semaphore, #tpu.memory_space<semaphore_mem>>)
      } else {
      }
    }
    %dma_wait3A_374 = arith.constant 0 : i32
    %dma_wait3A_375 = arith.constant 0 : i32
    %dma_wait3A_376 = arith.constant 0 : i32
    %dma_wait3A_377 = arith.constant 0 : i32
    %dma_wait3A_378 = tpu.memref_slice %arg11[%dma_wait3A_374, %dma_wait3A_376, %dma_wait3A_377] : memref<3x64x128xf32, #tpu.memory_space<vmem>> -> memref<1x64x128xf32, #tpu.memory_space<vmem>>
    %dma_wait3A_379 = tpu.memref_squeeze %dma_wait3A_378 : memref<1x64x128xf32, #tpu.memory_space<vmem>> -> memref<64x128xf32, #tpu.memory_space<vmem>>
    %dma_wait3A_380 = arith.constant 0 : i32
    %dma_wait3A_381 = tpu.memref_slice %arg9[%dma_wait3A_375, %dma_wait3A_380] : memref<5x64xi32, #tpu.memory_space<vmem>> -> memref<1x64xi32, #tpu.memory_space<vmem>>
    %dma_wait3A_382 = tpu.memref_squeeze %dma_wait3A_381 : memref<1x64xi32, #tpu.memory_space<vmem>> -> memref<64xi32, #tpu.memory_space<vmem>>
    %dma_wait3A_383 = arith.constant 0 : i32
    %dma_wait3A_384 = arith.constant 0 : i32
    %dma_wait3A_385 = tpu.memref_slice %arg13[%dma_wait3A_383, %dma_wait3A_384] : memref<10000x128xf32, #tpu.memory_space<vmem_shared>> -> memref<10000x128xf32, #tpu.memory_space<vmem_shared>>
    tpu.wait_indirect_dma semaphore(%arg17 : memref<!tpu.dma_semaphore, #tpu.memory_space<semaphore_mem>>) src(%dma_wait3A_379 : memref<64x128xf32, #tpu.memory_space<vmem>>) dst(%dma_wait3A_385 : memref<10000x128xf32, #tpu.memory_space<vmem_shared>>)
    %barrier3A_386 = arith.constant 0 : index
    tpu.barrier barrier_id(%barrier3A_386)
    "tpu.region"() ({
      %run_scoped3A_392 = tpu.sem_alloc : memref<!tpu.dma_semaphore, #tpu.memory_space<semaphore_mem>>
      %dma_start3A_393 = arith.constant 0 : i32
      %dma_start3A_394 = tpu.memref_slice %arg7[%arg0, %mul3A_9, %dma_start3A_393] : memref<2x10000x128xf32, #tpu.memory_space<hbm>> -> memref<1x624x128xf32, #tpu.memory_space<hbm>>
      %dma_start3A_395 = tpu.memref_squeeze %dma_start3A_394 : memref<1x624x128xf32, #tpu.memory_space<hbm>> -> memref<624x128xf32, #tpu.memory_space<hbm>>
      %dma_start3A_396 = arith.constant 0 : i32
      %dma_start3A_397 = tpu.memref_slice %arg13[%mul3A_9, %dma_start3A_396] : memref<10000x128xf32, #tpu.memory_space<vmem_shared>> -> memref<624x128xf32, #tpu.memory_space<vmem_shared>>
      tpu.enqueue_dma source(%dma_start3A_397 : memref<624x128xf32, #tpu.memory_space<vmem_shared>>) target(%dma_start3A_395 : memref<624x128xf32, #tpu.memory_space<hbm>>) target_semaphore(%run_scoped3A_392 : memref<!tpu.dma_semaphore, #tpu.memory_space<semaphore_mem>>)
      %dma_wait3A_398 = arith.constant 0 : i32
      %dma_wait3A_399 = tpu.memref_slice %arg7[%arg0, %mul3A_9, %dma_wait3A_398] : memref<2x10000x128xf32, #tpu.memory_space<hbm>> -> memref<1x624x128xf32, #tpu.memory_space<hbm>>
      %dma_wait3A_400 = tpu.memref_squeeze %dma_wait3A_399 : memref<1x624x128xf32, #tpu.memory_space<hbm>> -> memref<624x128xf32, #tpu.memory_space<hbm>>
      %dma_wait3A_401 = arith.constant 0 : i32
      %dma_wait3A_402 = tpu.memref_slice %arg13[%mul3A_9, %dma_wait3A_401] : memref<10000x128xf32, #tpu.memory_space<vmem_shared>> -> memref<624x128xf32, #tpu.memory_space<vmem_shared>>
      tpu.wait_dma2 semaphore(%run_scoped3A_392 : memref<!tpu.dma_semaphore, #tpu.memory_space<semaphore_mem>>) src(%dma_wait3A_402 : memref<624x128xf32, #tpu.memory_space<vmem_shared>>) dst(%dma_wait3A_400 : memref<624x128xf32, #tpu.memory_space<hbm>>)
      tpu.yield
    }) : () -> ()
    %eq3A_387 = arith.constant 15 : i32
    %eq3A_388 = arith.cmpi eq, %arg1, %eq3A_387 : i32
    %convert_element_type3A_389 = arith.extui %eq3A_388 : i1 to i32
    %cond3A_390 = arith.constant 0 : i32
    %cond3A_391 = arith.cmpi ne, %convert_element_type3A_389, %cond3A_390 : i32
    scf.if %cond3A_391 {
      "tpu.region"() ({
        %run_scoped3A_392 = tpu.sem_alloc : memref<!tpu.dma_semaphore, #tpu.memory_space<semaphore_mem>>
        %dma_start3A_393 = arith.constant 9984 : i32
        %dma_start3A_394 = arith.constant 0 : i32
        %dma_start3A_395 = tpu.memref_slice %arg7[%arg0, %dma_start3A_393, %dma_start3A_394] : memref<2x10000x128xf32, #tpu.memory_space<hbm>> -> memref<1x16x128xf32, #tpu.memory_space<hbm>>
        %dma_start3A_396 = tpu.memref_squeeze %dma_start3A_395 : memref<1x16x128xf32, #tpu.memory_space<hbm>> -> memref<16x128xf32, #tpu.memory_space<hbm>>
        %dma_start3A_397 = arith.constant 9984 : i32
        %dma_start3A_398 = arith.constant 0 : i32
        %dma_start3A_399 = tpu.memref_slice %arg13[%dma_start3A_397, %dma_start3A_398] : memref<10000x128xf32, #tpu.memory_space<vmem_shared>> -> memref<16x128xf32, #tpu.memory_space<vmem_shared>>
        tpu.enqueue_dma source(%dma_start3A_399 : memref<16x128xf32, #tpu.memory_space<vmem_shared>>) target(%dma_start3A_396 : memref<16x128xf32, #tpu.memory_space<hbm>>) target_semaphore(%run_scoped3A_392 : memref<!tpu.dma_semaphore, #tpu.memory_space<semaphore_mem>>)
        %dma_wait3A_400 = arith.constant 9984 : i32
        %dma_wait3A_401 = arith.constant 0 : i32
        %dma_wait3A_402 = tpu.memref_slice %arg7[%arg0, %dma_wait3A_400, %dma_wait3A_401] : memref<2x10000x128xf32, #tpu.memory_space<hbm>> -> memref<1x16x128xf32, #tpu.memory_space<hbm>>
        %dma_wait3A_403 = tpu.memref_squeeze %dma_wait3A_402 : memref<1x16x128xf32, #tpu.memory_space<hbm>> -> memref<16x128xf32, #tpu.memory_space<hbm>>
        %dma_wait3A_404 = arith.constant 9984 : i32
        %dma_wait3A_405 = arith.constant 0 : i32
        %dma_wait3A_406 = tpu.memref_slice %arg13[%dma_wait3A_404, %dma_wait3A_405] : memref<10000x128xf32, #tpu.memory_space<vmem_shared>> -> memref<16x128xf32, #tpu.memory_space<vmem_shared>>
        tpu.wait_dma2 semaphore(%run_scoped3A_392 : memref<!tpu.dma_semaphore, #tpu.memory_space<semaphore_mem>>) src(%dma_wait3A_406 : memref<16x128xf32, #tpu.memory_space<vmem_shared>>) dst(%dma_wait3A_403 : memref<16x128xf32, #tpu.memory_space<hbm>>)
        tpu.yield
      }) : () -> ()
    } else {
    }
    return
  }
}

module attributes {stable_mosaic.version = 14 : i64} {
  func.func @_h_body(%arg0: i32, %arg1: memref<2000x128xf32, #tpu.memory_space<vmem>>, %arg2: memref<128x128xf32, #tpu.memory_space<vmem>>, %arg3: memref<2000x128xf32, #tpu.memory_space<vmem>>) attributes {dimension_semantics = [#tpu.dimension_semantics<arbitrary>], iteration_bounds = array<i64: 5>, scalar_prefetch = 0 : i64, scratch_operands = 0 : i64, tpu.core_type = #tpu.core_type<tc>, window_params = [{transform_indices = @transform_0, window_bounds = array<i64: 2000, 128>}, {pipeline_mode = #tpu.pipeline_mode<synchronous>, transform_indices = @transform_1, window_bounds = array<i64: 128, 128>}, {transform_indices = @transform_2, window_bounds = array<i64: 2000, 128>}]} {
    %get3A = arith.constant 0 : index
    %get3A_0 = arith.constant 0 : index
    %get3A_1 = vector.load %arg1[%get3A, %get3A_0] : memref<2000x128xf32, #tpu.memory_space<vmem>>, vector<2000x128xf32>
    %get3A_2 = arith.constant 0 : index
    %get3A_3 = arith.constant 0 : index
    %get3A_4 = vector.load %arg2[%get3A_2, %get3A_3] : memref<128x128xf32, #tpu.memory_space<vmem>>, vector<128x128xf32>
    %dot_general3A = arith.constant dense<0.000000e+00> : vector<2000x128xf32>
    %dot_general3A_5 = tpu.matmul %get3A_1, %get3A_4, %dot_general3A {dimension_numbers = #tpu.dot_dimension_numbers<[1], [0], [0], [1], [0, 0, 1, 1], [], []>, transpose_lhs_hint = false} : vector<2000x128xf32>, vector<128x128xf32>, vector<2000x128xf32> -> vector<2000x128xf32>
    %swap3A = arith.constant 0 : index
    %swap3A_6 = arith.constant 0 : index
    %swap3A_7 = vector.load %arg3[%swap3A, %swap3A_6] : memref<2000x128xf32, #tpu.memory_space<vmem>>, vector<2000x128xf32>
    tpu.vector_store %arg3[%swap3A, %swap3A_6], %dot_general3A_5 {strides = array<i32>} : memref<2000x128xf32, #tpu.memory_space<vmem>>, vector<2000x128xf32>,
    return
  }
  func.func @transform_0(%arg0: i32) -> (i32, i32) {
    %c0_i32 = arith.constant 0 : i32
    %c0_i32_0 = arith.constant 0 : i32
    return %arg0, %c0_i32 : i32, i32
  }
  func.func @transform_1(%arg0: i32) -> (i32, i32) {
    %c0_i32 = arith.constant 0 : i32
    %c0_i32_0 = arith.constant 0 : i32
    %c0_i32_1 = arith.constant 0 : i32
    return %c0_i32, %c0_i32_0 : i32, i32
  }
  func.func @transform_2(%arg0: i32) -> (i32, i32) {
    %c0_i32 = arith.constant 0 : i32
    %c0_i32_0 = arith.constant 0 : i32
    return %arg0, %c0_i32 : i32, i32
  }
}

module attributes {stable_mosaic.version = 14 : i64} {
  func.func @_wf_body(%arg0: i32, %arg1: memref<16x6400xf32, #tpu.memory_space<vmem>>, %arg2: memref<5000x64xf32, #tpu.memory_space<vmem>>, %arg3: memref<16x128xf32, #tpu.memory_space<vmem>>, %arg4: memref<1x128xf32, #tpu.memory_space<vmem>>, %arg5: memref<128x128xf32, #tpu.memory_space<vmem>>, %arg6: memref<1x128xf32, #tpu.memory_space<vmem>>, %arg7: memref<6400x128xf32, #tpu.memory_space<vmem>>, %arg8: memref<5000x64xf32, #tpu.memory_space<vmem>>) attributes {dimension_semantics = [#tpu.dimension_semantics<arbitrary>], iteration_bounds = array<i64: 50>, scalar_prefetch = 0 : i64, scratch_operands = 0 : i64, tpu.core_type = #tpu.core_type<tc>, window_params = [{transform_indices = @transform_0, window_bounds = array<i64: 16, 6400>}, {pipeline_mode = #tpu.pipeline_mode<synchronous>, transform_indices = @transform_1, window_bounds = array<i64: 5000, 64>}, {pipeline_mode = #tpu.pipeline_mode<synchronous>, transform_indices = @transform_2, window_bounds = array<i64: 16, 128>}, {pipeline_mode = #tpu.pipeline_mode<synchronous>, transform_indices = @transform_3, window_bounds = array<i64: 1, 128>}, {pipeline_mode = #tpu.pipeline_mode<synchronous>, transform_indices = @transform_4, window_bounds = array<i64: 128, 128>}, {pipeline_mode = #tpu.pipeline_mode<synchronous>, transform_indices = @transform_5, window_bounds = array<i64: 1, 128>}, {transform_indices = @transform_6, window_bounds = array<i64: 6400, 128>}, {pipeline_mode = #tpu.pipeline_mode<synchronous>, transform_indices = @transform_7, window_bounds = array<i64: 5000, 64>}]} {
    %get3A = arith.constant 0 : index
    %get3A_0 = arith.constant 0 : index
    %get3A_1 = vector.load %arg1[%get3A, %get3A_0] : memref<16x6400xf32, #tpu.memory_space<vmem>>, vector<16x6400xf32>
    %get3A_2 = arith.constant 0 : index
    %get3A_3 = arith.constant 0 : index
    %get3A_4 = vector.load %arg3[%get3A_2, %get3A_3] : memref<16x128xf32, #tpu.memory_space<vmem>>, vector<16x128xf32>
    %dot_general3A = arith.constant dense<0.000000e+00> : vector<6400x128xf32>
    %dot_general3A_5 = tpu.matmul %get3A_1, %get3A_4, %dot_general3A {dimension_numbers = #tpu.dot_dimension_numbers<[0], [0], [1], [1], [0, 1, 1, 1], [], []>, transpose_lhs_hint = false} : vector<16x6400xf32>, vector<16x128xf32>, vector<6400x128xf32> -> vector<6400x128xf32>
    %get3A_6 = arith.constant 0 : index
    %get3A_7 = arith.constant 0 : index
    %get3A_8 = vector.load %arg4[%get3A_6, %get3A_7] : memref<1x128xf32, #tpu.memory_space<vmem>>, vector<1x128xf32>
    %add3A = vector.broadcast %get3A_8 : vector<1x128xf32> to vector<6400x128xf32>
    %add3A_9 = arith.addf %dot_general3A_5, %add3A : vector<6400x128xf32>
    %max3A = arith.constant 0.000000e+00 : f32
    %max3A_10 = vector.broadcast %max3A : f32 to vector<6400x128xf32>
    %max3A_11 = arith.maximumf %add3A_9, %max3A_10 : vector<6400x128xf32>
    %abs3A = math.absf %add3A_9 : vector<6400x128xf32>
    %neg3A = arith.constant 0.000000e+00 : f32
    %neg3A_12 = vector.broadcast %neg3A : f32 to vector<6400x128xf32>
    %neg3A_13 = arith.subf %neg3A_12, %abs3A : vector<6400x128xf32>
    %exp3A = math.exp %neg3A_13 : vector<6400x128xf32>
    %add3A_14 = arith.constant 1.000000e+00 : f32
    %add3A_15 = vector.broadcast %add3A_14 : f32 to vector<6400x128xf32>
    %add3A_16 = arith.addf %add3A_15, %exp3A : vector<6400x128xf32>
    %log3A = math.log %add3A_16 : vector<6400x128xf32>
    %add3A_17 = arith.addf %max3A_11, %log3A : vector<6400x128xf32>
    %sub3A = arith.constant 0.693147182 : f32
    %sub3A_18 = vector.broadcast %sub3A : f32 to vector<6400x128xf32>
    %sub3A_19 = arith.subf %add3A_17, %sub3A_18 : vector<6400x128xf32>
    %get3A_20 = arith.constant 0 : index
    %get3A_21 = arith.constant 0 : index
    %get3A_22 = vector.load %arg5[%get3A_20, %get3A_21] : memref<128x128xf32, #tpu.memory_space<vmem>>, vector<128x128xf32>
    %dot_general3A_23 = arith.constant dense<0.000000e+00> : vector<6400x128xf32>
    %dot_general3A_24 = tpu.matmul %sub3A_19, %get3A_22, %dot_general3A_23 {dimension_numbers = #tpu.dot_dimension_numbers<[1], [0], [0], [1], [0, 0, 1, 1], [], []>, transpose_lhs_hint = false} : vector<6400x128xf32>, vector<128x128xf32>, vector<6400x128xf32> -> vector<6400x128xf32>
    %get3A_25 = arith.constant 0 : index
    %get3A_26 = arith.constant 0 : index
    %get3A_27 = vector.load %arg6[%get3A_25, %get3A_26] : memref<1x128xf32, #tpu.memory_space<vmem>>, vector<1x128xf32>
    %add3A_28 = vector.broadcast %get3A_27 : vector<1x128xf32> to vector<6400x128xf32>
    %add3A_29 = arith.addf %dot_general3A_24, %add3A_28 : vector<6400x128xf32>
    %swap3A = arith.constant 0 : index
    %swap3A_30 = arith.constant 0 : index
    %swap3A_31 = vector.load %arg7[%swap3A, %swap3A_30] : memref<6400x128xf32, #tpu.memory_space<vmem>>, vector<6400x128xf32>
    tpu.vector_store %arg7[%swap3A, %swap3A_30], %add3A_29 {strides = array<i32>} : memref<6400x128xf32, #tpu.memory_space<vmem>>, vector<6400x128xf32>,
    %eq3A = arith.constant 0 : i32
    %eq3A_32 = arith.cmpi eq, %arg0, %eq3A : i32
    %convert_element_type3A = arith.extui %eq3A_32 : i1 to i32
    %cond3A = arith.constant 0 : i32
    %cond3A_33 = arith.cmpi ne, %convert_element_type3A, %cond3A : i32
    scf.if %cond3A_33 {
      %get3A_34 = arith.constant 0 : index
      %get3A_35 = arith.constant 0 : index
      %get3A_36 = vector.load %arg2[%get3A_34, %get3A_35] : memref<5000x64xf32, #tpu.memory_space<vmem>>, vector<5000x64xf32>
      %mul3A = arith.constant 0.628318548 : f32
      %mul3A_37 = vector.broadcast %mul3A : f32 to vector<5000x64xf32>
      %mul3A_38 = arith.mulf %get3A_36, %mul3A_37 : vector<5000x64xf32>
      %cos3A = math.cos %mul3A_38 : vector<5000x64xf32>
      %add3A_39 = arith.constant 1.000000e+00 : f32
      %add3A_40 = vector.broadcast %add3A_39 : f32 to vector<5000x64xf32>
      %add3A_41 = arith.addf %cos3A, %add3A_40 : vector<5000x64xf32>
      %mul3A_42 = arith.constant 5.000000e-01 : f32
      %mul3A_43 = vector.broadcast %mul3A_42 : f32 to vector<5000x64xf32>
      %mul3A_44 = arith.mulf %mul3A_43, %add3A_41 : vector<5000x64xf32>
      %swap3A_45 = arith.constant 0 : index
      %swap3A_46 = arith.constant 0 : index
      %swap3A_47 = vector.load %arg8[%swap3A_45, %swap3A_46] : memref<5000x64xf32, #tpu.memory_space<vmem>>, vector<5000x64xf32>
      tpu.vector_store %arg8[%swap3A_45, %swap3A_46], %mul3A_44 {strides = array<i32>} : memref<5000x64xf32, #tpu.memory_space<vmem>>, vector<5000x64xf32>,
    } else {
    }
    return
  }
  func.func @transform_0(%arg0: i32) -> (i32, i32) {
    %c0_i32 = arith.constant 0 : i32
    %c0_i32_0 = arith.constant 0 : i32
    return %c0_i32, %arg0 : i32, i32
  }
  func.func @transform_1(%arg0: i32) -> (i32, i32) {
    %c0_i32 = arith.constant 0 : i32
    %c0_i32_0 = arith.constant 0 : i32
    %c0_i32_1 = arith.constant 0 : i32
    return %c0_i32, %c0_i32_0 : i32, i32
  }
  func.func @transform_2(%arg0: i32) -> (i32, i32) {
    %c0_i32 = arith.constant 0 : i32
    %c0_i32_0 = arith.constant 0 : i32
    %c0_i32_1 = arith.constant 0 : i32
    return %c0_i32, %c0_i32_0 : i32, i32
  }
  func.func @transform_3(%arg0: i32) -> (i32, i32) {
    %c0_i32 = arith.constant 0 : i32
    %c0_i32_0 = arith.constant 0 : i32
    %c0_i32_1 = arith.constant 0 : i32
    return %c0_i32, %c0_i32_0 : i32, i32
  }
  func.func @transform_4(%arg0: i32) -> (i32, i32) {
    %c0_i32 = arith.constant 0 : i32
    %c0_i32_0 = arith.constant 0 : i32
    %c0_i32_1 = arith.constant 0 : i32
    return %c0_i32, %c0_i32_0 : i32, i32
  }
  func.func @transform_5(%arg0: i32) -> (i32, i32) {
    %c0_i32 = arith.constant 0 : i32
    %c0_i32_0 = arith.constant 0 : i32
    %c0_i32_1 = arith.constant 0 : i32
    return %c0_i32, %c0_i32_0 : i32, i32
  }
  func.func @transform_6(%arg0: i32) -> (i32, i32) {
    %c0_i32 = arith.constant 0 : i32
    %c0_i32_0 = arith.constant 0 : i32
    return %arg0, %c0_i32 : i32, i32
  }
  func.func @transform_7(%arg0: i32) -> (i32, i32) {
    %c0_i32 = arith.constant 0 : i32
    %c0_i32_0 = arith.constant 0 : i32
    %c0_i32_1 = arith.constant 0 : i32
    return %c0_i32, %c0_i32_0 : i32, i32
  }
}

module attributes {stable_mosaic.version = 14 : i64} {
  func.func @_out_body(%arg0: i32, %arg1: memref<2x2000x128xf32, #tpu.memory_space<vmem>>, %arg2: memref<128x128xf32, #tpu.memory_space<vmem>>, %arg3: memref<1x128xf32, #tpu.memory_space<vmem>>, %arg4: memref<128x128xf32, #tpu.memory_space<vmem>>, %arg5: memref<1x128xf32, #tpu.memory_space<vmem>>, %arg6: memref<2000x128xf32, #tpu.memory_space<vmem>>) attributes {dimension_semantics = [#tpu.dimension_semantics<arbitrary>], iteration_bounds = array<i64: 5>, scalar_prefetch = 0 : i64, scratch_operands = 0 : i64, tpu.core_type = #tpu.core_type<tc>, window_params = [{transform_indices = @transform_0, window_bounds = array<i64: 2, 2000, 128>}, {pipeline_mode = #tpu.pipeline_mode<synchronous>, transform_indices = @transform_1, window_bounds = array<i64: 128, 128>}, {pipeline_mode = #tpu.pipeline_mode<synchronous>, transform_indices = @transform_2, window_bounds = array<i64: 1, 128>}, {pipeline_mode = #tpu.pipeline_mode<synchronous>, transform_indices = @transform_3, window_bounds = array<i64: 128, 128>}, {pipeline_mode = #tpu.pipeline_mode<synchronous>, transform_indices = @transform_4, window_bounds = array<i64: 1, 128>}, {transform_indices = @transform_5, window_bounds = array<i64: 2000, 128>}]} {
    %get3A = arith.constant 0 : index
    %get3A_0 = arith.constant 0 : index
    %get3A_1 = arith.constant 0 : index
    %get3A_2 = vector.load %arg1[%get3A, %get3A_0, %get3A_1] : memref<2x2000x128xf32, #tpu.memory_space<vmem>>, vector<1x2000x128xf32>
    %get3A_3 = vector.shape_cast %get3A_2 : vector<1x2000x128xf32> to vector<2000x128xf32>
    %get3A_4 = arith.constant 1 : index
    %get3A_5 = arith.constant 0 : index
    %get3A_6 = arith.constant 0 : index
    %get3A_7 = vector.load %arg1[%get3A_4, %get3A_5, %get3A_6] : memref<2x2000x128xf32, #tpu.memory_space<vmem>>, vector<1x2000x128xf32>
    %get3A_8 = vector.shape_cast %get3A_7 : vector<1x2000x128xf32> to vector<2000x128xf32>
    %add3A = arith.addf %get3A_3, %get3A_8 : vector<2000x128xf32>
    %get3A_9 = arith.constant 0 : index
    %get3A_10 = arith.constant 0 : index
    %get3A_11 = vector.load %arg2[%get3A_9, %get3A_10] : memref<128x128xf32, #tpu.memory_space<vmem>>, vector<128x128xf32>
    %dot_general3A = arith.constant dense<0.000000e+00> : vector<2000x128xf32>
    %dot_general3A_12 = tpu.matmul %add3A, %get3A_11, %dot_general3A {dimension_numbers = #tpu.dot_dimension_numbers<[1], [0], [0], [1], [0, 0, 1, 1], [], []>, transpose_lhs_hint = false} : vector<2000x128xf32>, vector<128x128xf32>, vector<2000x128xf32> -> vector<2000x128xf32>
    %get3A_13 = arith.constant 0 : index
    %get3A_14 = arith.constant 0 : index
    %get3A_15 = vector.load %arg3[%get3A_13, %get3A_14] : memref<1x128xf32, #tpu.memory_space<vmem>>, vector<1x128xf32>
    %add3A_16 = vector.broadcast %get3A_15 : vector<1x128xf32> to vector<2000x128xf32>
    %add3A_17 = arith.addf %dot_general3A_12, %add3A_16 : vector<2000x128xf32>
    %tanh3A = math.tanh %add3A_17 : vector<2000x128xf32>
    %get3A_18 = arith.constant 0 : index
    %get3A_19 = arith.constant 0 : index
    %get3A_20 = vector.load %arg4[%get3A_18, %get3A_19] : memref<128x128xf32, #tpu.memory_space<vmem>>, vector<128x128xf32>
    %dot_general3A_21 = arith.constant dense<0.000000e+00> : vector<2000x128xf32>
    %dot_general3A_22 = tpu.matmul %tanh3A, %get3A_20, %dot_general3A_21 {dimension_numbers = #tpu.dot_dimension_numbers<[1], [0], [0], [1], [0, 0, 1, 1], [], []>, transpose_lhs_hint = false} : vector<2000x128xf32>, vector<128x128xf32>, vector<2000x128xf32> -> vector<2000x128xf32>
    %get3A_23 = arith.constant 0 : index
    %get3A_24 = arith.constant 0 : index
    %get3A_25 = vector.load %arg5[%get3A_23, %get3A_24] : memref<1x128xf32, #tpu.memory_space<vmem>>, vector<1x128xf32>
    %add3A_26 = vector.broadcast %get3A_25 : vector<1x128xf32> to vector<2000x128xf32>
    %add3A_27 = arith.addf %dot_general3A_22, %add3A_26 : vector<2000x128xf32>
    %swap3A = arith.constant 0 : index
    %swap3A_28 = arith.constant 0 : index
    %swap3A_29 = vector.load %arg6[%swap3A, %swap3A_28] : memref<2000x128xf32, #tpu.memory_space<vmem>>, vector<2000x128xf32>
    tpu.vector_store %arg6[%swap3A, %swap3A_28], %add3A_27 {strides = array<i32>} : memref<2000x128xf32, #tpu.memory_space<vmem>>, vector<2000x128xf32>,
    return
  }
  func.func @transform_0(%arg0: i32) -> (i32, i32, i32) {
    %c0_i32 = arith.constant 0 : i32
    %c0_i32_0 = arith.constant 0 : i32
    %c0_i32_1 = arith.constant 0 : i32
    return %c0_i32, %arg0, %c0_i32_0 : i32, i32, i32
  }
  func.func @transform_1(%arg0: i32) -> (i32, i32) {
    %c0_i32 = arith.constant 0 : i32
    %c0_i32_0 = arith.constant 0 : i32
    %c0_i32_1 = arith.constant 0 : i32
    return %c0_i32, %c0_i32_0 : i32, i32
  }
  func.func @transform_2(%arg0: i32) -> (i32, i32) {
    %c0_i32 = arith.constant 0 : i32
    %c0_i32_0 = arith.constant 0 : i32
    %c0_i32_1 = arith.constant 0 : i32
    return %c0_i32, %c0_i32_0 : i32, i32
  }
  func.func @transform_3(%arg0: i32) -> (i32, i32) {
    %c0_i32 = arith.constant 0 : i32
    %c0_i32_0 = arith.constant 0 : i32
    %c0_i32_1 = arith.constant 0 : i32
    return %c0_i32, %c0_i32_0 : i32, i32
  }
  func.func @transform_4(%arg0: i32) -> (i32, i32) {
    %c0_i32 = arith.constant 0 : i32
    %c0_i32_0 = arith.constant 0 : i32
    %c0_i32_1 = arith.constant 0 : i32
    return %c0_i32, %c0_i32_0 : i32, i32
  }
  func.func @transform_5(%arg0: i32) -> (i32, i32) {
    %c0_i32 = arith.constant 0 : i32
    %c0_i32_0 = arith.constant 0 : i32
    return %arg0, %c0_i32 : i32, i32
  }
}

</mosaic_0001>

<sc_bundles>
// kernel: kernel.6.cloned.1.call-start
scs
__scs_entry_jumppad:
0x0: {  	(pc) =	sbr.rel $0x88, $3  }
0x1: {  	(tag) =	ssettag $0x0;
	lr =	simm.s32 $0x1  }
0x2: {  	[smem:$0x3F94] =	sst lr;
	_ =	strace $0xD0000000  }
0x3: {  	_ = 	snop  }
0x4: {  	_ = 	snop  }
0x5: {  	_ = 	snop  }
0x6: {  	_ = 	snop  }
0x7: {  	_ = 	snop  }
__scs_overlays_trampoline_lowered:
0x8: {  	[smem:$0x3FA3] =	sst s0  }
0x9: {  	[smem:$0x3FA4] =	sst s1  }
0xa: {  	[smem:$0x3FA5] =	sst s2  }
0xb: {  	[smem:$0x3FA6] =	sst s3  }
0xc: {  	[smem:$0x3FA7] =	sst s4  }
0xd: {  	[smem:$0x3FA8] =	sst s5  }
0xe: {  	[smem:$0x3FA9] =	sst s6  }
0xf: {  	[smem:$0x3FAA] =	sst s7  }
0x10: {  	[smem:$0x3FAB] =	sst s8  }
0x11: {  	[smem:$0x3FAC] =	sst s9;
	s0 =	simm.s32 @!p0 $0x0  }
0x12: {  	s1 =	sld [smem:$0x3F92];
	s0 =	simm.s32 @p0 $0x1  }
0x13: {  	[smem:$0x3FAD] =	sst s0;
	s0 =	simm.s32 @!p1 $0x0  }
0x14: {  	s2 =	sld [smem:$0x3F91];
	s0 =	simm.s32 @p1 $0x1  }
0x15: {  	[smem:$0x3FAE] =	sst s0;
	s0 =	simm.s32 @!p2 $0x0  }
0x16: {  	s3 =	sld [smem:$0x3FDB];
	s0 =	simm.s32 @p2 $0x1  }
0x17: {  	s4 =	simm.s32 $0x1BF5;
	[smem:$0x3FB0] =	sst s0  }
0x18: {  	s0 =	sld [smem:$0x3F93];
	_ =	swait.ge [sflag:s4], $0x0  }
0x19: {  	s7 =	sld [smem:$0x3F94]  }
0x1a: {  	s8 =	sadd.s32 $0xFFFFE003, lr  }
0x1b: {  	s9 =	sadd.s32 $0xFFFFFEF7, lr;
	s5 =	simm.s32 $0xFFFFFFFF;
	p2 =	slt.u32 s8, $0xFFFFF086  }
0x1c: {  	p1 =	slt.u32 s9, $0xF7A;
	s5 =	simm.s32 @!p2 $0x0  }
0x1d: {  	s5 =	simm.s32 @p1 $0x1;
	p0 =	seq.s32 s7, s2  }
0x1e: {  	s7 =	smul.u32 @!p0 $0xF7A, s2;
	p2 =	seq.s32 @!p0 s5, $0x0  }
0x1f: {  	s9 =	smul.u32 $0xF7A, s1;
	s8 =	simm.s32 @!p0 $0x1BF5;
	p2 =	por !p2, p0  }
0x20: {  	[sflag:s8] =	ssyncset.s32 @!p0 $0xFFFFF086;
	s6 =	sadd.s32 @!p0 s3, s7;
	s7 =	simm.s32 @!p0 $0x108  }
0x21: {  	s3 =	sadd.s32 s3, s9;
	s6 =	sadd.s32 @!p0 $0x88, s6;
	s7 =	simm.s32 @p2 $0x1082  }
0x22: {  	[simem:s7], [sflag:s8] =	dma.local @!p0 [hbm:s6], $0xF7A  }
0x23: {  	s9 =	sor.u32 $0xD0000000, s2;
	s6 =	simm.s32 $0x108;
	_ =	swait.ge @!p0 [sflag:s8], $0x0  }
0x24: {  	s3 =	sadd.s32 $0x88, s3;
	s6 =	simm.s32 @!p1 $0x1082;
	[sflag:s4] =	ssyncset.s32 $0xFFFFF086  }
0x25: {  	[simem:s6], [sflag:s4] =	dma.local [hbm:s3], $0xF7A  }
0x26: {  	[smem:$0x3F94] =	sst s1;
	(tag) =	ssettag s2;
	_ =	strace s9  }
0x27: {  	s1 =	sld [smem:$0x3FA4]  }
0x28: {  	s2 =	sld [smem:$0x3FA5]  }
0x29: {  	s4 =	sld [smem:$0x3FA7]  }
0x2a: {  	p0 =	seq.s32 s5, $0x0;
	s5 =	sld [smem:$0x3FA8]  }
0x2b: {  	s6 =	sld [smem:$0x3FA9]  }
0x2c: {  	s7 =	sld [smem:$0x3FAA]  }
0x2d: {  	s3 =	simm.s32 $0x108;
	s8 =	sld [smem:$0x3FAB]  }
0x2e: {  	s3 =	simm.s32 @!p0 $0x1082;
	s9 =	sld [smem:$0x3FAC]  }
0x2f: {  	lr =	sadd.s32 s0, s3;
	s0 =	sld [smem:$0x3FA3]  }
0x30: {  	s3 =	sld [smem:$0x3FA6]  }
0x31: {  	[smem:$0x3FAF] =	sst s10  }
0x32: {  	s10 =	sld [smem:$0x3FAD];
	_ =	sdelay $0x3  }
0x33: {  	p0 =	seq.s32 s10, $0x1;
	s10 =	sld [smem:$0x3FAF];
	_ =	sdelay $0x3  }
0x34: {  	[smem:$0x3FAF] =	sst s10  }
0x35: {  	s10 =	sld [smem:$0x3FAE];
	_ =	sdelay $0x3  }
0x36: {  	p1 =	seq.s32 s10, $0x1;
	s10 =	sld [smem:$0x3FAF];
	_ =	sdelay $0x3  }
0x37: {  	[smem:$0x3FAF] =	sst s10  }
0x38: {  	s10 =	sld [smem:$0x3FB0]  }
0x39: {  	_ = 	snop;
	(pc) =	sbr.ind lr, $3  }
0x3a: {  	_ = 	snop  }
0x3b: {  	_ = 	snop  }
0x3c: {  	p2 =	seq.s32 s10, $0x1;
	s10 =	sld [smem:$0x3FAF]  }
0x3d: {  	_ =	shalt  }
0x3e: {  	_ =	shalt  }
0x3f: {  	_ =	shalt  }
0x40: {  	_ =	shalt  }
0x41: {  	_ =	shalt  }
0x42: {  	_ =	shalt  }
0x43: {  	_ =	shalt  }
0x44: {  	_ =	shalt  }
0x45: {  	_ =	shalt  }
0x46: {  	_ =	shalt  }
0x47: {  	_ =	shalt  }
0x48: {  	_ =	shalt  }
0x49: {  	_ =	shalt  }
0x4a: {  	_ =	shalt  }
0x4b: {  	_ =	shalt  }
0x4c: {  	_ =	shalt  }
0x4d: {  	_ =	shalt  }
0x4e: {  	_ =	shalt  }
0x4f: {  	_ =	shalt  }
0x50: {  	_ =	shalt  }
0x51: {  	_ =	shalt  }
0x52: {  	_ =	shalt  }
0x53: {  	_ =	shalt  }
0x54: {  	_ =	shalt  }
0x55: {  	_ =	shalt  }
0x56: {  	_ =	shalt  }
0x57: {  	_ =	shalt  }
0x58: {  	_ =	shalt  }
0x59: {  	_ =	shalt  }
0x5a: {  	_ =	shalt  }
0x5b: {  	_ =	shalt  }
0x5c: {  	_ =	shalt  }
0x5d: {  	_ =	shalt  }
0x5e: {  	_ =	shalt  }
0x5f: {  	_ =	shalt  }
0x60: {  	_ =	shalt  }
0x61: {  	_ =	shalt  }
0x62: {  	_ =	shalt  }
0x63: {  	_ =	shalt  }
0x64: {  	_ =	shalt  }
0x65: {  	_ =	shalt  }
0x66: {  	_ =	shalt  }
0x67: {  	_ =	shalt  }
0x68: {  	_ =	shalt  }
0x69: {  	_ =	shalt  }
0x6a: {  	_ =	shalt  }
0x6b: {  	_ =	shalt  }
0x6c: {  	_ =	shalt  }
0x6d: {  	_ =	shalt  }
0x6e: {  	_ =	shalt  }
0x6f: {  	_ =	shalt  }
0x70: {  	_ =	shalt  }
0x71: {  	_ =	shalt  }
0x72: {  	_ =	shalt  }
0x73: {  	_ =	shalt  }
0x74: {  	_ =	shalt  }
0x75: {  	_ =	shalt  }
0x76: {  	_ =	shalt  }
0x77: {  	_ =	shalt  }
0x78: {  	_ =	shalt  }
0x79: {  	_ =	shalt  }
0x7a: {  	_ =	shalt  }
0x7b: {  	_ =	shalt  }
0x7c: {  	_ =	shalt  }
0x7d: {  	_ =	shalt  }
0x7e: {  	_ =	shalt  }
0x7f: {  	_ =	shalt  }
0x80: {  	_ =	shalt  }
0x81: {  	_ =	shalt  }
0x82: {  	_ =	shalt  }
0x83: {  	_ =	shalt  }
0x84: {  	_ =	shalt  }
0x85: {  	_ =	shalt  }
0x86: {  	_ =	shalt  }
0x87: {  	_ =	shalt  }
.Lfunc_end0:
.L_simem_size_0:
called_computation_lowered:
.L_overlay_start_0:
0x88: {  	s2 =	sld [smem:$0x3FD9]  }
0x89: {  	s3 =	sld [smem:$0x3FFE];
	_ =	sdelay $0x1  }
0x8a: {  	s1 =	srdreg.scid  }
0x8b: {  	s0 =	sand.u32 $0x1, s1  }
0x8c: {  	s17 =	sshll.u32 s0, $0xA;
	s2 =	sadd.s32 s3, s2  }
0x8d: {  	s2 =	sadd.s32 s2, s17  }
0x8e: {  	[smem:$0x3FBB] =	sst s2  }
0x8f: {  	_ = 	snop  }
0x90: {  	s2 =	sld [smem:$0x3FC8]  }
0x91: {  	s18 =	sld [smem:$0x3FD0];
	(tm) =	ssettm $0x1  }
0x92: {  	s4 =	sld [smem:$0x3FFB];
	_ =	sdelay $0x3  }
0x93: {  	_ =	strace s4  }
0x94: {  	s4 =	sld [smem:$0x3FFC];
	_ =	sdelay $0x3  }
0x95: {  	_ =	strace s4  }
0x96: {  	s4 =	sld [smem:$0x3FFD];
	_ =	sdelay $0x3  }
0x97: {  	_ =	strace s4  }
0x98: {  	_ =	strace $0x8FFFFFFF  }
0x99: {  	s19 =	sld [smem:$0x3FDB];
	_ =	sdelay $0x1  }
0x9a: {  	s5 =	simm.s32 $_scs_section_size  }
0x9b: {  	s6 =	simm.s32 $_size__tile_overlayer_lowered;
	s7 =	simm.s32 $_tile_overlayer_lowered  }
0x9c: {  	s22 =	simm.s32 $0x1BFF;
	s21 =	sshll.u32 s7, $0x1;
	s4 =	sadd.s32 s5, s19  }
0x9d: {  	s8 =	simm.s32 $0x0;
	s20 =	sshll.u32 s6, $0x1;
	s6 =	sadd.s32 s21, s4  }
0x9e: {  	[timem:s8], [sflag:s22] =	dma.local [hbm:s6], s20  }
0x9f: {  	_ =	swait.ge [sflag:s22], s20  }
0xa0: {  	s5 =	ssub.s32 $0x0, s20;
	[sflag:s22] =	ssyncset.done $0x0  }
0xa1: {  	[sflag:s22] =	ssyncadd.s32 s5;
	_ =	sdelay $0x1  }
0xa2: {  	s23 =	simm.s32 $0x1B8B  }
0xa3: {  	_ =	swait.ge [sflag:s23], $0x1  }
0xa4: {  	[sflag:s23] =	ssyncset.done $0x0  }
0xa5: {  	s25 =	simm.s32 $0x1B8E;
	s24 =	sld [smem:$0x3FFE];
	[sflag:s23] =	ssyncadd.s32 $0xFFFFFFFF  }
0xa6: {  	s26 =	simm.s32 $execute0_lowered;
	[smem:$0x3FD2] =	sst s25  }
0xa7: {  	s6 =	sshll.u32 s26, $0x1;
	_ =	strace $0x80000046;
	[dreg:$0x1] =	wrdreg $0xFFFFFFFF  }
0xa8: {  	s28 =	simm.s32 $_size_execute0_lowered;
	s4 =	sadd.s32 s4, s6;
	[dreg:$0x0] =	wrdreg $0x0  }
0xa9: {  	s6 =	sshll.u32 s28, $0x1;
	[dreg:$0x2] =	wrdreg s4  }
0xaa: {  	[dreg:$0x3] =	wrdreg s6  }
0xab: {  	[dreg:$0x4] =	wrdreg $0xC0  }
0xac: {  	_ =	task [dreg:s8], $0x5FFFF  }
0xad: {  	[dreg:$0x1] =	wrdreg $0xFFFFFFFF  }
0xae: {  	[dreg:$0x0] =	wrdreg $0x60  }
0xaf: {  	[dreg:$0x2] =	wrdreg s18  }
0xb0: {  	[dreg:$0x3] =	wrdreg s24  }
0xb1: {  	[dreg:$0x4] =	wrdreg s2  }
0xb2: {  	[dreg:$0x5] =	wrdreg $0xAC000  }
0xb3: {  	[dreg:$0x6] =	wrdreg $0x9  }
0xb4: {  	_ =	task.clear_ibuf [dreg:s8], $0x7FFFF;
	_ =	strace $0x90000046  }
0xb5: {  	s29 =	simm.s32 $0x9;
	_ =	strace $0x80000048  }
0xb6: {  	_ =	swait.ge [sflag:s29], $0x1  }
0xb7: {  	[sflag:s29] =	ssyncadd.s32 $0xFFFFFFFF  }
0xb8: {  	_ =	strace $0x90000048  }
0xb9: {  	_ =	sfence  }
0xba: {  	s30 =	sld [smem:$0x0];
	_ =	sdelay $0x2  }
0xbb: {  	s31 =	sshll.u32 s1, $0xD;
	s1 =	sshrl.u32 s1, $0x2  }
0xbc: {  	s3 =	sand.u32 $0x4000, s31;
	s1 =	sadd.s32 s1, s30  }
0xbd: {  	s0 =	sor.u32 s3, s0;
	s1 =	sshll.u32 s1, $0x11  }
0xbe: {  	s0 =	sor.u32 s1, s0  }
0xbf: {  	s0 =	sadd.s32 $0x8F2B, s0  }
0xc0: {  	[sflag:s0] =	ssyncadd.remote.s32 $0x1  }
0xc1: {  	_ =	sfence.sel $0xFFFF  }
0xc2: {  	[dreg:$0x0] =	wrdreg $0xFFFFFFFF;
	(pc) =	sbr.abs _section_cstart, $3  }
0xc3: {  	[dreg:$0x1] =	wrdreg $0xFFFFFFFF  }
0xc4: {  	_ =	task.clear_ibuf [dreg:s8], $0x2FFFF;
	_ =	strace $0x9FFFFFFF  }
0xc5: {  	(tm) =	ssettm $0x7FFFFFFF  }
tec
execute0_lowered:
.L_overlay_start_1:
0x0: {  	(tag) =	ssettag $0x1  }
0x1: {  	s1 =	rddreg [dreg:$0x0]  }
0x2: {  	s0 =	rddreg [dreg:$0x1]  }
0x3: {  	s2 =	rddreg [dreg:$0x2]  }
0x4: {  	s3 =	rddreg [dreg:$0x3]  }
0x5: {  	s5 =	simm.s32 $0x0;
	s4 =	srdreg.scid;
	s23 =	stileid.u32  }
0x6: {  	[smem:$0x7FF] =	sst s5;
	s6 =	sadd.s32 $0x2000, s0;
	s4 =	sand.u32 $0x1, s4  }
0x7: {  	s8 =	sshll.u32 s23, $0x1;
	s7 =	sadd.s32 $0x4E4000, s0;
	s10 =	sadd.s32 $0x4F7A00, s0  }
0x8: {  	s12 =	sadd.s32 $0x4F7E00, s0;
	s13 =	smul.u32 $0x4E000, s23;
	p0 =	slt.u32 s23, $0x4  }
0x9: {  	s22 =	smul.u32 $0x13800, s23;
	_ =	strace $0x80000047;
	s9 =	ssub.s32 $0x2, s4  }
0xa: {  	s8 =	sor.u32 s4, s8;
	[dreg:$0x5] =	wrdreg s10;
	s4 =	smul.u32 $0x138800, s4  }
0xb: {  	s25 =	sshrl.u32 s9, $0x1;
	s11 =	smul.u32 $0x9C, s8;
	s8 =	smin.u32 s8, $0x8  }
0xc: {  	s26 =	sshrl.u32 s13, $0x2;
	s0 =	ssub.s32 s9, s25;
	s9 =	simm.s32 $0x9D  }
0xd: {  	s31 =	sadd.s32 s22, s4;
	s4 =	sshrl.u32 s4, $0x3;
	s10 =	sadd.s32 s8, s11  }
0xe: {  	s9 =	simm.s32 @!p0 $0x9C;
	s11 =	sadd.s32 s26, s3;
	s8 =	sshll.u32 s8, $0x6  }
0xf: {  	s4 =	sadd.s32 s12, s4;
	s0 =	smax.u32 s0, $0x1;
	p0 =	sne.s32 s23, $0xF  }
0x10: {  	s28 =	sshll.u32 s10, $0x7;
	s8 =	sand.u32 $0x40, s8;
	s15 =	sadd.s32 $0x1, s10  }
0x11: {  	s22 =	sshll.u32 s10, $0x4;
	s4 =	sadd.s32 $0x27000, s4;
	[dreg:$0x16] =	wrdreg s0  }
0x12: {  	s23 =	sadd.s32 $0x2000, s11;
	s14 =	sand.u32 $0x1FFF00, s28;
	s16 =	sshll.u32 s15, $0x7  }
0x13: {  	s17 =	sshll.u32 s15, $0x6;
	s29 =	sor.u32 s8, s28;
	[dreg:$0x15] =	wrdreg s4  }
0x14: {  	s24 =	sadd.s32 $0x100, s28;
	[dreg:$0x17] =	wrdreg s23;
	s23 =	simm.s32 $0x3  }
0x15: {  	s14 =	sor.u32 s8, s14;
	s18 =	sand.u32 $0x7FFFFF00, s16;
	s17 =	sand.u32 $0x40, s17  }
0x16: {  	s30 =	sshrl.u32 s29, $0x3;
	s28 =	sand.u32 $0x7FFFFF00, s24;
	s14 =	sshrl.u32 s14, $0x3  }
0x17: {  	s18 =	sor.u32 s17, s18;
	s16 =	sor.u32 s16, s17;
	s17 =	sadd.s32 $0x3, s10  }
0x18: {  	s19 =	sshll.u32 s17, $0x7;
	s20 =	sshll.u32 s17, $0x6;
	s14 =	sadd.s32 s2, s14  }
0x19: {  	s25 =	sshrl.u32 s18, $0x3;
	s26 =	sshrl.u32 s16, $0x3;
	s16 =	sor.u32 s8, s28  }
0x1a: {  	s8 =	sor.u32 s8, s24;
	s28 =	sadd.s32 $0xA000, s11;
	s21 =	sand.u32 $0x7FFFFF00, s19  }
0x1b: {  	s20 =	sand.u32 $0x40, s20;
	[dreg:$0x6] =	wrdreg s14;
	s14 =	sor.u32 $0x10, s30  }
0x1c: {  	s13 =	sadd.s32 s2, s25;
	s8 =	sshrl.u32 s8, $0x3;
	s30 =	sshrl.u32 s16, $0x3  }
0x1d: {  	s25 =	sadd.s32 $0x6000, s11;
	[dreg:$0x1b] =	wrdreg s28;
	s21 =	sor.u32 s20, s21  }
0x1e: {  	s19 =	sor.u32 s19, s20;
	s20 =	sshrl.u32 s31, $0x3;
	[dreg:$0xa] =	wrdreg s13  }
0x1f: {  	s14 =	sadd.s32 s2, s14;
	s8 =	sor.u32 $0x10, s8;
	[dreg:$0x19] =	wrdreg s25  }
0x20: {  	s31 =	sshll.u32 s15, $0x4;
	s13 =	sadd.s32 s2, s30;
	[dreg:$0x8] =	wrdreg s14  }
0x21: {  	s30 =	sadd.s32 $0xE000, s11;
	s25 =	simm.s32 $0x0;
	[dreg:$0xd] =	wrdreg s13  }
0x22: {  	s20 =	sadd.s32 s12, s20;
	s12 =	sadd.s32 s7, s22;
	[dreg:$0x1d] =	wrdreg s30  }
0x23: {  	s14 =	sor.u32 $0x10, s26;
	s8 =	sadd.s32 s2, s8;
	[dreg:$0x7] =	wrdreg s20  }
0x24: {  	s13 =	sshrl.u32 s21, $0x3;
	s22 =	sshll.u32 s10, $0xA;
	[dreg:$0x9] =	wrdreg s12  }
0x25: {  	s26 =	sadd.s32 $0x8000, s11;
	s29 =	sadd.s32 s2, s14;
	[dreg:$0xe] =	wrdreg s8  }
0x26: {  	s14 =	sadd.s32 s7, s31;
	s12 =	sshrl.u32 s24, $0x3;
	[dreg:$0x1a] =	wrdreg s26  }
0x27: {  	s16 =	sadd.s32 s2, s13;
	s20 =	sshll.u32 s15, $0xA;
	[dreg:$0xb] =	wrdreg s29  }
0x28: {  	s24 =	sadd.s32 $0x4000, s11;
	s31 =	sadd.s32 $0x10000, s11;
	[dreg:$0xc] =	wrdreg s14  }
0x29: {  	s15 =	sadd.s32 $0x12000, s11;
	s14 =	sshrl.u32 s19, $0x3;
	[dreg:$0x10] =	wrdreg s16  }
0x2a: {  	s8 =	sadd.s32 s7, s12;
	s19 =	sshll.u32 s17, $0x4;
	[dreg:$0x18] =	wrdreg s24  }
0x2b: {  	s21 =	sand.u32 $0x1FFFFC00, s20;
	s12 =	sadd.s32 s6, s22;
	[dreg:$0x1e] =	wrdreg s31  }
0x2c: {  	s29 =	sadd.s32 $0xC000, s11;
	s16 =	sadd.s32 $0x138000, s3;
	[dreg:$0xf] =	wrdreg s8  }
0x2d: {  	s17 =	simm.s32 $0xC00;
	s18 =	sor.u32 $0x10, s14;
	[dreg:$0x13] =	wrdreg s12  }
0x2e: {  	s20 =	simm.s32 $0x1;
	[dreg:$0x1c] =	wrdreg s29;
	s8 =	sadd.s32 s2, s18  }
0x2f: {  	s22 =	simm.s32 $0x2;
	[dreg:$0x11] =	wrdreg s8;
	s8 =	sadd.s32 s7, s19  }
0x30: {  	s24 =	simm.s32 $0x4;
	[dreg:$0x12] =	wrdreg s8;
	s8 =	sadd.s32 s6, s21  }
0x31: {  	s18 =	simm.s32 $0x5;
	s21 =	simm.s32 $0x40;
	[dreg:$0x14] =	wrdreg s8  }
.LBB2_1:
0x32: {  	s0 =	rddreg [dreg:$0x5]  }
0x33: {  	[tilespmem:s17], [sflag:$0x5] =	stream.linear.gather [hbm4b:s0+s5], $0x2000, $0x38;
	[tilespmem:$0x1E480] =	vst v63  }
0x34: {  	_ =	swait.ge [sflag:s18], $0x2000  }
0x35: {  	[sflag:s18] =	ssyncset.done $0x0  }
0x36: {  	[sflag:s18] =	ssyncadd.s32 $0xFFFFE000  }
0x37: {  	[spmem:s11] =	stream.linear.scatter [tilespmem:s17], [sflag:$0x5], $0x2000, $0x38;
	[tilespmem:$0x1E480] =	vst v63  }
0x38: {  	_ =	swait.ge [sflag:s18], $0x2000  }
0x39: {  	[sflag:s18] =	ssyncset.done $0x0  }
0x3a: {  	s14 =	rddreg [dreg:$0x17];
	[sflag:s18] =	ssyncadd.s32 $0xFFFFE000  }
0x3b: {  	[spmem:s14] =	stream.linear.scatter [tilespmem:s17], [sflag:$0x5], $0x2000, $0x38;
	[tilespmem:$0x1E480] =	vst v63  }
0x3c: {  	_ =	swait.ge [sflag:s18], $0x2000  }
0x3d: {  	[sflag:s18] =	ssyncset.done $0x0  }
0x3e: {  	s19 =	rddreg [dreg:$0x18];
	[sflag:s18] =	ssyncadd.s32 $0xFFFFE000  }
0x3f: {  	[spmem:s19] =	stream.linear.scatter [tilespmem:s17], [sflag:$0x5], $0x2000, $0x38;
	[tilespmem:$0x1E480] =	vst v63  }
0x40: {  	_ =	swait.ge [sflag:s18], $0x2000  }
0x41: {  	[sflag:s18] =	ssyncset.done $0x0  }
0x42: {  	s26 =	rddreg [dreg:$0x19];
	[sflag:s18] =	ssyncadd.s32 $0xFFFFE000  }
0x43: {  	[spmem:s26] =	stream.linear.scatter [tilespmem:s17], [sflag:$0x5], $0x2000, $0x38;
	[tilespmem:$0x1E480] =	vst v63  }
0x44: {  	_ =	swait.ge [sflag:s18], $0x2000  }
0x45: {  	[sflag:s18] =	ssyncset.done $0x0  }
0x46: {  	s30 =	rddreg [dreg:$0x1a];
	[sflag:s18] =	ssyncadd.s32 $0xFFFFE000  }
0x47: {  	[spmem:s30] =	stream.linear.scatter [tilespmem:s17], [sflag:$0x5], $0x2000, $0x38;
	[tilespmem:$0x1E480] =	vst v63  }
0x48: {  	_ =	swait.ge [sflag:s18], $0x2000  }
0x49: {  	[sflag:s18] =	ssyncset.done $0x0  }
0x4a: {  	s31 =	rddreg [dreg:$0x1b];
	[sflag:s18] =	ssyncadd.s32 $0xFFFFE000  }
0x4b: {  	[spmem:s31] =	stream.linear.scatter [tilespmem:s17], [sflag:$0x5], $0x2000, $0x38;
	[tilespmem:$0x1E480] =	vst v63  }
0x4c: {  	_ =	swait.ge [sflag:s18], $0x2000  }
0x4d: {  	[sflag:s18] =	ssyncset.done $0x0  }
0x4e: {  	s4 =	rddreg [dreg:$0x1c];
	[sflag:s18] =	ssyncadd.s32 $0xFFFFE000  }
0x4f: {  	[spmem:s4] =	stream.linear.scatter [tilespmem:s17], [sflag:$0x5], $0x2000, $0x38;
	[tilespmem:$0x1E480] =	vst v63  }
0x50: {  	_ =	swait.ge [sflag:s18], $0x2000  }
0x51: {  	[sflag:s18] =	ssyncset.done $0x0  }
0x52: {  	s8 =	rddreg [dreg:$0x1d];
	[sflag:s18] =	ssyncadd.s32 $0xFFFFE000  }
0x53: {  	[spmem:s8] =	stream.linear.scatter [tilespmem:s17], [sflag:$0x5], $0x2000, $0x38;
	[tilespmem:$0x1E480] =	vst v63  }
0x54: {  	_ =	swait.ge [sflag:s18], $0x2000  }
0x55: {  	[sflag:s18] =	ssyncset.done $0x0  }
0x56: {  	s12 =	rddreg [dreg:$0x1e];
	[sflag:s18] =	ssyncadd.s32 $0xFFFFE000  }
0x57: {  	[spmem:s12] =	stream.linear.scatter [tilespmem:s17], [sflag:$0x5], $0x2000, $0x38;
	[tilespmem:$0x1E480] =	vst v63  }
0x58: {  	_ =	swait.ge [sflag:s18], $0x2000  }
0x59: {  	[sflag:s18] =	ssyncset.done $0x0  }
0x5a: {  	[sflag:s18] =	ssyncadd.s32 $0xFFFFE000  }
0x5b: {  	[spmem:s15] =	stream.linear.scatter [tilespmem:s17], [sflag:$0x5], $0x1800, $0x38;
	[tilespmem:$0x1E480] =	vst v63  }
0x5c: {  	_ =	swait.ge [sflag:s18], $0x1800  }
0x5d: {  	[sflag:s18] =	ssyncset.done $0x0  }
0x5e: {  	s0 =	simm.s32 @!p0 $0xC00;
	[sflag:s18] =	ssyncadd.s32 $0xFFFFE800  }
0x5f: {  	[spmem:s16] =	stream.linear.scatter @!p0 [tilespmem:s0], [sflag:$0x5], $0x800, $0x38;
	[tilespmem:$0x1E480] =	vst v63  }
0x60: {  	s0 =	simm.s32 @!p0 $0x5  }
0x61: {  	_ =	swait.ge @!p0 [sflag:s0], $0x800  }
0x62: {  	[sflag:s0] =	ssyncset.done @!p0 $0x0  }
0x63: {  	[sflag:s0] =	ssyncadd.s32 @!p0 $0xFFFFF800  }
0x64: {  	[bflag:$0x0] =	sbarrier.arrive $0xFFFF  }
0x65: {  	s13 =	rddreg [dreg:$0x6]  }
0x66: {  	[tilespmem:s5], [sflag:$0x1] =	stream.linear.gather [hbm4b:s13+s5], $0x40, $0x38;
	[tilespmem:$0x1E480] =	vst v63  }
0x67: {  	s4 =	simm.s32 $0x400;
	s14 =	rddreg [dreg:$0x8]  }
0x68: {  	[tilespmem:s4], [sflag:$0x1] =	stream.linear.gather [hbm4b:s14+s5], $0x40, $0x38;
	[tilespmem:$0x1E480] =	vst v63  }
0x69: {  	s26 =	simm.s32 $0x800;
	s19 =	rddreg [dreg:$0x9]  }
0x6a: {  	[tilespmem:s26], [sflag:$0x1] =	stream.linear.gather [hbm4b:s19+s5], $0x80, $0x38;
	[tilespmem:$0x1E480] =	vst v63  }
0x6b: {  	s30 =	rddreg [dreg:$0xa];
	s4 =	simm.s32 $0x80  }
0x6c: {  	[tilespmem:s4], [sflag:$0x1] =	stream.linear.gather [hbm4b:s30+s5], $0x40, $0x38;
	[tilespmem:$0x1E480] =	vst v63  }
0x6d: {  	s8 =	simm.s32 $0x480;
	s31 =	rddreg [dreg:$0xb]  }
0x6e: {  	[tilespmem:s8], [sflag:$0x1] =	stream.linear.gather [hbm4b:s31+s5], $0x40, $0x38;
	[tilespmem:$0x1E480] =	vst v63  }
0x6f: {  	s12 =	rddreg [dreg:$0xc];
	s13 =	simm.s32 $0x880  }
0x70: {  	[tilespmem:s13], [sflag:$0x1] =	stream.linear.gather [hbm4b:s12+s5], $0x80, $0x38;
	[tilespmem:$0x1E480] =	vst v63  }
0x71: {  	s14 =	rddreg [dreg:$0xd];
	s19 =	simm.s32 $0x100  }
0x72: {  	[tilespmem:s19], [sflag:$0x1] =	stream.linear.gather [hbm4b:s14+s5], $0x40, $0x38;
	[tilespmem:$0x1E480] =	vst v63  }
0x73: {  	s30 =	rddreg [dreg:$0xe];
	s31 =	simm.s32 $0x500  }
0x74: {  	[tilespmem:s31], [sflag:$0x1] =	stream.linear.gather [hbm4b:s30+s5], $0x40, $0x38;
	[tilespmem:$0x1E480] =	vst v63  }
0x75: {  	s12 =	rddreg [dreg:$0xf];
	s13 =	simm.s32 $0x900  }
0x76: {  	[tilespmem:s13], [sflag:$0x1] =	stream.linear.gather [hbm4b:s12+s5], $0x80, $0x38;
	[tilespmem:$0x1E480] =	vst v63  }
0x77: {  	s14 =	rddreg [dreg:$0x10];
	s19 =	simm.s32 $0x180  }
0x78: {  	[tilespmem:s19], [sflag:$0x1] =	stream.linear.gather [hbm4b:s14+s5], $0x40, $0x38;
	[tilespmem:$0x1E480] =	vst v63  }
0x79: {  	s30 =	rddreg [dreg:$0x11];
	s31 =	simm.s32 $0x580  }
0x7a: {  	[tilespmem:s31], [sflag:$0x1] =	stream.linear.gather [hbm4b:s30+s5], $0x40, $0x38;
	[tilespmem:$0x1E480] =	vst v63  }
0x7b: {  	s8 =	rddreg [dreg:$0x12];
	s12 =	simm.s32 $0x980  }
0x7c: {  	[tilespmem:s12], [sflag:$0x1] =	stream.linear.gather [hbm4b:s8+s5], $0x80, $0x38;
	[tilespmem:$0x1E480] =	vst v63  }
0x7d: {  	_ =	swait.ge [sflag:s20], $0x40  }
0x7e: {  	[sflag:s20] =	ssyncset.done $0x0  }
0x7f: {  	[sflag:s20] =	ssyncadd.s32 $0xFFFFFFC0  }
0x80: {  	_ =	swait.ge [sflag:s20], $0x40  }
0x81: {  	[sflag:s20] =	ssyncset.done $0x0  }
0x82: {  	[sflag:s20] =	ssyncadd.s32 $0xFFFFFFC0  }
0x83: {  	_ =	swait.ge [sflag:s20], $0x80  }
0x84: {  	[sflag:s20] =	ssyncset.done $0x0  }
0x85: {  	[sflag:s20] =	ssyncadd.s32 $0xFFFFFF80  }
0x86: {  	_ =	swait.ge [sflag:s20], $0x40  }
0x87: {  	[sflag:s20] =	ssyncset.done $0x0  }
0x88: {  	[sflag:s20] =	ssyncadd.s32 $0xFFFFFFC0  }
0x89: {  	_ =	swait.ge [sflag:s20], $0x40  }
0x8a: {  	[sflag:s20] =	ssyncset.done $0x0  }
0x8b: {  	[sflag:s20] =	ssyncadd.s32 $0xFFFFFFC0  }
0x8c: {  	_ =	swait.ge [sflag:s20], $0x80  }
0x8d: {  	[sflag:s20] =	ssyncset.done $0x0  }
0x8e: {  	[sflag:s20] =	ssyncadd.s32 $0xFFFFFF80  }
0x8f: {  	[tilespmem:s17], [sflag:$0x2] =	stream.indirect.gather [hbm4b:s1+s21], $0x80, s5, s21, $0xb8;
	[tilespmem:$0x1E480] =	vst v63  }
0x90: {  	s28 =	simm.s32 $0xDF0;
	s13 =	simm.s32 $0x2C00  }
0x91: {  	[tilespmem:s13], [sflag:$0x2] =	stream.indirect.gather [hbm4b:s1+s21], $0x80, s4, s21, $0xb8;
	[tilespmem:$0x1E480] =	vst v63  }
0x92: {  	p1 =	por $0x0, $0x0;
	s19 =	simm.s32 $0x6C00;
	s14 =	rddreg [dreg:$0x13]  }
0x93: {  	[tilespmem:s19], [sflag:$0x3] =	stream.linear.gather [hbm4b:s14+s5], $0x2000, $0x38;
	[tilespmem:$0x1E480] =	vst v63  }
0x94: {  	s29 =	simm.s32 $0x0;
	s31 =	simm.s32 $0x8C00;
	s30 =	rddreg [dreg:$0x14]  }
0x95: {  	[tilespmem:s31], [sflag:$0x3] =	stream.linear.gather [hbm4b:s30+s5], $0x2000, $0x38;
	[tilespmem:$0x1E480] =	vst v63  }
.LBB2_2:
0x96: {  	s0 =	smulhi.u32 $0xCCCCCCCD, s29;
	_ =	swait.ge [sflag:s22], $0x2000  }
0x97: {  	s4 =	smulhi.u32 $0xAAAAAAAB, s29;
	s8 =	simm.s32 $0x1;
	[sflag:s22] =	ssyncset.done $0x0  }
0x98: {  	s8 =	simm.s32 @!p1 $0x0;
	s0 =	sshrl.u32 s0, $0x2;
	[sflag:s22] =	ssyncadd.s32 $0xFFFFE000  }
0x99: {  	s4 =	sshrl.u32 s4, $0x1;
	s12 =	smul.u32 $0xFFFFF600, s0;
	_ =	swait.ge [sflag:s23], $0x2000  }
0x9a: {  	s8 =	sshll.u32 s8, $0xD;
	s13 =	smul.u32 $0xFFFE8000, s4;
	[sflag:s23] =	ssyncset.done $0x0  }
0x9b: {  	s8 =	sadd.s32 $0x6D00, s8;
	s19 =	sshra.s32 s12, $0x2;
	[sflag:s23] =	ssyncadd.s32 $0xFFFFE000  }
0x9c: {  	s19 =	sadd.s32 s19, s26;
	v0 =	vld [tilespmem:s8+$0x80]  }
0x9d: {  	s13 =	sshra.s32 s13, $0x2;
	v10 =	vld.msk [tilespmem:s19+$0x3 ss:$0x0], $0xffff  }
0x9e: {  	s30 =	sadd.s32 s13, s28  }
0x9f: {  	v1 =	vld [tilespmem:s30+$0xFFFFFF90];
	_ =	sdelay $0x1  }
0xa0: {  	v2 =	vld [tilespmem:s8+$0xFFFFFF80]  }
0xa1: {  	v4 =	vld [tilespmem:s8+$0x0];
	v0 =	vmul.f32 v0, v10  }
0xa2: {  	v11 =	vld.msk [tilespmem:s19+$0x0 ss:$0x0], $0xffff  }
0xa3: {  	v9 =	vld.msk [tilespmem:s19+$0x1 ss:$0x0], $0xffff;
	v0 =	vmul.f32 v0, v1  }
0xa4: {  	v6 =	vld [tilespmem:s30+$0xFFFFFE90]  }
0xa5: {  	v1 =	vld [tilespmem:s8+$0xFFFFFF00];
	[tilespmem:s30+$0xFFFFFF90] =	vst v0  }
0xa6: {  	v0 =	vld [tilespmem:s8+$0x90]  }
0xa7: {  	v3 =	vld [tilespmem:s30+$0xFFFFFE10]  }
0xa8: {  	v5 =	vld [tilespmem:s30+$0xFFFFFFA0]  }
0xa9: {  	v8 =	vld.msk [tilespmem:s19+$0x2 ss:$0x0], $0xffff;
	v2 =	vmul.f32 v2, v9  }
0xaa: {  	v1 =	vmul.f32 v1, v11  }
0xab: {  	v7 =	vld [tilespmem:s30+$0xFFFFFF10];
	v2 =	vmul.f32 v2, v6;
	v0 =	vmul.f32 v0, v10  }
0xac: {  	v1 =	vmul.f32 v1, v3  }
0xad: {  	[tilespmem:s30+$0xFFFFFE90] =	vst v2;
	v0 =	vmul.f32 v0, v5  }
0xae: {  	[tilespmem:s30+$0xFFFFFE10] =	vst v1;
	v1 =	vmul.f32 v4, v8  }
0xaf: {  	v2 =	vld [tilespmem:s8+$0xFFFFFF90];
	[tilespmem:s30+$0xFFFFFFA0] =	vst v0  }
0xb0: {  	v0 =	vmul.f32 v1, v7;
	v1 =	vld [tilespmem:s8+$0xA0]  }
0xb1: {  	v3 =	vld [tilespmem:s30+$0xFFFFFEA0]  }
0xb2: {  	[tilespmem:s30+$0xFFFFFF10] =	vst v0;
	v0 =	vld [tilespmem:s30+$0xFFFFFFB0]  }
0xb3: {  	v6 =	vld [tilespmem:s8+$0x10];
	_ =	sdelay $0x1  }
0xb4: {  	s31 =	sadd.s32 $0x200, s8;
	v13 =	vld [tilespmem:s30+$0xFFFFFF20];
	v1 =	vmul.f32 v1, v10  }
0xb5: {  	v24 =	vld [tilespmem:s31+$0xFFFFFF80];
	v2 =	vmul.f32 v2, v9  }
0xb6: {  	v26 =	vld [tilespmem:s31+$0x0];
	v0 =	vmul.f32 v1, v0  }
0xb7: {  	v12 =	vld [tilespmem:s30+$0xFFFFFE20];
	v1 =	vmul.f32 v2, v3;
	v2 =	vmul.f32 v6, v8  }
0xb8: {  	v7 =	vld [tilespmem:s30+$0xFFFFFEB0];
	[tilespmem:s30+$0xFFFFFFB0] =	vst v0  }
0xb9: {  	[tilespmem:s30+$0xFFFFFEA0] =	vst v1;
	v0 =	vmul.f32 v2, v13;
	v1 =	vld [tilespmem:s8+$0xB0]  }
0xba: {  	v2 =	vld [tilespmem:s8+$0xFFFFFFA0]  }
0xbb: {  	[tilespmem:s30+$0xFFFFFF20] =	vst v0;
	v0 =	vld [tilespmem:s30+$0xFFFFFFC0]  }
0xbc: {  	v13 =	vld [tilespmem:s8+$0x20]  }
0xbd: {  	v14 =	vld [tilespmem:s30+$0xFFFFFF30]  }
0xbe: {  	v15 =	vld [tilespmem:s30+$0xFFFFFEC0];
	v1 =	vmul.f32 v1, v10  }
0xbf: {  	v16 =	vld [tilespmem:s30+$0xFFFFFE50];
	v2 =	vmul.f32 v2, v9  }
0xc0: {  	v19 =	vld [tilespmem:s30+$0xFFFFFED0];
	v0 =	vmul.f32 v1, v0  }
0xc1: {  	v20 =	vld [tilespmem:s30+$0xFFFFFF50];
	v1 =	vmul.f32 v2, v7;
	v2 =	vmul.f32 v13, v8  }
0xc2: {  	v5 =	vld [tilespmem:s8+$0xFFFFFF10];
	[tilespmem:s30+$0xFFFFFFC0] =	vst v0  }
0xc3: {  	[tilespmem:s30+$0xFFFFFEB0] =	vst v1;
	v0 =	vmul.f32 v2, v14;
	v1 =	vld [tilespmem:s8+$0xC0]  }
0xc4: {  	v2 =	vld [tilespmem:s8+$0xFFFFFFB0]  }
0xc5: {  	[tilespmem:s30+$0xFFFFFF30] =	vst v0;
	v0 =	vld [tilespmem:s30+$0xFFFFFFD0]  }
0xc6: {  	v7 =	vld [tilespmem:s8+$0x30]  }
0xc7: {  	v18 =	vld [tilespmem:s30+$0xFFFFFEF0];
	v5 =	vmul.f32 v5, v11  }
0xc8: {  	v3 =	vld [tilespmem:s30+$0xFFFFFF40];
	v1 =	vmul.f32 v1, v10  }
0xc9: {  	v17 =	vld [tilespmem:s30+$0xFFFFFF70];
	s19 =	sadd.s32 $0x200, s30;
	v5 =	vmul.f32 v5, v12;
	v2 =	vmul.f32 v2, v9  }
0xca: {  	v25 =	vld [tilespmem:s19+$0xFFFFFE10];
	v0 =	vmul.f32 v1, v0  }
0xcb: {  	v4 =	vld [tilespmem:s30+$0xFFFFFE30];
	[tilespmem:s30+$0xFFFFFE20] =	vst v5;
	v1 =	vmul.f32 v2, v15;
	v2 =	vmul.f32 v7, v8  }
0xcc: {  	v5 =	vld [tilespmem:s8+$0xFFFFFF20];
	[tilespmem:s30+$0xFFFFFFD0] =	vst v0  }
0xcd: {  	[tilespmem:s30+$0xFFFFFEC0] =	vst v1;
	v0 =	vmul.f32 v2, v3;
	v1 =	vld [tilespmem:s8+$0xD0]  }
0xce: {  	v2 =	vld [tilespmem:s8+$0xFFFFFFC0]  }
0xcf: {  	[tilespmem:s30+$0xFFFFFF40] =	vst v0;
	v0 =	vld [tilespmem:s30+$0xFFFFFFE0]  }
0xd0: {  	v27 =	vld [tilespmem:s19+$0xFFFFFFA0]  }
0xd1: {  	v28 =	vld [tilespmem:s19+$0xFFFFFE90];
	v5 =	vmul.f32 v5, v11  }
0xd2: {  	v3 =	vld [tilespmem:s8+$0x40];
	v1 =	vmul.f32 v1, v10  }
0xd3: {  	v29 =	vld [tilespmem:s19+$0xFFFFFF10];
	v4 =	vmul.f32 v5, v4;
	v2 =	vmul.f32 v2, v9  }
0xd4: {  	v30 =	vld [tilespmem:s19+$0xFFFFFE20];
	v0 =	vmul.f32 v1, v0  }
0xd5: {  	v39 =	vld [tilespmem:s19+$0xFFFFFEA0];
	[tilespmem:s30+$0xFFFFFE30] =	vst v4;
	v1 =	vmul.f32 v2, v19  }
0xd6: {  	v31 =	vld [tilespmem:s19+$0xFFFFFF20];
	[tilespmem:s30+$0xFFFFFFE0] =	vst v0  }
0xd7: {  	v2 =	vmul.f32 v3, v8;
	[tilespmem:s30+$0xFFFFFED0] =	vst v1;
	v1 =	vld [tilespmem:s8+$0xE0]  }
0xd8: {  	v4 =	vld [tilespmem:s8+$0xFFFFFF30]  }
0xd9: {  	v0 =	vmul.f32 v2, v20;
	v2 =	vld [tilespmem:s30+$0xFFFFFFF0]  }
0xda: {  	s14 =	sadd.s32 $0x10, s12;
	v41 =	vld [tilespmem:s19+$0xFFFFFE30]  }
0xdb: {  	s12 =	sshra.s32 s14, $0x2;
	v12 =	vld [tilespmem:s30+$0xFFFFFE40]  }
0xdc: {  	s12 =	sadd.s32 s12, s26;
	v43 =	vld [tilespmem:s19+$0xFFFFFEB0];
	v1 =	vmul.f32 v1, v10  }
0xdd: {  	[tilespmem:s30+$0xFFFFFF50] =	vst v0;
	v0 =	vld.msk [tilespmem:s12+$0x3 ss:$0x0], $0xffff  }
0xde: {  	v4 =	vmul.f32 v4, v11;
	v1 =	vmul.f32 v1, v2;
	v2 =	vld [tilespmem:s31+$0x80]  }
0xdf: {  	v32 =	vld [tilespmem:s19+$0xFFFFFF30]  }
0xe0: {  	v4 =	vmul.f32 v4, v12;
	v12 =	vld [tilespmem:s19+$0xFFFFFF90]  }
0xe1: {  	v44 =	vld [tilespmem:s19+$0xFFFFFE40]  }
0xe2: {  	v33 =	vld [tilespmem:s19+$0xFFFFFEC0]  }
0xe3: {  	v47 =	vld [tilespmem:s19+$0xFFFFFF40];
	v13 =	vmul.f32 v2, v0  }
0xe4: {  	v50 =	vld [tilespmem:s19+$0xFFFFFE50]  }
0xe5: {  	v34 =	vld [tilespmem:s19+$0xFFFFFED0];
	v12 =	vmul.f32 v13, v12  }
0xe6: {  	v3 =	vld.msk [tilespmem:s12+$0x0 ss:$0x0], $0xffff  }
0xe7: {  	v13 =	vld [tilespmem:s31+$0xFFFFFF00];
	[tilespmem:s19+$0xFFFFFF90] =	vst v12  }
0xe8: {  	v12 =	vld [tilespmem:s31+$0x90]  }
0xe9: {  	v2 =	vld.msk [tilespmem:s12+$0x1 ss:$0x0], $0xffff  }
0xea: {  	v51 =	vld [tilespmem:s19+$0xFFFFFF50]  }
0xeb: {  	[tilespmem:s30+$0xFFFFFFF0] =	vst v1;
	v1 =	vld.msk [tilespmem:s12+$0x2 ss:$0x0], $0xffff  }
0xec: {  	v6 =	vld [tilespmem:s30+$0xFFFFFEE0];
	v13 =	vmul.f32 v13, v3  }
0xed: {  	v5 =	vld [tilespmem:s30+$0xFFFFFE60];
	v12 =	vmul.f32 v12, v0  }
0xee: {  	v14 =	vld [tilespmem:s30+$0xFFFFFF60];
	[tilespmem:s30+$0xFFFFFE40] =	vst v4;
	v24 =	vmul.f32 v24, v2;
	v13 =	vmul.f32 v13, v25  }
0xef: {  	v4 =	vld [tilespmem:s8+$0xFFFFFF40];
	v12 =	vmul.f32 v12, v27  }
0xf0: {  	v7 =	vld [tilespmem:s30+$0xFFFFFE70];
	v24 =	vmul.f32 v24, v28;
	[tilespmem:s19+$0xFFFFFE10] =	vst v13;
	v13 =	vmul.f32 v26, v1  }
0xf1: {  	v40 =	vld [tilespmem:s31+$0xFFFFFF10];
	[tilespmem:s19+$0xFFFFFFA0] =	vst v12  }
0xf2: {  	[tilespmem:s19+$0xFFFFFE90] =	vst v24;
	v12 =	vmul.f32 v13, v29;
	v13 =	vld [tilespmem:s31+$0xA0]  }
0xf3: {  	v24 =	vld [tilespmem:s31+$0xFFFFFF90]  }
0xf4: {  	v4 =	vmul.f32 v4, v11;
	[tilespmem:s19+$0xFFFFFF10] =	vst v12;
	v12 =	vld [tilespmem:s19+$0xFFFFFFB0]  }
0xf5: {  	v42 =	vld [tilespmem:s31+$0x10]  }
0xf6: {  	v15 =	vld [tilespmem:s30+$0xFFFFFF00];
	v4 =	vmul.f32 v4, v16;
	v26 =	vmul.f32 v40, v3  }
0xf7: {  	v16 =	vld [tilespmem:s30+$0xFFFFFE80];
	v13 =	vmul.f32 v13, v0  }
0xf8: {  	[tilespmem:s30+$0xFFFFFE50] =	vst v4;
	v4 =	vld [tilespmem:s30+$0xFFFFFF80];
	v24 =	vmul.f32 v24, v2;
	v26 =	vmul.f32 v26, v30  }
0xf9: {  	v21 =	vld [tilespmem:s8+$0xFFFFFF50];
	v12 =	vmul.f32 v13, v12  }
0xfa: {  	v23 =	vld [tilespmem:s8+$0x50];
	[tilespmem:s19+$0xFFFFFE20] =	vst v26;
	v13 =	vmul.f32 v24, v39;
	v45 =	vmul.f32 v42, v1  }
0xfb: {  	v46 =	vld [tilespmem:s31+$0xFFFFFF20];
	[tilespmem:s19+$0xFFFFFFB0] =	vst v12  }
0xfc: {  	[tilespmem:s19+$0xFFFFFEA0] =	vst v13;
	v12 =	vmul.f32 v45, v31;
	v13 =	vld [tilespmem:s31+$0xB0]  }
0xfd: {  	v48 =	vld [tilespmem:s31+$0xFFFFFFA0]  }
0xfe: {  	v21 =	vmul.f32 v21, v11;
	[tilespmem:s19+$0xFFFFFF20] =	vst v12;
	v12 =	vld [tilespmem:s19+$0xFFFFFFC0]  }
0xff: {  	v49 =	vld [tilespmem:s31+$0x20]  }
0x100: {  	v22 =	vld [tilespmem:s8+$0xFFFFFFD0];
	v5 =	vmul.f32 v21, v5;
	v25 =	vmul.f32 v46, v3  }
0x101: {  	v19 =	vld [tilespmem:s30+$0x0];
	v21 =	vmul.f32 v23, v8;
	v35 =	vmul.f32 v13, v0  }
0x102: {  	[tilespmem:s30+$0xFFFFFE60] =	vst v5;
	v23 =	vld [tilespmem:s19+$0xFFFFFFD0];
	v25 =	vmul.f32 v25, v41;
	v24 =	vmul.f32 v48, v2  }
0x103: {  	v58 =	vld [tilespmem:s8+$0xFFFFFF60];
	v5 =	vmul.f32 v21, v14;
	v12 =	vmul.f32 v35, v12  }
0x104: {  	v14 =	vld [tilespmem:s19+$0xFFFFFF60];
	[tilespmem:s19+$0xFFFFFE30] =	vst v25;
	v24 =	vmul.f32 v24, v43;
	v52 =	vmul.f32 v49, v1  }
0x105: {  	v22 =	vmul.f32 v22, v9;
	v53 =	vld [tilespmem:s31+$0xFFFFFF30];
	[tilespmem:s19+$0xFFFFFFC0] =	vst v12  }
0x106: {  	[tilespmem:s19+$0xFFFFFEB0] =	vst v24;
	v54 =	vmul.f32 v52, v32;
	v55 =	vld [tilespmem:s31+$0xC0]  }
0x107: {  	v6 =	vmul.f32 v22, v6;
	v56 =	vld [tilespmem:s31+$0xFFFFFFB0]  }
0x108: {  	v20 =	vld [tilespmem:s8+$0xF0];
	[tilespmem:s19+$0xFFFFFF30] =	vst v54  }
0x109: {  	[tilespmem:s30+$0xFFFFFEE0] =	vst v6;
	v22 =	vld [tilespmem:s31+$0x30]  }
0x10a: {  	v59 =	vld [tilespmem:s8+$0xFFFFFFE0];
	v57 =	vmul.f32 v53, v3  }
0x10b: {  	v13 =	vld [tilespmem:s19+$0xFFFFFE60];
	v24 =	vmul.f32 v58, v11;
	v6 =	vmul.f32 v55, v0  }
0x10c: {  	[tilespmem:s30+$0xFFFFFF60] =	vst v5;
	v12 =	vld [tilespmem:s19+$0xFFFFFEE0];
	v21 =	vmul.f32 v57, v44;
	v5 =	vmul.f32 v56, v2  }
0x10d: {  	v24 =	vmul.f32 v24, v7;
	v7 =	vld [tilespmem:s19+$0xFFFFFEF0];
	v6 =	vmul.f32 v6, v23  }
0x10e: {  	[tilespmem:s19+$0xFFFFFE40] =	vst v21;
	v21 =	vld [tilespmem:s8+$0x60];
	v23 =	vmul.f32 v5, v33;
	v22 =	vmul.f32 v22, v1  }
0x10f: {  	[tilespmem:s19+$0xFFFFFFD0] =	vst v6;
	v6 =	vld [tilespmem:s31+$0xFFFFFF40]  }
0x110: {  	[tilespmem:s19+$0xFFFFFEC0] =	vst v23;
	v22 =	vmul.f32 v22, v47;
	v23 =	vld [tilespmem:s31+$0xD0]  }
0x111: {  	v60 =	vld [tilespmem:s31+$0xFFFFFFC0]  }
0x112: {  	v27 =	vmul.f32 v59, v9;
	[tilespmem:s19+$0xFFFFFF40] =	vst v22;
	v22 =	vld [tilespmem:s19+$0xFFFFFFE0]  }
0x113: {  	[tilespmem:s30+$0xFFFFFE70] =	vst v24;
	v21 =	vmul.f32 v21, v8;
	v61 =	vld [tilespmem:s31+$0x40]  }
0x114: {  	v18 =	vmul.f32 v27, v18;
	v24 =	vld [tilespmem:s8+$0xFFFFFF70];
	v62 =	vmul.f32 v6, v3  }
0x115: {  	v5 =	vld [tilespmem:s19+$0xFFFFFE70];
	v17 =	vmul.f32 v21, v17;
	v21 =	vmul.f32 v23, v0  }
0x116: {  	[tilespmem:s30+$0xFFFFFEF0] =	vst v18;
	v6 =	vld [tilespmem:s19+$0xFFFFFF70];
	v23 =	vmul.f32 v60, v2;
	v18 =	vmul.f32 v62, v50  }
0x117: {  	[tilespmem:s30+$0xFFFFFF70] =	vst v17;
	v17 =	vmul.f32 v21, v22;
	v21 =	vld [tilespmem:s8+$0xFFFFFFF0]  }
0x118: {  	v22 =	vmul.f32 v61, v1;
	[tilespmem:s19+$0xFFFFFE50] =	vst v18;
	v18 =	vmul.f32 v23, v34;
	v23 =	vld [tilespmem:s8+$0x70]  }
0x119: {  	s0 =	smul.u32 $0x5, s0;
	v63 =	vld [tilespmem:s31+$0xFFFFFF50];
	[tilespmem:s19+$0xFFFFFFE0] =	vst v17  }
0x11a: {  	s4 =	smul.u32 $0x3, s4;
	v10 =	vmul.f32 v20, v10;
	[tilespmem:s19+$0xFFFFFED0] =	vst v18;
	v18 =	vmul.f32 v22, v51;
	v17 =	vld [tilespmem:s31+$0xE0]  }
0x11b: {  	v22 =	vmul.f32 v24, v11;
	v20 =	vld [tilespmem:s31+$0xFFFFFFD0]  }
0x11c: {  	s0 =	ssub.s32 s29, s0;
	s4 =	ssub.s32 s29, s4;
	v10 =	vmul.f32 v10, v19;
	v11 =	vld [tilespmem:s19+$0xFFFFFFF0];
	[tilespmem:s19+$0xFFFFFF50] =	vst v18;
	v9 =	vmul.f32 v21, v9  }
0x11d: {  	s0 =	sshll.u32 s0, $0x9;
	s4 =	sshll.u32 s4, $0xD;
	s13 =	sadd.s32 $0x10, s14;
	v16 =	vmul.f32 v22, v16;
	v19 =	vld [tilespmem:s31+$0x50];
	v18 =	vmul.f32 v23, v8  }
0x11e: {  	s4 =	sor.u32 $0xC00, s4;
	s12 =	simm.s32 $0x4;
	[tilespmem:s30+$0x0] =	vst v10;
	s8 =	smov.u32 s31;
	v8 =	vld [tilespmem:s19+$0xFFFFFE80];
	v21 =	vmul.f32 v63, v3;
	v10 =	vmul.f32 v9, v15  }
.LBB2_3:
0x11f: {  	s14 =	sshra.s32 s13, $0x2;
	s12 =	sadd.s32 $0x4, s12;
	v9 =	vld [tilespmem:s19+$0xFFFFFF00];
	v15 =	vmul.f32 v17, v0;
	[tilespmem:s30+$0xFFFFFE80] =	vst v16;
	v16 =	vmul.f32 v18, v4  }
0x120: {  	s14 =	sadd.s32 s14, s26;
	p2 =	slt.u32 s12, $0x3C;
	v13 =	vmul.f32 v21, v13;
	v17 =	vmul.f32 v20, v2;
	v4 =	vld [tilespmem:s19+$0xFFFFFF80];
	[tilespmem:s30+$0xFFFFFF00] =	vst v10  }
0x121: {  	s31 =	sadd.s32 $0x200, s31;
	v18 =	vld.msk [tilespmem:s14+$0x3 ss:$0x0], $0xffff;
	v10 =	vmul.f32 v15, v11;
	[tilespmem:s30+$0xFFFFFF80] =	vst v16;
	s30 =	smov.u32 s19  }
0x122: {  	s19 =	sadd.s32 $0x200, s19;
	v16 =	vld [tilespmem:s31+$0x80];
	[tilespmem:s30+$0xFFFFFE60] =	vst v13;
	v11 =	vmul.f32 v17, v12;
	v12 =	vmul.f32 v19, v1  }
0x123: {  	v13 =	vld [tilespmem:s19+$0xFFFFFF90];
	[tilespmem:s30+$0xFFFFFFF0] =	vst v10  }
0x124: {  	[tilespmem:s30+$0xFFFFFEE0] =	vst v11;
	v10 =	vmul.f32 v12, v14;
	v12 =	vld [tilespmem:s8+$0xF0]  }
0x125: {  	v11 =	vld.msk [tilespmem:s14+$0x0 ss:$0x0], $0xffff  }
0x126: {  	[tilespmem:s30+$0xFFFFFF60] =	vst v10;
	v14 =	vld [tilespmem:s30+$0x0]  }
0x127: {  	v15 =	vld.msk [tilespmem:s14+$0x1 ss:$0x0], $0xffff;
	v16 =	vmul.f32 v16, v18  }
0x128: {  	v10 =	vld.msk [tilespmem:s14+$0x2 ss:$0x0], $0xffff  }
0x129: {  	v17 =	vld [tilespmem:s31+$0xFFFFFF00];
	v13 =	vmul.f32 v16, v13;
	v12 =	vmul.f32 v12, v0;
	v0 =	vmov v18  }
0x12a: {  	v16 =	vld [tilespmem:s31+$0xFFFFFF80]  }
0x12b: {  	v18 =	vld [tilespmem:s31+$0x0];
	[tilespmem:s19+$0xFFFFFF90] =	vst v13;
	v12 =	vmul.f32 v12, v14  }
0x12c: {  	v13 =	vld [tilespmem:s31+$0x90]  }
0x12d: {  	v14 =	vld [tilespmem:s19+$0xFFFFFE10];
	[tilespmem:s30+$0x0] =	vst v12  }
0x12e: {  	v12 =	vmul.f32 v17, v11;
	v17 =	vld [tilespmem:s19+$0xFFFFFFA0]  }
0x12f: {  	v19 =	vld [tilespmem:s19+$0xFFFFFE90];
	v16 =	vmul.f32 v16, v15  }
0x130: {  	v20 =	vld [tilespmem:s19+$0xFFFFFF10];
	v18 =	vmul.f32 v18, v10  }
0x131: {  	v21 =	vld [tilespmem:s19+$0xFFFFFE20];
	v13 =	vmul.f32 v13, v0  }
0x132: {  	v12 =	vmul.f32 v12, v14;
	v14 =	vld [tilespmem:s19+$0xFFFFFEA0]  }
0x133: {  	v22 =	vld [tilespmem:s19+$0xFFFFFF20];
	v13 =	vmul.f32 v13, v17  }
0x134: {  	[tilespmem:s19+$0xFFFFFE10] =	vst v12;
	v12 =	vld [tilespmem:s19+$0xFFFFFE30];
	v16 =	vmul.f32 v16, v19  }
0x135: {  	v17 =	vld [tilespmem:s31+$0xFFFFFF10];
	v18 =	vmul.f32 v18, v20;
	[tilespmem:s19+$0xFFFFFFA0] =	vst v13  }
0x136: {  	[tilespmem:s19+$0xFFFFFE90] =	vst v16;
	v13 =	vld [tilespmem:s31+$0xA0]  }
0x137: {  	v16 =	vld [tilespmem:s31+$0xFFFFFF90];
	[tilespmem:s19+$0xFFFFFF10] =	vst v18  }
0x138: {  	v18 =	vld [tilespmem:s19+$0xFFFFFFB0]  }
0x139: {  	v19 =	vld [tilespmem:s31+$0x10]  }
0x13a: {  	v17 =	vmul.f32 v17, v11;
	v20 =	vld [tilespmem:s19+$0xFFFFFEB0]  }
0x13b: {  	v23 =	vld [tilespmem:s19+$0xFFFFFF30];
	v13 =	vmul.f32 v13, v0  }
0x13c: {  	v17 =	vmul.f32 v17, v21;
	v21 =	vld [tilespmem:s19+$0xFFFFFE40];
	v16 =	vmul.f32 v16, v15  }
0x13d: {  	v24 =	vld [tilespmem:s19+$0xFFFFFEC0];
	v13 =	vmul.f32 v13, v18  }
0x13e: {  	[tilespmem:s19+$0xFFFFFE20] =	vst v17;
	v14 =	vmul.f32 v16, v14;
	v16 =	vmul.f32 v19, v10;
	v17 =	vld [tilespmem:s19+$0xFFFFFF40]  }
0x13f: {  	v18 =	vld [tilespmem:s31+$0xFFFFFF20];
	[tilespmem:s19+$0xFFFFFFB0] =	vst v13  }
0x140: {  	[tilespmem:s19+$0xFFFFFEA0] =	vst v14;
	v13 =	vmul.f32 v16, v22;
	v14 =	vld [tilespmem:s31+$0xB0]  }
0x141: {  	v16 =	vld [tilespmem:s31+$0xFFFFFFA0]  }
0x142: {  	[tilespmem:s19+$0xFFFFFF20] =	vst v13;
	v19 =	vld [tilespmem:s19+$0xFFFFFFC0]  }
0x143: {  	v22 =	vld [tilespmem:s31+$0x20]  }
0x144: {  	v13 =	vmul.f32 v18, v11;
	v18 =	vld [tilespmem:s19+$0xFFFFFE50]  }
0x145: {  	v25 =	vld [tilespmem:s19+$0xFFFFFED0];
	v14 =	vmul.f32 v14, v0  }
0x146: {  	v12 =	vmul.f32 v13, v12;
	v16 =	vmul.f32 v16, v15;
	v26 =	vld [tilespmem:s19+$0xFFFFFF50]  }
0x147: {  	v13 =	vld [tilespmem:s19+$0xFFFFFE60];
	v14 =	vmul.f32 v14, v19  }
0x148: {  	[tilespmem:s19+$0xFFFFFE30] =	vst v12;
	v16 =	vmul.f32 v16, v20;
	v12 =	vld [tilespmem:s19+$0xFFFFFEE0];
	v19 =	vmul.f32 v22, v10  }
0x149: {  	v20 =	vld [tilespmem:s31+$0xFFFFFF30];
	[tilespmem:s19+$0xFFFFFFC0] =	vst v14  }
0x14a: {  	[tilespmem:s19+$0xFFFFFEB0] =	vst v16;
	v14 =	vmul.f32 v19, v23;
	v16 =	vld [tilespmem:s31+$0xC0]  }
0x14b: {  	v19 =	vld [tilespmem:s31+$0xFFFFFFB0]  }
0x14c: {  	[tilespmem:s19+$0xFFFFFF30] =	vst v14;
	v22 =	vld [tilespmem:s19+$0xFFFFFFD0]  }
0x14d: {  	v23 =	vld [tilespmem:s31+$0x30]  }
0x14e: {  	v20 =	vmul.f32 v20, v11;
	v14 =	vld [tilespmem:s19+$0xFFFFFF60]  }
0x14f: {  	v16 =	vmul.f32 v16, v0;
	v27 =	vld [tilespmem:s8+$0xFFFFFF60]  }
0x150: {  	v20 =	vmul.f32 v20, v21;
	v19 =	vmul.f32 v19, v15;
	v21 =	vld [tilespmem:s8+$0xFFFFFFE0]  }
0x151: {  	v16 =	vmul.f32 v16, v22;
	v22 =	vld [tilespmem:s8+$0x60]  }
0x152: {  	[tilespmem:s19+$0xFFFFFE40] =	vst v20;
	v20 =	vld [tilespmem:s19+$0xFFFFFE70];
	v19 =	vmul.f32 v19, v24;
	v23 =	vmul.f32 v23, v10  }
0x153: {  	v24 =	vld [tilespmem:s31+$0xFFFFFF40];
	[tilespmem:s19+$0xFFFFFFD0] =	vst v16  }
0x154: {  	[tilespmem:s19+$0xFFFFFEC0] =	vst v19;
	v16 =	vmul.f32 v23, v17;
	v17 =	vld [tilespmem:s31+$0xD0];
	v19 =	vmul.f32 v27, v3  }
0x155: {  	v23 =	vld [tilespmem:s31+$0xFFFFFFC0];
	v21 =	vmul.f32 v21, v2  }
0x156: {  	[tilespmem:s19+$0xFFFFFF40] =	vst v16;
	v16 =	vld [tilespmem:s19+$0xFFFFFFE0];
	v19 =	vmul.f32 v19, v5;
	v22 =	vmul.f32 v22, v1  }
0x157: {  	v27 =	vld [tilespmem:s31+$0x40];
	v21 =	vmul.f32 v21, v7;
	v5 =	vmov v20  }
0x158: {  	v20 =	vmul.f32 v24, v11;
	v7 =	vld [tilespmem:s19+$0xFFFFFEF0];
	[tilespmem:s30+$0xFFFFFE70] =	vst v19;
	v19 =	vmul.f32 v22, v6  }
0x159: {  	v6 =	vld [tilespmem:s19+$0xFFFFFF70];
	v17 =	vmul.f32 v17, v0;
	[tilespmem:s30+$0xFFFFFEF0] =	vst v21  }
0x15a: {  	v18 =	vmul.f32 v20, v18;
	v20 =	vmul.f32 v23, v15;
	v21 =	vld [tilespmem:s8+$0xFFFFFF70];
	[tilespmem:s30+$0xFFFFFF70] =	vst v19  }
0x15b: {  	v16 =	vmul.f32 v17, v16;
	v19 =	vld [tilespmem:s8+$0xFFFFFFF0]  }
0x15c: {  	[tilespmem:s19+$0xFFFFFE50] =	vst v18;
	v17 =	vmul.f32 v20, v25;
	v18 =	vmul.f32 v27, v10;
	v22 =	vld [tilespmem:s8+$0x70];
	s8 =	smov.u32 s31  }
0x15d: {  	v23 =	vld [tilespmem:s31+$0xFFFFFF50];
	[tilespmem:s19+$0xFFFFFFE0] =	vst v16  }
.Ltmp0:
0x15e: {  	[tilespmem:s19+$0xFFFFFED0] =	vst v17;
	v16 =	vmul.f32 v18, v26;
	v17 =	vld [tilespmem:s31+$0xE0];
	(pc) =	sbr.rel @p2 .LBB2_3-.Ltmp0, $4  }
0x15f: {  	v20 =	vld [tilespmem:s31+$0xFFFFFFD0];
	v18 =	vmul.f32 v21, v3;
	v3 =	vmov v11  }
0x160: {  	[tilespmem:s19+$0xFFFFFF50] =	vst v16;
	v11 =	vld [tilespmem:s19+$0xFFFFFFF0];
	v24 =	vmul.f32 v19, v2;
	v2 =	vmov v15  }
0x161: {  	v19 =	vld [tilespmem:s31+$0x50];
	v16 =	vmul.f32 v18, v8;
	v18 =	vmul.f32 v22, v1;
	v1 =	vmov v10  }
0x162: {  	s13 =	sadd.s32 $0x10, s13;
	v21 =	vmul.f32 v23, v3;
	v8 =	vld [tilespmem:s19+$0xFFFFFE80];
	v10 =	vmul.f32 v24, v9  }
0x163: {  	_ =	sdelay $0x1  }
0x164: {  	v9 =	vmul.f32 v20, v2  }
0x165: {  	v13 =	vmul.f32 v21, v13;
	v15 =	vmul.f32 v19, v1  }
0x166: {  	v9 =	vmul.f32 v9, v12  }
0x167: {  	[tilespmem:s19+$0xFFFFFE60] =	vst v13;
	v48 =	vmul.f32 v15, v14  }
0x168: {  	v49 =	vld [tilespmem:s8+$0xFFFFFF60];
	[tilespmem:s19+$0xFFFFFEE0] =	vst v9  }
0x169: {  	v50 =	vld [tilespmem:s8+$0xFFFFFFE0];
	[tilespmem:s19+$0xFFFFFF60] =	vst v48  }
0x16a: {  	v51 =	vld [tilespmem:s8+$0x60];
	_ =	sdelay $0x1  }
0x16b: {  	v52 =	vmul.f32 v17, v0  }
0x16c: {  	v9 =	vmul.f32 v49, v3  }
0x16d: {  	v11 =	vmul.f32 v52, v11;
	v13 =	vmul.f32 v50, v2  }
0x16e: {  	v5 =	vmul.f32 v9, v5;
	v53 =	vmul.f32 v51, v1  }
0x16f: {  	v54 =	vld [tilespmem:s19+$0x0];
	[tilespmem:s19+$0xFFFFFFF0] =	vst v11;
	v7 =	vmul.f32 v13, v7  }
0x170: {  	v11 =	vld [tilespmem:s8+$0xF0];
	[tilespmem:s19+$0xFFFFFE70] =	vst v5;
	v55 =	vmul.f32 v53, v6  }
0x171: {  	v56 =	vld [tilespmem:s8+$0xFFFFFF70];
	[tilespmem:s19+$0xFFFFFEF0] =	vst v7  }
0x172: {  	v57 =	vld [tilespmem:s8+$0xFFFFFFF0];
	[tilespmem:s19+$0xFFFFFF70] =	vst v55  }
0x173: {  	v58 =	vld [tilespmem:s8+$0x70]  }
0x174: {  	v46 =	vld [tilespmem:s19+$0xFFFFFF00]  }
0x175: {  	v47 =	vld [tilespmem:s19+$0xFFFFFF80];
	v59 =	vmul.f32 v11, v0  }
0x176: {  	[tilespmem:s30+$0xFFFFFE80] =	vst v16;
	v4 =	vmul.f32 v18, v4;
	v60 =	vmul.f32 v56, v3  }
0x177: {  	[tilespmem:s30+$0xFFFFFF00] =	vst v10;
	v0 =	vmul.f32 v59, v54;
	v61 =	vmul.f32 v57, v2  }
0x178: {  	[tilespmem:s30+$0xFFFFFF80] =	vst v4;
	v3 =	vmul.f32 v60, v8;
	v62 =	vmul.f32 v58, v1  }
0x179: {  	[tilespmem:s19+$0x0] =	vst v0;
	v63 =	vmul.f32 v61, v46  }
0x17a: {  	[tilespmem:s19+$0xFFFFFE80] =	vst v3;
	v1 =	vmul.f32 v62, v47  }
0x17b: {  	s0 =	sshrl.u32 s0, $0x2;
	[tilespmem:s19+$0xFFFFFF00] =	vst v63  }
0x17c: {  	p3 =	seq.s32 s29, $0x0;
	s0 =	sadd.s32 $0x400, s0;
	[tilespmem:s19+$0xFFFFFF80] =	vst v1  }
0x17d: {  	[spmem:s3] =	stream.indirect.scatter.add.f32 [tilespmem:s4], [sflag:$0x4], $0x80, s0, s21, $0xb8;
	[tilespmem:$0x1E480] =	vst v63  }
0x17e: {  	s0 =	simm.s32 @!p3 $0x4  }
0x17f: {  	s4 =	sadd.s32 $0x2, s29;
	_ =	swait.ge @!p3 [sflag:s0], $0x2000  }
0x180: {  	p2 =	sge.u32 s4, s9;
	[sflag:s0] =	ssyncset.done @!p3 $0x0  }
0x181: {  	[sflag:s0] =	ssyncadd.s32 @!p3 $0xFFFFE000;
	s0 =	simm.s32 @!p2 $0x1  }
0x182: {  	_ =	swait.ge @!p2 [sflag:s0], $0x40  }
0x183: {  	[sflag:s0] =	ssyncset.done @!p2 $0x0  }
0x184: {  	s8 =	smulhi.u32 @!p2 $0xAAAAAAAB, s4;
	[sflag:s0] =	ssyncadd.s32 @!p2 $0xFFFFFFC0  }
0x185: {  	s12 =	smulhi.u32 @!p2 $0xCCCCCCCD, s4;
	_ =	swait.ge @!p2 [sflag:s0], $0x40  }
0x186: {  	s8 =	sshrl.u32 @!p2 s8, $0x1;
	[sflag:s0] =	ssyncset.done @!p2 $0x0  }
0x187: {  	s12 =	sshrl.u32 @!p2 s12, $0x2;
	s8 =	smul.u32 @!p2 $0x3, s8;
	[sflag:s0] =	ssyncadd.s32 @!p2 $0xFFFFFFC0  }
0x188: {  	s12 =	smul.u32 @!p2 $0x5, s12;
	_ =	swait.ge @!p2 [sflag:s0], $0x80  }
0x189: {  	s8 =	ssub.s32 @!p2 s4, s8;
	[sflag:s0] =	ssyncset.done @!p2 $0x0  }
0x18a: {  	s8 =	sshll.u32 @!p2 s8, $0xD;
	[sflag:s0] =	ssyncadd.s32 @!p2 $0xFFFFFF80;
	s0 =	ssub.s32 @!p2 s4, s12  }
0x18b: {  	s8 =	sor.u32 @!p2 $0xC00, s8;
	s12 =	simm.s32 @!p2 $0x40;
	s0 =	sshll.u32 @!p2 s0, $0x7  }
0x18c: {  	[tilespmem:s8], [sflag:$0x2] =	stream.indirect.gather @!p2 [hbm4b:s1+s12], $0x80, s0, s12, $0xb8;
	[tilespmem:$0x1E480] =	vst v63  }
0x18d: {  	s0 =	sadd.s32 @!p2 s10, s4  }
0x18e: {  	s4 =	sshll.u32 @!p2 s29, $0xD;
	s0 =	sshll.u32 @!p2 s0, $0xA  }
0x18f: {  	s4 =	sand.u32 @!p2 $0x2000, s4;
	s0 =	sand.u32 @!p2 $0x1FFFFC00, s0  }
0x190: {  	s8 =	simm.s32 @!p2 $0x0;
	s4 =	sadd.s32 @!p2 $0x6C00, s4;
	s0 =	sadd.s32 @!p2 s6, s0  }
0x191: {  	[tilespmem:s4], [sflag:$0x3] =	stream.linear.gather @!p2 [hbm4b:s0+s8], $0x2000, $0x38;
	[tilespmem:$0x1E480] =	vst v63  }
0x192: {  	s0 =	sadd.s32 $0x4, s29  }
0x193: {  	p2 =	sge.u32 s0, s9  }
0x194: {  	s4 =	smulhi.u32 @!p2 $0xCCCCCCCD, s0  }
0x195: {  	s8 =	sadd.s32 @!p2 s10, s0  }
0x196: {  	s12 =	sshll.u32 @!p2 s8, $0x7;
	s13 =	sshll.u32 @!p2 s8, $0x6;
	s4 =	sshrl.u32 @!p2 s4, $0x2  }
0x197: {  	s14 =	sand.u32 @!p2 $0x7FFFFF00, s12;
	s13 =	sand.u32 @!p2 $0x40, s13;
	s4 =	smul.u32 @!p2 $0x5, s4  }
0x198: {  	s14 =	sor.u32 @!p2 s13, s14  }
0x199: {  	s0 =	ssub.s32 @!p2 s0, s4;
	s4 =	sshrl.u32 @!p2 s14, $0x3  }
0x19a: {  	s14 =	simm.s32 @!p2 $0x0;
	s0 =	sshll.u32 @!p2 s0, $0x7;
	s4 =	sadd.s32 @!p2 s2, s4  }
0x19b: {  	[tilespmem:s0], [sflag:$0x1] =	stream.linear.gather @!p2 [hbm4b:s4+s14], $0x40, $0x38;
	[tilespmem:$0x1E480] =	vst v63  }
0x19c: {  	s4 =	sor.u32 @!p2 s12, s13  }
0x19d: {  	s4 =	sshrl.u32 @!p2 s4, $0x3  }
0x19e: {  	s4 =	sor.u32 @!p2 $0x10, s4  }
0x19f: {  	s12 =	sor.u32 @!p2 $0x400, s0;
	s4 =	sadd.s32 @!p2 s2, s4  }
0x1a0: {  	[tilespmem:s12], [sflag:$0x1] =	stream.linear.gather @!p2 [hbm4b:s4+s14], $0x40, $0x38;
	[tilespmem:$0x1E480] =	vst v63  }
0x1a1: {  	s4 =	sshll.u32 @!p2 s8, $0x4  }
0x1a2: {  	s29 =	sadd.s32 $0x1, s29;
	s0 =	sor.u32 @!p2 $0x800, s0;
	s4 =	sadd.s32 @!p2 s7, s4  }
0x1a3: {  	[tilespmem:s0], [sflag:$0x1] =	stream.linear.gather @!p2 [hbm4b:s4+s14], $0x80, $0x38;
	[tilespmem:$0x1E480] =	vst v63  }
0x1a4: {  	p2 =	sne.s32 s29, s9  }
.Ltmp1:
0x1a5: {  	_ = 	snop;
	(pc) =	sbr.rel @p2 .LBB2_2-.Ltmp1, $2  }
0x1a6: {  	_ =	sdelay $0x2  }
0x1a7: {  	s26 =	sadd.s32 $0x80, s26;
	s28 =	sadd.s32 $0x2000, s28;
	p1 =	por !p1, !p1  }
0x1a8: {  	_ =	swait.ge [sflag:s24], $0x2000  }
0x1a9: {  	[sflag:s24] =	ssyncset.done $0x0  }
0x1aa: {  	s0 =	stileid.u32;
	[sflag:s24] =	ssyncadd.s32 $0xFFFFE000  }
0x1ab: {  	s0 =	sshll.u32 s0, $0x6;
	[bflag:$0x0] =	sbarrier.arrive $0xFFFF  }
0x1ac: {  	s4 =	sshrl.u32 s11, $0x3;
	s0 =	sor.u32 $0x1C05, s0;
	s8 =	rddreg [dreg:$0x7]  }
0x1ad: {  	[hbm:s8], [sflag:s0] =	dma.local [spmem:s4], $0x2700  }
0x1ae: {  	_ =	swait.ge [sflag:s18], $0x2700  }
0x1af: {  	[sflag:s18] =	ssyncset.done $0x0  }
0x1b0: {  	s4 =	sshrl.u32 @!p0 s16, $0x3;
	s8 =	rddreg [dreg:$0x15];
	[sflag:s18] =	ssyncadd.s32 $0xFFFFD900  }
0x1b1: {  	[hbm:s8], [sflag:s0] =	dma.local @!p0 [spmem:s4], $0x100  }
0x1b2: {  	s0 =	simm.s32 @!p0 $0x5  }
0x1b3: {  	_ =	swait.ge @!p0 [sflag:s0], $0x100  }
0x1b4: {  	s25 =	sadd.s32 $0x1, s25;
	s31 =	rddreg [dreg:$0x16]  }
0x1b5: {  	p1 =	sne.s32 s25, s31  }
.Ltmp2:
0x1b6: {  	_ = 	snop;
	(pc) =	sbr.rel @p1 .LBB2_1-.Ltmp2, $3  }
0x1b7: {  	_ =	sdelay $0x1  }
0x1b8: {  	[sflag:s0] =	ssyncset.done @!p0 $0x0  }
0x1b9: {  	[sflag:s0] =	ssyncadd.s32 @!p0 $0xFFFFFF00  }
0x1ba: {  	_ =	sfence.sel $0x180000  }
0x1bb: {  	[bflag:$0x0] =	sbarrier.arrive $0xFFFF  }
0x1bc: {  	_ =	strace $0x90000047  }
0x1bd: {  	s0 =	stileid.u32;
	[bflag:$0x2] =	sbarrier.arrive $0xFFFF  }
0x1be: {  	p0 =	sne.s32 s0, $0x0;
	s0 =	rddreg [dreg:$0x4]  }
0x1bf: {  	s0 =	sadd.s32 @!p0 $0x100000, s0  }
0x1c0: {  	[sflag:s0] =	ssyncadd.tile.s32 @!p0 $0x1;
	_ =	shalt  }
.Lfunc_end2:
_tile_overlayer_lowered:
.L_overlay_start_2:
0x1c1: {  	(tag) =	ssettag $0x2  }
0x1c2: {  	s0 =	rddreg [dreg:$0x0];
	s2 =	stileid.u32  }
0x1c3: {  	s1 =	rddreg [dreg:$0x1];
	p0 =	sne.s32 s2, $0x0  }
0x1c4: {  	s3 =	rddreg [dreg:$0x2];
	[bflag:$0x3] =	sbarrier.arrive $0xFFFF;
	s2 =	simm.s32 @!p0 $0x1C05  }
0x1c5: {  	[timem:s3], [sflag:s2] =	dma.local @!p0 [hbm:s0], s1  }
0x1c6: {  	s0 =	simm.s32 @!p0 $0x5  }
0x1c7: {  	_ =	swait.ge @!p0 [sflag:s0], s1  }
0x1c8: {  	s1 =	ssub.s32 @!p0 $0x0, s1;
	[sflag:s0] =	ssyncset.done @!p0 $0x0  }
0x1c9: {  	[sflag:s0] =	ssyncadd.s32 @!p0 s1  }
0x1ca: {  	[bflag:$0x3] =	sbarrier.arrive $0xFFFF  }
0x1cb: {  	_ =	shalt  }

</sc_bundles>
